<compile_context>
chip_gen: v7x
topology: tpu7x:2x2x1
jax: 0.10.2.dev20260603
libtpu: 0.0.44.dev20260713+nightly
codegen_flags: <defaults>
</compile_context>

<pallas_src>
import functools

import jax
import jax.numpy as jnp
from jax import lax
from jax.experimental import pallas as pl
from jax.experimental.pallas import tpu as pltpu
from jax.experimental.pallas import tpu_sc as plsc

N = 10000
E = 320000
D = 128

NC = 2
NS = 16
K = 80
E_PER_TILE = E // (NC * NS)
NBATCH = E_PER_TILE // K
N_PAD = 10240
ROWS_PER_TILE = N_PAD // NS

_MESH = plsc.VectorSubcoreMesh(core_axis_name="c", subcore_axis_name="s")


NCHUNK = ROWS_PER_TILE // K


def _sc_agg_body(with_counts, *refs):
    if with_counts:
        (x_hbm, src_hbm, dst_hbm, z_hbm, z16_hbm, ones_hbm,
         acc_out, cnt_out,
         src_v, dst_v, rows_v, ones_v, z16_v,
         acc_sh, cnt_sh, sem) = refs
    else:
        (x_hbm, src_hbm, dst_hbm, z_hbm,
         acc_out,
         src_v, dst_v, rows_v,
         acc_sh, sem) = refs

    c = lax.axis_index("c")
    s = lax.axis_index("s")
    row0 = s * ROWS_PER_TILE

    pltpu.sync_copy(z_hbm, rows_v)
    for j in range(NCHUNK):
        pltpu.sync_copy(rows_v, acc_sh.at[pl.ds(row0 + j * K, K)])
    if with_counts:
        pltpu.sync_copy(z16_hbm, z16_v)
        for j in range(NCHUNK):
            pltpu.sync_copy(z16_v, cnt_sh.at[pl.ds(row0 + j * K, K)])
        pltpu.sync_copy(ones_hbm, ones_v)
    plsc.subcore_barrier()

    ebase = (c * NS + s) * E_PER_TILE

    def batch(i, carry):
        off = ebase + i * K
        pltpu.sync_copy(src_hbm.at[pl.ds(off, K)], src_v)
        pltpu.sync_copy(dst_hbm.at[pl.ds(off, K)], dst_v)
        pltpu.async_copy(x_hbm.at[src_v], rows_v, sem).wait()
        pltpu.sync_copy(rows_v, acc_sh.at[dst_v], add=True)
        if with_counts:
            pltpu.sync_copy(ones_v, cnt_sh.at[dst_v], add=True)
        return carry

    lax.fori_loop(0, NBATCH, batch, 0)
    plsc.subcore_barrier()

    for j in range(NCHUNK):
        pltpu.sync_copy(acc_sh.at[pl.ds(row0 + j * K, K)], rows_v)
        pltpu.sync_copy(rows_v, acc_out.at[c, pl.ds(row0 + j * K, K)])
    if with_counts:
        for j in range(NCHUNK):
            pltpu.sync_copy(cnt_sh.at[pl.ds(row0 + j * K, K)], z16_v)
            pltpu.sync_copy(z16_v, cnt_out.at[c, pl.ds(row0 + j * K, K)])


_sc_agg_counts = pl.kernel(
    functools.partial(_sc_agg_body, True),
    out_type=(
        jax.ShapeDtypeStruct((NC, N_PAD, D), jnp.float32),
        jax.ShapeDtypeStruct((NC, N_PAD, 16), jnp.float32),
    ),
    mesh=_MESH,
    scratch_types=[
        pltpu.VMEM((K,), jnp.int32),
        pltpu.VMEM((K,), jnp.int32),
        pltpu.VMEM((K, D), jnp.float32),
        pltpu.VMEM((K, 16), jnp.float32),
        pltpu.VMEM((K, 16), jnp.float32),
        pltpu.VMEM_SHARED((N_PAD, D), jnp.float32),
        pltpu.VMEM_SHARED((N_PAD, 16), jnp.float32),
        pltpu.SemaphoreType.DMA,
    ],
    compiler_params=pltpu.CompilerParams(use_tc_tiling_on_sc=False),
    name="sage_sc_agg_counts",
)

_sc_agg = pl.kernel(
    functools.partial(_sc_agg_body, False),
    out_type=jax.ShapeDtypeStruct((NC, N_PAD, D), jnp.float32),
    mesh=_MESH,
    scratch_types=[
        pltpu.VMEM((K,), jnp.int32),
        pltpu.VMEM((K,), jnp.int32),
        pltpu.VMEM((K, D), jnp.float32),
        pltpu.VMEM_SHARED((N_PAD, D), jnp.float32),
        pltpu.SemaphoreType.DMA,
    ],
    compiler_params=pltpu.CompilerParams(use_tc_tiling_on_sc=False),
    name="sage_sc_agg",
)


BLK = 1000


def _tc_dense_body(relu, acc_ref, cnt_ref, x_ref, wl_ref, wr_ref, b_ref,
                   out_ref):
    cnt = cnt_ref[0, :, 0:1] + cnt_ref[1, :, 0:1]
    mean = (acc_ref[0] + acc_ref[1]) / jnp.maximum(cnt, 1.0)
    r = jnp.dot(mean, wl_ref[...], preferred_element_type=jnp.float32)
    r = r + b_ref[...]
    r = r + jnp.dot(x_ref[...], wr_ref[...], preferred_element_type=jnp.float32)
    if relu:
        r = jnp.maximum(r, 0.0)
    out_ref[...] = r


def _tc_dense(accp, cntp, x, wl_t, wr_t, b, relu):
    return pl.pallas_call(
        functools.partial(_tc_dense_body, relu),
        grid=(N // BLK,),
        in_specs=[
            pl.BlockSpec((NC, BLK, D), lambda i: (0, i, 0)),
            pl.BlockSpec((NC, BLK, 16), lambda i: (0, i, 0)),
            pl.BlockSpec((BLK, D), lambda i: (i, 0)),
            pl.BlockSpec((D, D), lambda i: (0, 0)),
            pl.BlockSpec((D, D), lambda i: (0, 0)),
            pl.BlockSpec((1, D), lambda i: (0, 0)),
        ],
        out_specs=pl.BlockSpec((BLK, D), lambda i: (i, 0)),
        out_shape=jax.ShapeDtypeStruct((N, D), jnp.float32),
    )(accp, cntp, x, wl_t, wr_t, b)


def kernel(x, edge_index, W_l1, b_l1, W_r1, W_l2, b_l2, W_r2):
    src = edge_index[0]
    dst = edge_index[1]
    zeros_d = jnp.zeros((K, D), jnp.float32)
    zeros_16 = jnp.zeros((K, 16), jnp.float32)
    ones_k = jnp.ones((K, 16), jnp.float32)

    acc1, cnt = _sc_agg_counts(x, src, dst, zeros_d, zeros_16, ones_k)
    h = _tc_dense(acc1, cnt, x, W_l1.T, W_r1.T, b_l1[None, :], relu=True)
    acc2 = _sc_agg(h, src, dst, zeros_d)
    out = _tc_dense(acc2, cnt, h, W_l2.T, W_r2.T, b_l2[None, :], relu=False)
    return out

# --- scband reference (transcript-rebuilt; emitter-appended) ---
"""Pipeline reference for scband-graph-sage-7224134992217 (READ-ONLY COPY).

The authoritative reference and input builder live on the scoring server;
editing this copy changes nothing except your own understanding.
"""

import jax, jax.numpy as jnp
import numpy as np

N = 10000
E = 320000
D_IN = 128
D_HID = 128
D_OUT = 128


def setup_inputs(seed: int = 0) -> dict:
    key = jax.random.key(seed)
    ks = jax.random.split(key, 9)
    x = jax.random.normal(ks[0], (N, D_IN), dtype=jnp.float32)
    edge_index = jax.random.randint(ks[1], (2, E), 0, N, dtype=jnp.int32)
    s1 = 1.0 / np.sqrt(D_IN)
    s2 = 1.0 / np.sqrt(D_HID)
    W_l1 = jax.random.normal(ks[2], (D_HID, D_IN), dtype=jnp.float32) * s1
    b_l1 = jnp.zeros((D_HID,), dtype=jnp.float32)
    W_r1 = jax.random.normal(ks[3], (D_HID, D_IN), dtype=jnp.float32) * s1
    W_l2 = jax.random.normal(ks[4], (D_OUT, D_HID), dtype=jnp.float32) * s2
    b_l2 = jnp.zeros((D_OUT,), dtype=jnp.float32)
    W_r2 = jax.random.normal(ks[5], (D_OUT, D_HID), dtype=jnp.float32) * s2
    return {
        "x": x,
        "edge_index": edge_index,
        "W_l1": W_l1, "b_l1": b_l1, "W_r1": W_r1,
        "W_l2": W_l2, "b_l2": b_l2, "W_r2": W_r2,
    }


def _sage_conv(x, edge_index, W_l, b_l, W_r):
    # PyG SAGEConv with aggr='mean', root_weight=True, no normalize/project.
    src = edge_index[0]
    dst = edge_index[1]
    msgs = jnp.take(x, src, axis=0)  # x_j gather
    summed = jax.ops.segment_sum(msgs, dst, num_segments=x.shape[0])  # scatter-add
    cnt = jax.ops.segment_sum(
        jnp.ones((edge_index.shape[1],), dtype=x.dtype), dst, num_segments=x.shape[0]
    )
    mean = summed / jnp.maximum(cnt, 1.0)[:, None]
    out = mean @ W_l.T + b_l  # lin_l
    out = out + x @ W_r.T     # lin_r (root weight, no bias)
    return out


def reference(x, edge_index, W_l1, b_l1, W_r1, W_l2, b_l2, W_r2):
    h = _sage_conv(x, edge_index, W_l1, b_l1, W_r1)
    h = jax.nn.relu(h)
    out = _sage_conv(h, edge_index, W_l2, b_l2, W_r2)
    return out

if __name__ == "__main__":
    import jax
    _d = setup_inputs()
    print(jax.jit(kernel)(*tuple(_d.values())))

</pallas_src>

<mosaic_0001>
#map = affine_map<(d0, d1) -> (0, 0)>
#map1 = affine_map<(d0, d1) -> (0)>
#map2 = affine_map<(d0, d1) -> (0, 0, 0)>
module attributes {stable_mosaic.version = 14 : i64} {
  func.func @sage_sc_agg_counts(%arg0: i32, %arg1: i32, %arg2: memref<10000x128xf32, #tpu.memory_space<hbm>>, %arg3: memref<320000xi32, #tpu.memory_space<hbm>>, %arg4: memref<320000xi32, #tpu.memory_space<hbm>>, %arg5: memref<80x128xf32, #tpu.memory_space<hbm>>, %arg6: memref<80x16xf32, #tpu.memory_space<hbm>>, %arg7: memref<80x16xf32, #tpu.memory_space<hbm>>, %arg8: memref<2x10240x128xf32, #tpu.memory_space<hbm>>, %arg9: memref<2x10240x16xf32, #tpu.memory_space<hbm>>, %arg10: memref<80xi32, #tpu.memory_space<vmem>>, %arg11: memref<80xi32, #tpu.memory_space<vmem>>, %arg12: memref<80x128xf32, #tpu.memory_space<vmem>>, %arg13: memref<80x16xf32, #tpu.memory_space<vmem>>, %arg14: memref<80x16xf32, #tpu.memory_space<vmem>>, %arg15: memref<10240x128xf32, #tpu.memory_space<vmem_shared>>, %arg16: memref<10240x16xf32, #tpu.memory_space<vmem_shared>>, %arg17: memref<!tpu.dma_semaphore, #tpu.memory_space<semaphore_mem>>) attributes {dimension_semantics = [#tpu.dimension_semantics<core_parallel>, #tpu.dimension_semantics<subcore_parallel>], iteration_bounds = array<i64: 2, 16>, scalar_prefetch = 0 : i64, scratch_operands = 8 : i64, tpu.core_type = #tpu.core_type<sc_vector_subcore>, window_params = [{transform_indices = #map}, {transform_indices = #map1}, {transform_indices = #map1}, {transform_indices = #map}, {transform_indices = #map}, {transform_indices = #map}, {transform_indices = #map2}, {transform_indices = #map2}]} {
    %mul3A = arith.constant 640 : i32
    %mul3A_0 = arith.muli %arg1, %mul3A : i32
    "tpu.region"() ({
      %run_scoped3A = tpu.sem_alloc : memref<!tpu.dma_semaphore, #tpu.memory_space<semaphore_mem>>
      tpu.enqueue_dma source(%arg5 : memref<80x128xf32, #tpu.memory_space<hbm>>) target(%arg12 : memref<80x128xf32, #tpu.memory_space<vmem>>) target_semaphore(%run_scoped3A : memref<!tpu.dma_semaphore, #tpu.memory_space<semaphore_mem>>)
      tpu.wait_dma2 semaphore(%run_scoped3A : memref<!tpu.dma_semaphore, #tpu.memory_space<semaphore_mem>>) src(%arg5 : memref<80x128xf32, #tpu.memory_space<hbm>>) dst(%arg12 : memref<80x128xf32, #tpu.memory_space<vmem>>)
      tpu.yield
    }) : () -> ()
    %add3A = arith.constant 0 : i32
    %add3A_1 = arith.addi %mul3A_0, %add3A : i32
    "tpu.region"() ({
      %run_scoped3A = tpu.sem_alloc : memref<!tpu.dma_semaphore, #tpu.memory_space<semaphore_mem>>
      %dma_start3A = arith.constant 0 : i32
      %dma_start3A_107 = tpu.memref_slice %arg15[%add3A_1, %dma_start3A] : memref<10240x128xf32, #tpu.memory_space<vmem_shared>> -> memref<80x128xf32, #tpu.memory_space<vmem_shared>>
      %dma_start3A_108 = arith.constant 0 : i32
      %dma_start3A_109 = tpu.memref_slice %arg15[%add3A_1, %dma_start3A_108] : memref<10240x128xf32, #tpu.memory_space<vmem_shared>> -> memref<80x128xf32, #tpu.memory_space<vmem_shared>>
      tpu.enqueue_dma source(%arg12 : memref<80x128xf32, #tpu.memory_space<vmem>>) target(%dma_start3A_109 : memref<80x128xf32, #tpu.memory_space<vmem_shared>>) target_semaphore(%run_scoped3A : memref<!tpu.dma_semaphore, #tpu.memory_space<semaphore_mem>>)
      %dma_wait3A = arith.constant 0 : i32
      %dma_wait3A_110 = tpu.memref_slice %arg15[%add3A_1, %dma_wait3A] : memref<10240x128xf32, #tpu.memory_space<vmem_shared>> -> memref<80x128xf32, #tpu.memory_space<vmem_shared>>
      %dma_wait3A_111 = arith.constant 0 : i32
      %dma_wait3A_112 = tpu.memref_slice %arg15[%add3A_1, %dma_wait3A_111] : memref<10240x128xf32, #tpu.memory_space<vmem_shared>> -> memref<80x128xf32, #tpu.memory_space<vmem_shared>>
      tpu.wait_dma2 semaphore(%run_scoped3A : memref<!tpu.dma_semaphore, #tpu.memory_space<semaphore_mem>>) src(%arg12 : memref<80x128xf32, #tpu.memory_space<vmem>>) dst(%dma_wait3A_112 : memref<80x128xf32, #tpu.memory_space<vmem_shared>>)
      tpu.yield
    }) : () -> ()
    %add3A_2 = arith.constant 80 : i32
    %add3A_3 = arith.addi %mul3A_0, %add3A_2 : i32
    "tpu.region"() ({
      %run_scoped3A = tpu.sem_alloc : memref<!tpu.dma_semaphore, #tpu.memory_space<semaphore_mem>>
      %dma_start3A = arith.constant 0 : i32
      %dma_start3A_107 = tpu.memref_slice %arg15[%add3A_3, %dma_start3A] : memref<10240x128xf32, #tpu.memory_space<vmem_shared>> -> memref<80x128xf32, #tpu.memory_space<vmem_shared>>
      %dma_start3A_108 = arith.constant 0 : i32
      %dma_start3A_109 = tpu.memref_slice %arg15[%add3A_3, %dma_start3A_108] : memref<10240x128xf32, #tpu.memory_space<vmem_shared>> -> memref<80x128xf32, #tpu.memory_space<vmem_shared>>
      tpu.enqueue_dma source(%arg12 : memref<80x128xf32, #tpu.memory_space<vmem>>) target(%dma_start3A_109 : memref<80x128xf32, #tpu.memory_space<vmem_shared>>) target_semaphore(%run_scoped3A : memref<!tpu.dma_semaphore, #tpu.memory_space<semaphore_mem>>)
      %dma_wait3A = arith.constant 0 : i32
      %dma_wait3A_110 = tpu.memref_slice %arg15[%add3A_3, %dma_wait3A] : memref<10240x128xf32, #tpu.memory_space<vmem_shared>> -> memref<80x128xf32, #tpu.memory_space<vmem_shared>>
      %dma_wait3A_111 = arith.constant 0 : i32
      %dma_wait3A_112 = tpu.memref_slice %arg15[%add3A_3, %dma_wait3A_111] : memref<10240x128xf32, #tpu.memory_space<vmem_shared>> -> memref<80x128xf32, #tpu.memory_space<vmem_shared>>
      tpu.wait_dma2 semaphore(%run_scoped3A : memref<!tpu.dma_semaphore, #tpu.memory_space<semaphore_mem>>) src(%arg12 : memref<80x128xf32, #tpu.memory_space<vmem>>) dst(%dma_wait3A_112 : memref<80x128xf32, #tpu.memory_space<vmem_shared>>)
      tpu.yield
    }) : () -> ()
    %add3A_4 = arith.constant 160 : i32
    %add3A_5 = arith.addi %mul3A_0, %add3A_4 : i32
    "tpu.region"() ({
      %run_scoped3A = tpu.sem_alloc : memref<!tpu.dma_semaphore, #tpu.memory_space<semaphore_mem>>
      %dma_start3A = arith.constant 0 : i32
      %dma_start3A_107 = tpu.memref_slice %arg15[%add3A_5, %dma_start3A] : memref<10240x128xf32, #tpu.memory_space<vmem_shared>> -> memref<80x128xf32, #tpu.memory_space<vmem_shared>>
      %dma_start3A_108 = arith.constant 0 : i32
      %dma_start3A_109 = tpu.memref_slice %arg15[%add3A_5, %dma_start3A_108] : memref<10240x128xf32, #tpu.memory_space<vmem_shared>> -> memref<80x128xf32, #tpu.memory_space<vmem_shared>>
      tpu.enqueue_dma source(%arg12 : memref<80x128xf32, #tpu.memory_space<vmem>>) target(%dma_start3A_109 : memref<80x128xf32, #tpu.memory_space<vmem_shared>>) target_semaphore(%run_scoped3A : memref<!tpu.dma_semaphore, #tpu.memory_space<semaphore_mem>>)
      %dma_wait3A = arith.constant 0 : i32
      %dma_wait3A_110 = tpu.memref_slice %arg15[%add3A_5, %dma_wait3A] : memref<10240x128xf32, #tpu.memory_space<vmem_shared>> -> memref<80x128xf32, #tpu.memory_space<vmem_shared>>
      %dma_wait3A_111 = arith.constant 0 : i32
      %dma_wait3A_112 = tpu.memref_slice %arg15[%add3A_5, %dma_wait3A_111] : memref<10240x128xf32, #tpu.memory_space<vmem_shared>> -> memref<80x128xf32, #tpu.memory_space<vmem_shared>>
      tpu.wait_dma2 semaphore(%run_scoped3A : memref<!tpu.dma_semaphore, #tpu.memory_space<semaphore_mem>>) src(%arg12 : memref<80x128xf32, #tpu.memory_space<vmem>>) dst(%dma_wait3A_112 : memref<80x128xf32, #tpu.memory_space<vmem_shared>>)
      tpu.yield
    }) : () -> ()
    %add3A_6 = arith.constant 240 : i32
    %add3A_7 = arith.addi %mul3A_0, %add3A_6 : i32
    "tpu.region"() ({
      %run_scoped3A = tpu.sem_alloc : memref<!tpu.dma_semaphore, #tpu.memory_space<semaphore_mem>>
      %dma_start3A = arith.constant 0 : i32
      %dma_start3A_107 = tpu.memref_slice %arg15[%add3A_7, %dma_start3A] : memref<10240x128xf32, #tpu.memory_space<vmem_shared>> -> memref<80x128xf32, #tpu.memory_space<vmem_shared>>
      %dma_start3A_108 = arith.constant 0 : i32
      %dma_start3A_109 = tpu.memref_slice %arg15[%add3A_7, %dma_start3A_108] : memref<10240x128xf32, #tpu.memory_space<vmem_shared>> -> memref<80x128xf32, #tpu.memory_space<vmem_shared>>
      tpu.enqueue_dma source(%arg12 : memref<80x128xf32, #tpu.memory_space<vmem>>) target(%dma_start3A_109 : memref<80x128xf32, #tpu.memory_space<vmem_shared>>) target_semaphore(%run_scoped3A : memref<!tpu.dma_semaphore, #tpu.memory_space<semaphore_mem>>)
      %dma_wait3A = arith.constant 0 : i32
      %dma_wait3A_110 = tpu.memref_slice %arg15[%add3A_7, %dma_wait3A] : memref<10240x128xf32, #tpu.memory_space<vmem_shared>> -> memref<80x128xf32, #tpu.memory_space<vmem_shared>>
      %dma_wait3A_111 = arith.constant 0 : i32
      %dma_wait3A_112 = tpu.memref_slice %arg15[%add3A_7, %dma_wait3A_111] : memref<10240x128xf32, #tpu.memory_space<vmem_shared>> -> memref<80x128xf32, #tpu.memory_space<vmem_shared>>
      tpu.wait_dma2 semaphore(%run_scoped3A : memref<!tpu.dma_semaphore, #tpu.memory_space<semaphore_mem>>) src(%arg12 : memref<80x128xf32, #tpu.memory_space<vmem>>) dst(%dma_wait3A_112 : memref<80x128xf32, #tpu.memory_space<vmem_shared>>)
      tpu.yield
    }) : () -> ()
    %add3A_8 = arith.constant 320 : i32
    %add3A_9 = arith.addi %mul3A_0, %add3A_8 : i32
    "tpu.region"() ({
      %run_scoped3A = tpu.sem_alloc : memref<!tpu.dma_semaphore, #tpu.memory_space<semaphore_mem>>
      %dma_start3A = arith.constant 0 : i32
      %dma_start3A_107 = tpu.memref_slice %arg15[%add3A_9, %dma_start3A] : memref<10240x128xf32, #tpu.memory_space<vmem_shared>> -> memref<80x128xf32, #tpu.memory_space<vmem_shared>>
      %dma_start3A_108 = arith.constant 0 : i32
      %dma_start3A_109 = tpu.memref_slice %arg15[%add3A_9, %dma_start3A_108] : memref<10240x128xf32, #tpu.memory_space<vmem_shared>> -> memref<80x128xf32, #tpu.memory_space<vmem_shared>>
      tpu.enqueue_dma source(%arg12 : memref<80x128xf32, #tpu.memory_space<vmem>>) target(%dma_start3A_109 : memref<80x128xf32, #tpu.memory_space<vmem_shared>>) target_semaphore(%run_scoped3A : memref<!tpu.dma_semaphore, #tpu.memory_space<semaphore_mem>>)
      %dma_wait3A = arith.constant 0 : i32
      %dma_wait3A_110 = tpu.memref_slice %arg15[%add3A_9, %dma_wait3A] : memref<10240x128xf32, #tpu.memory_space<vmem_shared>> -> memref<80x128xf32, #tpu.memory_space<vmem_shared>>
      %dma_wait3A_111 = arith.constant 0 : i32
      %dma_wait3A_112 = tpu.memref_slice %arg15[%add3A_9, %dma_wait3A_111] : memref<10240x128xf32, #tpu.memory_space<vmem_shared>> -> memref<80x128xf32, #tpu.memory_space<vmem_shared>>
      tpu.wait_dma2 semaphore(%run_scoped3A : memref<!tpu.dma_semaphore, #tpu.memory_space<semaphore_mem>>) src(%arg12 : memref<80x128xf32, #tpu.memory_space<vmem>>) dst(%dma_wait3A_112 : memref<80x128xf32, #tpu.memory_space<vmem_shared>>)
      tpu.yield
    }) : () -> ()
    %add3A_10 = arith.constant 400 : i32
    %add3A_11 = arith.addi %mul3A_0, %add3A_10 : i32
    "tpu.region"() ({
      %run_scoped3A = tpu.sem_alloc : memref<!tpu.dma_semaphore, #tpu.memory_space<semaphore_mem>>
      %dma_start3A = arith.constant 0 : i32
      %dma_start3A_107 = tpu.memref_slice %arg15[%add3A_11, %dma_start3A] : memref<10240x128xf32, #tpu.memory_space<vmem_shared>> -> memref<80x128xf32, #tpu.memory_space<vmem_shared>>
      %dma_start3A_108 = arith.constant 0 : i32
      %dma_start3A_109 = tpu.memref_slice %arg15[%add3A_11, %dma_start3A_108] : memref<10240x128xf32, #tpu.memory_space<vmem_shared>> -> memref<80x128xf32, #tpu.memory_space<vmem_shared>>
      tpu.enqueue_dma source(%arg12 : memref<80x128xf32, #tpu.memory_space<vmem>>) target(%dma_start3A_109 : memref<80x128xf32, #tpu.memory_space<vmem_shared>>) target_semaphore(%run_scoped3A : memref<!tpu.dma_semaphore, #tpu.memory_space<semaphore_mem>>)
      %dma_wait3A = arith.constant 0 : i32
      %dma_wait3A_110 = tpu.memref_slice %arg15[%add3A_11, %dma_wait3A] : memref<10240x128xf32, #tpu.memory_space<vmem_shared>> -> memref<80x128xf32, #tpu.memory_space<vmem_shared>>
      %dma_wait3A_111 = arith.constant 0 : i32
      %dma_wait3A_112 = tpu.memref_slice %arg15[%add3A_11, %dma_wait3A_111] : memref<10240x128xf32, #tpu.memory_space<vmem_shared>> -> memref<80x128xf32, #tpu.memory_space<vmem_shared>>
      tpu.wait_dma2 semaphore(%run_scoped3A : memref<!tpu.dma_semaphore, #tpu.memory_space<semaphore_mem>>) src(%arg12 : memref<80x128xf32, #tpu.memory_space<vmem>>) dst(%dma_wait3A_112 : memref<80x128xf32, #tpu.memory_space<vmem_shared>>)
      tpu.yield
    }) : () -> ()
    %add3A_12 = arith.constant 480 : i32
    %add3A_13 = arith.addi %mul3A_0, %add3A_12 : i32
    "tpu.region"() ({
      %run_scoped3A = tpu.sem_alloc : memref<!tpu.dma_semaphore, #tpu.memory_space<semaphore_mem>>
      %dma_start3A = arith.constant 0 : i32
      %dma_start3A_107 = tpu.memref_slice %arg15[%add3A_13, %dma_start3A] : memref<10240x128xf32, #tpu.memory_space<vmem_shared>> -> memref<80x128xf32, #tpu.memory_space<vmem_shared>>
      %dma_start3A_108 = arith.constant 0 : i32
      %dma_start3A_109 = tpu.memref_slice %arg15[%add3A_13, %dma_start3A_108] : memref<10240x128xf32, #tpu.memory_space<vmem_shared>> -> memref<80x128xf32, #tpu.memory_space<vmem_shared>>
      tpu.enqueue_dma source(%arg12 : memref<80x128xf32, #tpu.memory_space<vmem>>) target(%dma_start3A_109 : memref<80x128xf32, #tpu.memory_space<vmem_shared>>) target_semaphore(%run_scoped3A : memref<!tpu.dma_semaphore, #tpu.memory_space<semaphore_mem>>)
      %dma_wait3A = arith.constant 0 : i32
      %dma_wait3A_110 = tpu.memref_slice %arg15[%add3A_13, %dma_wait3A] : memref<10240x128xf32, #tpu.memory_space<vmem_shared>> -> memref<80x128xf32, #tpu.memory_space<vmem_shared>>
      %dma_wait3A_111 = arith.constant 0 : i32
      %dma_wait3A_112 = tpu.memref_slice %arg15[%add3A_13, %dma_wait3A_111] : memref<10240x128xf32, #tpu.memory_space<vmem_shared>> -> memref<80x128xf32, #tpu.memory_space<vmem_shared>>
      tpu.wait_dma2 semaphore(%run_scoped3A : memref<!tpu.dma_semaphore, #tpu.memory_space<semaphore_mem>>) src(%arg12 : memref<80x128xf32, #tpu.memory_space<vmem>>) dst(%dma_wait3A_112 : memref<80x128xf32, #tpu.memory_space<vmem_shared>>)
      tpu.yield
    }) : () -> ()
    %add3A_14 = arith.constant 560 : i32
    %add3A_15 = arith.addi %mul3A_0, %add3A_14 : i32
    "tpu.region"() ({
      %run_scoped3A = tpu.sem_alloc : memref<!tpu.dma_semaphore, #tpu.memory_space<semaphore_mem>>
      %dma_start3A = arith.constant 0 : i32
      %dma_start3A_107 = tpu.memref_slice %arg15[%add3A_15, %dma_start3A] : memref<10240x128xf32, #tpu.memory_space<vmem_shared>> -> memref<80x128xf32, #tpu.memory_space<vmem_shared>>
      %dma_start3A_108 = arith.constant 0 : i32
      %dma_start3A_109 = tpu.memref_slice %arg15[%add3A_15, %dma_start3A_108] : memref<10240x128xf32, #tpu.memory_space<vmem_shared>> -> memref<80x128xf32, #tpu.memory_space<vmem_shared>>
      tpu.enqueue_dma source(%arg12 : memref<80x128xf32, #tpu.memory_space<vmem>>) target(%dma_start3A_109 : memref<80x128xf32, #tpu.memory_space<vmem_shared>>) target_semaphore(%run_scoped3A : memref<!tpu.dma_semaphore, #tpu.memory_space<semaphore_mem>>)
      %dma_wait3A = arith.constant 0 : i32
      %dma_wait3A_110 = tpu.memref_slice %arg15[%add3A_15, %dma_wait3A] : memref<10240x128xf32, #tpu.memory_space<vmem_shared>> -> memref<80x128xf32, #tpu.memory_space<vmem_shared>>
      %dma_wait3A_111 = arith.constant 0 : i32
      %dma_wait3A_112 = tpu.memref_slice %arg15[%add3A_15, %dma_wait3A_111] : memref<10240x128xf32, #tpu.memory_space<vmem_shared>> -> memref<80x128xf32, #tpu.memory_space<vmem_shared>>
      tpu.wait_dma2 semaphore(%run_scoped3A : memref<!tpu.dma_semaphore, #tpu.memory_space<semaphore_mem>>) src(%arg12 : memref<80x128xf32, #tpu.memory_space<vmem>>) dst(%dma_wait3A_112 : memref<80x128xf32, #tpu.memory_space<vmem_shared>>)
      tpu.yield
    }) : () -> ()
    "tpu.region"() ({
      %run_scoped3A = tpu.sem_alloc : memref<!tpu.dma_semaphore, #tpu.memory_space<semaphore_mem>>
      tpu.enqueue_dma source(%arg6 : memref<80x16xf32, #tpu.memory_space<hbm>>) target(%arg14 : memref<80x16xf32, #tpu.memory_space<vmem>>) target_semaphore(%run_scoped3A : memref<!tpu.dma_semaphore, #tpu.memory_space<semaphore_mem>>)
      tpu.wait_dma2 semaphore(%run_scoped3A : memref<!tpu.dma_semaphore, #tpu.memory_space<semaphore_mem>>) src(%arg6 : memref<80x16xf32, #tpu.memory_space<hbm>>) dst(%arg14 : memref<80x16xf32, #tpu.memory_space<vmem>>)
      tpu.yield
    }) : () -> ()
    %add3A_16 = arith.constant 0 : i32
    %add3A_17 = arith.addi %mul3A_0, %add3A_16 : i32
    "tpu.region"() ({
      %run_scoped3A = tpu.sem_alloc : memref<!tpu.dma_semaphore, #tpu.memory_space<semaphore_mem>>
      %dma_start3A = arith.constant 0 : i32
      %dma_start3A_107 = tpu.memref_slice %arg16[%add3A_17, %dma_start3A] : memref<10240x16xf32, #tpu.memory_space<vmem_shared>> -> memref<80x16xf32, #tpu.memory_space<vmem_shared>>
      %dma_start3A_108 = arith.constant 0 : i32
      %dma_start3A_109 = tpu.memref_slice %arg16[%add3A_17, %dma_start3A_108] : memref<10240x16xf32, #tpu.memory_space<vmem_shared>> -> memref<80x16xf32, #tpu.memory_space<vmem_shared>>
      tpu.enqueue_dma source(%arg14 : memref<80x16xf32, #tpu.memory_space<vmem>>) target(%dma_start3A_109 : memref<80x16xf32, #tpu.memory_space<vmem_shared>>) target_semaphore(%run_scoped3A : memref<!tpu.dma_semaphore, #tpu.memory_space<semaphore_mem>>)
      %dma_wait3A = arith.constant 0 : i32
      %dma_wait3A_110 = tpu.memref_slice %arg16[%add3A_17, %dma_wait3A] : memref<10240x16xf32, #tpu.memory_space<vmem_shared>> -> memref<80x16xf32, #tpu.memory_space<vmem_shared>>
      %dma_wait3A_111 = arith.constant 0 : i32
      %dma_wait3A_112 = tpu.memref_slice %arg16[%add3A_17, %dma_wait3A_111] : memref<10240x16xf32, #tpu.memory_space<vmem_shared>> -> memref<80x16xf32, #tpu.memory_space<vmem_shared>>
      tpu.wait_dma2 semaphore(%run_scoped3A : memref<!tpu.dma_semaphore, #tpu.memory_space<semaphore_mem>>) src(%arg14 : memref<80x16xf32, #tpu.memory_space<vmem>>) dst(%dma_wait3A_112 : memref<80x16xf32, #tpu.memory_space<vmem_shared>>)
      tpu.yield
    }) : () -> ()
    %add3A_18 = arith.constant 80 : i32
    %add3A_19 = arith.addi %mul3A_0, %add3A_18 : i32
    "tpu.region"() ({
      %run_scoped3A = tpu.sem_alloc : memref<!tpu.dma_semaphore, #tpu.memory_space<semaphore_mem>>
      %dma_start3A = arith.constant 0 : i32
      %dma_start3A_107 = tpu.memref_slice %arg16[%add3A_19, %dma_start3A] : memref<10240x16xf32, #tpu.memory_space<vmem_shared>> -> memref<80x16xf32, #tpu.memory_space<vmem_shared>>
      %dma_start3A_108 = arith.constant 0 : i32
      %dma_start3A_109 = tpu.memref_slice %arg16[%add3A_19, %dma_start3A_108] : memref<10240x16xf32, #tpu.memory_space<vmem_shared>> -> memref<80x16xf32, #tpu.memory_space<vmem_shared>>
      tpu.enqueue_dma source(%arg14 : memref<80x16xf32, #tpu.memory_space<vmem>>) target(%dma_start3A_109 : memref<80x16xf32, #tpu.memory_space<vmem_shared>>) target_semaphore(%run_scoped3A : memref<!tpu.dma_semaphore, #tpu.memory_space<semaphore_mem>>)
      %dma_wait3A = arith.constant 0 : i32
      %dma_wait3A_110 = tpu.memref_slice %arg16[%add3A_19, %dma_wait3A] : memref<10240x16xf32, #tpu.memory_space<vmem_shared>> -> memref<80x16xf32, #tpu.memory_space<vmem_shared>>
      %dma_wait3A_111 = arith.constant 0 : i32
      %dma_wait3A_112 = tpu.memref_slice %arg16[%add3A_19, %dma_wait3A_111] : memref<10240x16xf32, #tpu.memory_space<vmem_shared>> -> memref<80x16xf32, #tpu.memory_space<vmem_shared>>
      tpu.wait_dma2 semaphore(%run_scoped3A : memref<!tpu.dma_semaphore, #tpu.memory_space<semaphore_mem>>) src(%arg14 : memref<80x16xf32, #tpu.memory_space<vmem>>) dst(%dma_wait3A_112 : memref<80x16xf32, #tpu.memory_space<vmem_shared>>)
      tpu.yield
    }) : () -> ()
    %add3A_20 = arith.constant 160 : i32
    %add3A_21 = arith.addi %mul3A_0, %add3A_20 : i32
    "tpu.region"() ({
      %run_scoped3A = tpu.sem_alloc : memref<!tpu.dma_semaphore, #tpu.memory_space<semaphore_mem>>
      %dma_start3A = arith.constant 0 : i32
      %dma_start3A_107 = tpu.memref_slice %arg16[%add3A_21, %dma_start3A] : memref<10240x16xf32, #tpu.memory_space<vmem_shared>> -> memref<80x16xf32, #tpu.memory_space<vmem_shared>>
      %dma_start3A_108 = arith.constant 0 : i32
      %dma_start3A_109 = tpu.memref_slice %arg16[%add3A_21, %dma_start3A_108] : memref<10240x16xf32, #tpu.memory_space<vmem_shared>> -> memref<80x16xf32, #tpu.memory_space<vmem_shared>>
      tpu.enqueue_dma source(%arg14 : memref<80x16xf32, #tpu.memory_space<vmem>>) target(%dma_start3A_109 : memref<80x16xf32, #tpu.memory_space<vmem_shared>>) target_semaphore(%run_scoped3A : memref<!tpu.dma_semaphore, #tpu.memory_space<semaphore_mem>>)
      %dma_wait3A = arith.constant 0 : i32
      %dma_wait3A_110 = tpu.memref_slice %arg16[%add3A_21, %dma_wait3A] : memref<10240x16xf32, #tpu.memory_space<vmem_shared>> -> memref<80x16xf32, #tpu.memory_space<vmem_shared>>
      %dma_wait3A_111 = arith.constant 0 : i32
      %dma_wait3A_112 = tpu.memref_slice %arg16[%add3A_21, %dma_wait3A_111] : memref<10240x16xf32, #tpu.memory_space<vmem_shared>> -> memref<80x16xf32, #tpu.memory_space<vmem_shared>>
      tpu.wait_dma2 semaphore(%run_scoped3A : memref<!tpu.dma_semaphore, #tpu.memory_space<semaphore_mem>>) src(%arg14 : memref<80x16xf32, #tpu.memory_space<vmem>>) dst(%dma_wait3A_112 : memref<80x16xf32, #tpu.memory_space<vmem_shared>>)
      tpu.yield
    }) : () -> ()
    %add3A_22 = arith.constant 240 : i32
    %add3A_23 = arith.addi %mul3A_0, %add3A_22 : i32
    "tpu.region"() ({
      %run_scoped3A = tpu.sem_alloc : memref<!tpu.dma_semaphore, #tpu.memory_space<semaphore_mem>>
      %dma_start3A = arith.constant 0 : i32
      %dma_start3A_107 = tpu.memref_slice %arg16[%add3A_23, %dma_start3A] : memref<10240x16xf32, #tpu.memory_space<vmem_shared>> -> memref<80x16xf32, #tpu.memory_space<vmem_shared>>
      %dma_start3A_108 = arith.constant 0 : i32
      %dma_start3A_109 = tpu.memref_slice %arg16[%add3A_23, %dma_start3A_108] : memref<10240x16xf32, #tpu.memory_space<vmem_shared>> -> memref<80x16xf32, #tpu.memory_space<vmem_shared>>
      tpu.enqueue_dma source(%arg14 : memref<80x16xf32, #tpu.memory_space<vmem>>) target(%dma_start3A_109 : memref<80x16xf32, #tpu.memory_space<vmem_shared>>) target_semaphore(%run_scoped3A : memref<!tpu.dma_semaphore, #tpu.memory_space<semaphore_mem>>)
      %dma_wait3A = arith.constant 0 : i32
      %dma_wait3A_110 = tpu.memref_slice %arg16[%add3A_23, %dma_wait3A] : memref<10240x16xf32, #tpu.memory_space<vmem_shared>> -> memref<80x16xf32, #tpu.memory_space<vmem_shared>>
      %dma_wait3A_111 = arith.constant 0 : i32
      %dma_wait3A_112 = tpu.memref_slice %arg16[%add3A_23, %dma_wait3A_111] : memref<10240x16xf32, #tpu.memory_space<vmem_shared>> -> memref<80x16xf32, #tpu.memory_space<vmem_shared>>
      tpu.wait_dma2 semaphore(%run_scoped3A : memref<!tpu.dma_semaphore, #tpu.memory_space<semaphore_mem>>) src(%arg14 : memref<80x16xf32, #tpu.memory_space<vmem>>) dst(%dma_wait3A_112 : memref<80x16xf32, #tpu.memory_space<vmem_shared>>)
      tpu.yield
    }) : () -> ()
    %add3A_24 = arith.constant 320 : i32
    %add3A_25 = arith.addi %mul3A_0, %add3A_24 : i32
    "tpu.region"() ({
      %run_scoped3A = tpu.sem_alloc : memref<!tpu.dma_semaphore, #tpu.memory_space<semaphore_mem>>
      %dma_start3A = arith.constant 0 : i32
      %dma_start3A_107 = tpu.memref_slice %arg16[%add3A_25, %dma_start3A] : memref<10240x16xf32, #tpu.memory_space<vmem_shared>> -> memref<80x16xf32, #tpu.memory_space<vmem_shared>>
      %dma_start3A_108 = arith.constant 0 : i32
      %dma_start3A_109 = tpu.memref_slice %arg16[%add3A_25, %dma_start3A_108] : memref<10240x16xf32, #tpu.memory_space<vmem_shared>> -> memref<80x16xf32, #tpu.memory_space<vmem_shared>>
      tpu.enqueue_dma source(%arg14 : memref<80x16xf32, #tpu.memory_space<vmem>>) target(%dma_start3A_109 : memref<80x16xf32, #tpu.memory_space<vmem_shared>>) target_semaphore(%run_scoped3A : memref<!tpu.dma_semaphore, #tpu.memory_space<semaphore_mem>>)
      %dma_wait3A = arith.constant 0 : i32
      %dma_wait3A_110 = tpu.memref_slice %arg16[%add3A_25, %dma_wait3A] : memref<10240x16xf32, #tpu.memory_space<vmem_shared>> -> memref<80x16xf32, #tpu.memory_space<vmem_shared>>
      %dma_wait3A_111 = arith.constant 0 : i32
      %dma_wait3A_112 = tpu.memref_slice %arg16[%add3A_25, %dma_wait3A_111] : memref<10240x16xf32, #tpu.memory_space<vmem_shared>> -> memref<80x16xf32, #tpu.memory_space<vmem_shared>>
      tpu.wait_dma2 semaphore(%run_scoped3A : memref<!tpu.dma_semaphore, #tpu.memory_space<semaphore_mem>>) src(%arg14 : memref<80x16xf32, #tpu.memory_space<vmem>>) dst(%dma_wait3A_112 : memref<80x16xf32, #tpu.memory_space<vmem_shared>>)
      tpu.yield
    }) : () -> ()
    %add3A_26 = arith.constant 400 : i32
    %add3A_27 = arith.addi %mul3A_0, %add3A_26 : i32
    "tpu.region"() ({
      %run_scoped3A = tpu.sem_alloc : memref<!tpu.dma_semaphore, #tpu.memory_space<semaphore_mem>>
      %dma_start3A = arith.constant 0 : i32
      %dma_start3A_107 = tpu.memref_slice %arg16[%add3A_27, %dma_start3A] : memref<10240x16xf32, #tpu.memory_space<vmem_shared>> -> memref<80x16xf32, #tpu.memory_space<vmem_shared>>
      %dma_start3A_108 = arith.constant 0 : i32
      %dma_start3A_109 = tpu.memref_slice %arg16[%add3A_27, %dma_start3A_108] : memref<10240x16xf32, #tpu.memory_space<vmem_shared>> -> memref<80x16xf32, #tpu.memory_space<vmem_shared>>
      tpu.enqueue_dma source(%arg14 : memref<80x16xf32, #tpu.memory_space<vmem>>) target(%dma_start3A_109 : memref<80x16xf32, #tpu.memory_space<vmem_shared>>) target_semaphore(%run_scoped3A : memref<!tpu.dma_semaphore, #tpu.memory_space<semaphore_mem>>)
      %dma_wait3A = arith.constant 0 : i32
      %dma_wait3A_110 = tpu.memref_slice %arg16[%add3A_27, %dma_wait3A] : memref<10240x16xf32, #tpu.memory_space<vmem_shared>> -> memref<80x16xf32, #tpu.memory_space<vmem_shared>>
      %dma_wait3A_111 = arith.constant 0 : i32
      %dma_wait3A_112 = tpu.memref_slice %arg16[%add3A_27, %dma_wait3A_111] : memref<10240x16xf32, #tpu.memory_space<vmem_shared>> -> memref<80x16xf32, #tpu.memory_space<vmem_shared>>
      tpu.wait_dma2 semaphore(%run_scoped3A : memref<!tpu.dma_semaphore, #tpu.memory_space<semaphore_mem>>) src(%arg14 : memref<80x16xf32, #tpu.memory_space<vmem>>) dst(%dma_wait3A_112 : memref<80x16xf32, #tpu.memory_space<vmem_shared>>)
      tpu.yield
    }) : () -> ()
    %add3A_28 = arith.constant 480 : i32
    %add3A_29 = arith.addi %mul3A_0, %add3A_28 : i32
    "tpu.region"() ({
      %run_scoped3A = tpu.sem_alloc : memref<!tpu.dma_semaphore, #tpu.memory_space<semaphore_mem>>
      %dma_start3A = arith.constant 0 : i32
      %dma_start3A_107 = tpu.memref_slice %arg16[%add3A_29, %dma_start3A] : memref<10240x16xf32, #tpu.memory_space<vmem_shared>> -> memref<80x16xf32, #tpu.memory_space<vmem_shared>>
      %dma_start3A_108 = arith.constant 0 : i32
      %dma_start3A_109 = tpu.memref_slice %arg16[%add3A_29, %dma_start3A_108] : memref<10240x16xf32, #tpu.memory_space<vmem_shared>> -> memref<80x16xf32, #tpu.memory_space<vmem_shared>>
      tpu.enqueue_dma source(%arg14 : memref<80x16xf32, #tpu.memory_space<vmem>>) target(%dma_start3A_109 : memref<80x16xf32, #tpu.memory_space<vmem_shared>>) target_semaphore(%run_scoped3A : memref<!tpu.dma_semaphore, #tpu.memory_space<semaphore_mem>>)
      %dma_wait3A = arith.constant 0 : i32
      %dma_wait3A_110 = tpu.memref_slice %arg16[%add3A_29, %dma_wait3A] : memref<10240x16xf32, #tpu.memory_space<vmem_shared>> -> memref<80x16xf32, #tpu.memory_space<vmem_shared>>
      %dma_wait3A_111 = arith.constant 0 : i32
      %dma_wait3A_112 = tpu.memref_slice %arg16[%add3A_29, %dma_wait3A_111] : memref<10240x16xf32, #tpu.memory_space<vmem_shared>> -> memref<80x16xf32, #tpu.memory_space<vmem_shared>>
      tpu.wait_dma2 semaphore(%run_scoped3A : memref<!tpu.dma_semaphore, #tpu.memory_space<semaphore_mem>>) src(%arg14 : memref<80x16xf32, #tpu.memory_space<vmem>>) dst(%dma_wait3A_112 : memref<80x16xf32, #tpu.memory_space<vmem_shared>>)
      tpu.yield
    }) : () -> ()
    %add3A_30 = arith.constant 560 : i32
    %add3A_31 = arith.addi %mul3A_0, %add3A_30 : i32
    "tpu.region"() ({
      %run_scoped3A = tpu.sem_alloc : memref<!tpu.dma_semaphore, #tpu.memory_space<semaphore_mem>>
      %dma_start3A = arith.constant 0 : i32
      %dma_start3A_107 = tpu.memref_slice %arg16[%add3A_31, %dma_start3A] : memref<10240x16xf32, #tpu.memory_space<vmem_shared>> -> memref<80x16xf32, #tpu.memory_space<vmem_shared>>
      %dma_start3A_108 = arith.constant 0 : i32
      %dma_start3A_109 = tpu.memref_slice %arg16[%add3A_31, %dma_start3A_108] : memref<10240x16xf32, #tpu.memory_space<vmem_shared>> -> memref<80x16xf32, #tpu.memory_space<vmem_shared>>
      tpu.enqueue_dma source(%arg14 : memref<80x16xf32, #tpu.memory_space<vmem>>) target(%dma_start3A_109 : memref<80x16xf32, #tpu.memory_space<vmem_shared>>) target_semaphore(%run_scoped3A : memref<!tpu.dma_semaphore, #tpu.memory_space<semaphore_mem>>)
      %dma_wait3A = arith.constant 0 : i32
      %dma_wait3A_110 = tpu.memref_slice %arg16[%add3A_31, %dma_wait3A] : memref<10240x16xf32, #tpu.memory_space<vmem_shared>> -> memref<80x16xf32, #tpu.memory_space<vmem_shared>>
      %dma_wait3A_111 = arith.constant 0 : i32
      %dma_wait3A_112 = tpu.memref_slice %arg16[%add3A_31, %dma_wait3A_111] : memref<10240x16xf32, #tpu.memory_space<vmem_shared>> -> memref<80x16xf32, #tpu.memory_space<vmem_shared>>
      tpu.wait_dma2 semaphore(%run_scoped3A : memref<!tpu.dma_semaphore, #tpu.memory_space<semaphore_mem>>) src(%arg14 : memref<80x16xf32, #tpu.memory_space<vmem>>) dst(%dma_wait3A_112 : memref<80x16xf32, #tpu.memory_space<vmem_shared>>)
      tpu.yield
    }) : () -> ()
    "tpu.region"() ({
      %run_scoped3A = tpu.sem_alloc : memref<!tpu.dma_semaphore, #tpu.memory_space<semaphore_mem>>
      tpu.enqueue_dma source(%arg7 : memref<80x16xf32, #tpu.memory_space<hbm>>) target(%arg13 : memref<80x16xf32, #tpu.memory_space<vmem>>) target_semaphore(%run_scoped3A : memref<!tpu.dma_semaphore, #tpu.memory_space<semaphore_mem>>)
      tpu.wait_dma2 semaphore(%run_scoped3A : memref<!tpu.dma_semaphore, #tpu.memory_space<semaphore_mem>>) src(%arg7 : memref<80x16xf32, #tpu.memory_space<hbm>>) dst(%arg13 : memref<80x16xf32, #tpu.memory_space<vmem>>)
      tpu.yield
    }) : () -> ()
    %barrier3A = arith.constant 0 : index
    tpu.barrier barrier_id(%barrier3A)
    %mul3A_32 = arith.constant 16 : i32
    %mul3A_33 = arith.muli %arg0, %mul3A_32 : i32
    %add3A_34 = arith.addi %mul3A_33, %arg1 : i32
    %mul3A_35 = arith.constant 10000 : i32
    %mul3A_36 = arith.muli %add3A_34, %mul3A_35 : i32
    %scan3A = arith.constant 0 : i32
    %scan3A_37 = arith.constant 0 : i32
    %scan3A_38 = arith.constant 125 : i32
    %scan3A_39 = arith.addi %scan3A_37, %scan3A_38 : i32
    %scan3A_40 = arith.constant 1 : i32
    scf.for %scan3A_107 = %scan3A_37 to %scan3A_39 step %scan3A_40  : i32 {
      %mul3A_108 = arith.constant 80 : i32
      %mul3A_109 = arith.muli %scan3A_107, %mul3A_108 : i32
      %add3A_110 = arith.addi %mul3A_36, %mul3A_109 : i32
      "tpu.region"() ({
        %run_scoped3A = tpu.sem_alloc : memref<!tpu.dma_semaphore, #tpu.memory_space<semaphore_mem>>
        %dma_start3A_115 = tpu.memref_slice %arg3[%add3A_110] : memref<320000xi32, #tpu.memory_space<hbm>> -> memref<80xi32, #tpu.memory_space<hbm>>
        %dma_start3A_116 = tpu.memref_slice %arg3[%add3A_110] : memref<320000xi32, #tpu.memory_space<hbm>> -> memref<80xi32, #tpu.memory_space<hbm>>
        tpu.enqueue_dma source(%dma_start3A_116 : memref<80xi32, #tpu.memory_space<hbm>>) target(%arg10 : memref<80xi32, #tpu.memory_space<vmem>>) target_semaphore(%run_scoped3A : memref<!tpu.dma_semaphore, #tpu.memory_space<semaphore_mem>>)
        %dma_wait3A_117 = tpu.memref_slice %arg3[%add3A_110] : memref<320000xi32, #tpu.memory_space<hbm>> -> memref<80xi32, #tpu.memory_space<hbm>>
        %dma_wait3A_118 = tpu.memref_slice %arg3[%add3A_110] : memref<320000xi32, #tpu.memory_space<hbm>> -> memref<80xi32, #tpu.memory_space<hbm>>
        tpu.wait_dma2 semaphore(%run_scoped3A : memref<!tpu.dma_semaphore, #tpu.memory_space<semaphore_mem>>) src(%dma_wait3A_118 : memref<80xi32, #tpu.memory_space<hbm>>) dst(%arg10 : memref<80xi32, #tpu.memory_space<vmem>>)
        tpu.yield
      }) : () -> ()
      "tpu.region"() ({
        %run_scoped3A = tpu.sem_alloc : memref<!tpu.dma_semaphore, #tpu.memory_space<semaphore_mem>>
        %dma_start3A_115 = tpu.memref_slice %arg4[%add3A_110] : memref<320000xi32, #tpu.memory_space<hbm>> -> memref<80xi32, #tpu.memory_space<hbm>>
        %dma_start3A_116 = tpu.memref_slice %arg4[%add3A_110] : memref<320000xi32, #tpu.memory_space<hbm>> -> memref<80xi32, #tpu.memory_space<hbm>>
        tpu.enqueue_dma source(%dma_start3A_116 : memref<80xi32, #tpu.memory_space<hbm>>) target(%arg11 : memref<80xi32, #tpu.memory_space<vmem>>) target_semaphore(%run_scoped3A : memref<!tpu.dma_semaphore, #tpu.memory_space<semaphore_mem>>)
        %dma_wait3A_117 = tpu.memref_slice %arg4[%add3A_110] : memref<320000xi32, #tpu.memory_space<hbm>> -> memref<80xi32, #tpu.memory_space<hbm>>
        %dma_wait3A_118 = tpu.memref_slice %arg4[%add3A_110] : memref<320000xi32, #tpu.memory_space<hbm>> -> memref<80xi32, #tpu.memory_space<hbm>>
        tpu.wait_dma2 semaphore(%run_scoped3A : memref<!tpu.dma_semaphore, #tpu.memory_space<semaphore_mem>>) src(%dma_wait3A_118 : memref<80xi32, #tpu.memory_space<hbm>>) dst(%arg11 : memref<80xi32, #tpu.memory_space<vmem>>)
        tpu.yield
      }) : () -> ()
      %dma_start3A = arith.constant 0 : i32
      %dma_start3A_111 = arith.constant 0 : i32
      %dma_start3A_112 = tpu.memref_slice %arg2[%dma_start3A, %dma_start3A_111] : memref<10000x128xf32, #tpu.memory_space<hbm>> -> memref<10000x128xf32, #tpu.memory_space<hbm>>
      tpu.enqueue_indirect_dma source(%dma_start3A_112 : memref<10000x128xf32, #tpu.memory_space<hbm>>) target(%arg12 : memref<80x128xf32, #tpu.memory_space<vmem>>) offsets(%arg10 : memref<80xi32, #tpu.memory_space<vmem>>) semaphore(%arg17 : memref<!tpu.dma_semaphore, #tpu.memory_space<semaphore_mem>>)
      %dma_wait3A = arith.constant 0 : i32
      %dma_wait3A_113 = arith.constant 0 : i32
      %dma_wait3A_114 = tpu.memref_slice %arg2[%dma_wait3A, %dma_wait3A_113] : memref<10000x128xf32, #tpu.memory_space<hbm>> -> memref<10000x128xf32, #tpu.memory_space<hbm>>
      tpu.wait_indirect_dma semaphore(%arg17 : memref<!tpu.dma_semaphore, #tpu.memory_space<semaphore_mem>>) src(%dma_wait3A_114 : memref<10000x128xf32, #tpu.memory_space<hbm>>) dst(%arg12 : memref<80x128xf32, #tpu.memory_space<vmem>>)
      "tpu.region"() ({
        %run_scoped3A = tpu.sem_alloc : memref<!tpu.dma_semaphore, #tpu.memory_space<semaphore_mem>>
        %dma_start3A_115 = arith.constant 0 : i32
        %dma_start3A_116 = arith.constant 0 : i32
        %dma_start3A_117 = tpu.memref_slice %arg15[%dma_start3A_115, %dma_start3A_116] : memref<10240x128xf32, #tpu.memory_space<vmem_shared>> -> memref<10240x128xf32, #tpu.memory_space<vmem_shared>>
        tpu.enqueue_indirect_dma source(%arg12 : memref<80x128xf32, #tpu.memory_space<vmem>>) target(%dma_start3A_117 : memref<10240x128xf32, #tpu.memory_space<vmem_shared>>) offsets(%arg11 : memref<80xi32, #tpu.memory_space<vmem>>) semaphore(%run_scoped3A : memref<!tpu.dma_semaphore, #tpu.memory_space<semaphore_mem>>) {add = true}
        %dma_wait3A_118 = arith.constant 0 : i32
        %dma_wait3A_119 = arith.constant 0 : i32
        %dma_wait3A_120 = tpu.memref_slice %arg15[%dma_wait3A_118, %dma_wait3A_119] : memref<10240x128xf32, #tpu.memory_space<vmem_shared>> -> memref<10240x128xf32, #tpu.memory_space<vmem_shared>>
        tpu.wait_indirect_dma semaphore(%run_scoped3A : memref<!tpu.dma_semaphore, #tpu.memory_space<semaphore_mem>>) src(%arg12 : memref<80x128xf32, #tpu.memory_space<vmem>>) dst(%dma_wait3A_120 : memref<10240x128xf32, #tpu.memory_space<vmem_shared>>)
        tpu.yield
      }) : () -> ()
      "tpu.region"() ({
        %run_scoped3A = tpu.sem_alloc : memref<!tpu.dma_semaphore, #tpu.memory_space<semaphore_mem>>
        %dma_start3A_115 = arith.constant 0 : i32
        %dma_start3A_116 = arith.constant 0 : i32
        %dma_start3A_117 = tpu.memref_slice %arg16[%dma_start3A_115, %dma_start3A_116] : memref<10240x16xf32, #tpu.memory_space<vmem_shared>> -> memref<10240x16xf32, #tpu.memory_space<vmem_shared>>
        tpu.enqueue_indirect_dma source(%arg13 : memref<80x16xf32, #tpu.memory_space<vmem>>) target(%dma_start3A_117 : memref<10240x16xf32, #tpu.memory_space<vmem_shared>>) offsets(%arg11 : memref<80xi32, #tpu.memory_space<vmem>>) semaphore(%run_scoped3A : memref<!tpu.dma_semaphore, #tpu.memory_space<semaphore_mem>>) {add = true}
        %dma_wait3A_118 = arith.constant 0 : i32
        %dma_wait3A_119 = arith.constant 0 : i32
        %dma_wait3A_120 = tpu.memref_slice %arg16[%dma_wait3A_118, %dma_wait3A_119] : memref<10240x16xf32, #tpu.memory_space<vmem_shared>> -> memref<10240x16xf32, #tpu.memory_space<vmem_shared>>
        tpu.wait_indirect_dma semaphore(%run_scoped3A : memref<!tpu.dma_semaphore, #tpu.memory_space<semaphore_mem>>) src(%arg13 : memref<80x16xf32, #tpu.memory_space<vmem>>) dst(%dma_wait3A_120 : memref<10240x16xf32, #tpu.memory_space<vmem_shared>>)
        tpu.yield
      }) : () -> ()
    }
    %scan3A_41 = arith.constant 125 : i32
    %barrier3A_42 = arith.constant 0 : index
    tpu.barrier barrier_id(%barrier3A_42)
    %add3A_43 = arith.constant 0 : i32
    %add3A_44 = arith.addi %mul3A_0, %add3A_43 : i32
    "tpu.region"() ({
      %run_scoped3A = tpu.sem_alloc : memref<!tpu.dma_semaphore, #tpu.memory_space<semaphore_mem>>
      %dma_start3A = arith.constant 0 : i32
      %dma_start3A_107 = tpu.memref_slice %arg15[%add3A_44, %dma_start3A] : memref<10240x128xf32, #tpu.memory_space<vmem_shared>> -> memref<80x128xf32, #tpu.memory_space<vmem_shared>>
      %dma_start3A_108 = arith.constant 0 : i32
      %dma_start3A_109 = tpu.memref_slice %arg15[%add3A_44, %dma_start3A_108] : memref<10240x128xf32, #tpu.memory_space<vmem_shared>> -> memref<80x128xf32, #tpu.memory_space<vmem_shared>>
      tpu.enqueue_dma source(%dma_start3A_109 : memref<80x128xf32, #tpu.memory_space<vmem_shared>>) target(%arg12 : memref<80x128xf32, #tpu.memory_space<vmem>>) target_semaphore(%run_scoped3A : memref<!tpu.dma_semaphore, #tpu.memory_space<semaphore_mem>>)
      %dma_wait3A = arith.constant 0 : i32
      %dma_wait3A_110 = tpu.memref_slice %arg15[%add3A_44, %dma_wait3A] : memref<10240x128xf32, #tpu.memory_space<vmem_shared>> -> memref<80x128xf32, #tpu.memory_space<vmem_shared>>
      %dma_wait3A_111 = arith.constant 0 : i32
      %dma_wait3A_112 = tpu.memref_slice %arg15[%add3A_44, %dma_wait3A_111] : memref<10240x128xf32, #tpu.memory_space<vmem_shared>> -> memref<80x128xf32, #tpu.memory_space<vmem_shared>>
      tpu.wait_dma2 semaphore(%run_scoped3A : memref<!tpu.dma_semaphore, #tpu.memory_space<semaphore_mem>>) src(%dma_wait3A_112 : memref<80x128xf32, #tpu.memory_space<vmem_shared>>) dst(%arg12 : memref<80x128xf32, #tpu.memory_space<vmem>>)
      tpu.yield
    }) : () -> ()
    %add3A_45 = arith.constant 0 : i32
    %add3A_46 = arith.addi %mul3A_0, %add3A_45 : i32
    "tpu.region"() ({
      %run_scoped3A = tpu.sem_alloc : memref<!tpu.dma_semaphore, #tpu.memory_space<semaphore_mem>>
      %dma_start3A = arith.constant 0 : i32
      %dma_start3A_107 = tpu.memref_slice %arg8[%arg0, %add3A_46, %dma_start3A] : memref<2x10240x128xf32, #tpu.memory_space<hbm>> -> memref<1x80x128xf32, #tpu.memory_space<hbm>>
      %dma_start3A_108 = tpu.memref_squeeze %dma_start3A_107 : memref<1x80x128xf32, #tpu.memory_space<hbm>> -> memref<80x128xf32, #tpu.memory_space<hbm>>
      %dma_start3A_109 = arith.constant 0 : i32
      %dma_start3A_110 = tpu.memref_slice %arg8[%arg0, %add3A_46, %dma_start3A_109] : memref<2x10240x128xf32, #tpu.memory_space<hbm>> -> memref<1x80x128xf32, #tpu.memory_space<hbm>>
      %dma_start3A_111 = tpu.memref_squeeze %dma_start3A_110 : memref<1x80x128xf32, #tpu.memory_space<hbm>> -> memref<80x128xf32, #tpu.memory_space<hbm>>
      tpu.enqueue_dma source(%arg12 : memref<80x128xf32, #tpu.memory_space<vmem>>) target(%dma_start3A_111 : memref<80x128xf32, #tpu.memory_space<hbm>>) target_semaphore(%run_scoped3A : memref<!tpu.dma_semaphore, #tpu.memory_space<semaphore_mem>>)
      %dma_wait3A = arith.constant 0 : i32
      %dma_wait3A_112 = tpu.memref_slice %arg8[%arg0, %add3A_46, %dma_wait3A] : memref<2x10240x128xf32, #tpu.memory_space<hbm>> -> memref<1x80x128xf32, #tpu.memory_space<hbm>>
      %dma_wait3A_113 = tpu.memref_squeeze %dma_wait3A_112 : memref<1x80x128xf32, #tpu.memory_space<hbm>> -> memref<80x128xf32, #tpu.memory_space<hbm>>
      %dma_wait3A_114 = arith.constant 0 : i32
      %dma_wait3A_115 = tpu.memref_slice %arg8[%arg0, %add3A_46, %dma_wait3A_114] : memref<2x10240x128xf32, #tpu.memory_space<hbm>> -> memref<1x80x128xf32, #tpu.memory_space<hbm>>
      %dma_wait3A_116 = tpu.memref_squeeze %dma_wait3A_115 : memref<1x80x128xf32, #tpu.memory_space<hbm>> -> memref<80x128xf32, #tpu.memory_space<hbm>>
      tpu.wait_dma2 semaphore(%run_scoped3A : memref<!tpu.dma_semaphore, #tpu.memory_space<semaphore_mem>>) src(%arg12 : memref<80x128xf32, #tpu.memory_space<vmem>>) dst(%dma_wait3A_116 : memref<80x128xf32, #tpu.memory_space<hbm>>)
      tpu.yield
    }) : () -> ()
    %add3A_47 = arith.constant 80 : i32
    %add3A_48 = arith.addi %mul3A_0, %add3A_47 : i32
    "tpu.region"() ({
      %run_scoped3A = tpu.sem_alloc : memref<!tpu.dma_semaphore, #tpu.memory_space<semaphore_mem>>
      %dma_start3A = arith.constant 0 : i32
      %dma_start3A_107 = tpu.memref_slice %arg15[%add3A_48, %dma_start3A] : memref<10240x128xf32, #tpu.memory_space<vmem_shared>> -> memref<80x128xf32, #tpu.memory_space<vmem_shared>>
      %dma_start3A_108 = arith.constant 0 : i32
      %dma_start3A_109 = tpu.memref_slice %arg15[%add3A_48, %dma_start3A_108] : memref<10240x128xf32, #tpu.memory_space<vmem_shared>> -> memref<80x128xf32, #tpu.memory_space<vmem_shared>>
      tpu.enqueue_dma source(%dma_start3A_109 : memref<80x128xf32, #tpu.memory_space<vmem_shared>>) target(%arg12 : memref<80x128xf32, #tpu.memory_space<vmem>>) target_semaphore(%run_scoped3A : memref<!tpu.dma_semaphore, #tpu.memory_space<semaphore_mem>>)
      %dma_wait3A = arith.constant 0 : i32
      %dma_wait3A_110 = tpu.memref_slice %arg15[%add3A_48, %dma_wait3A] : memref<10240x128xf32, #tpu.memory_space<vmem_shared>> -> memref<80x128xf32, #tpu.memory_space<vmem_shared>>
      %dma_wait3A_111 = arith.constant 0 : i32
      %dma_wait3A_112 = tpu.memref_slice %arg15[%add3A_48, %dma_wait3A_111] : memref<10240x128xf32, #tpu.memory_space<vmem_shared>> -> memref<80x128xf32, #tpu.memory_space<vmem_shared>>
      tpu.wait_dma2 semaphore(%run_scoped3A : memref<!tpu.dma_semaphore, #tpu.memory_space<semaphore_mem>>) src(%dma_wait3A_112 : memref<80x128xf32, #tpu.memory_space<vmem_shared>>) dst(%arg12 : memref<80x128xf32, #tpu.memory_space<vmem>>)
      tpu.yield
    }) : () -> ()
    %add3A_49 = arith.constant 80 : i32
    %add3A_50 = arith.addi %mul3A_0, %add3A_49 : i32
    "tpu.region"() ({
      %run_scoped3A = tpu.sem_alloc : memref<!tpu.dma_semaphore, #tpu.memory_space<semaphore_mem>>
      %dma_start3A = arith.constant 0 : i32
      %dma_start3A_107 = tpu.memref_slice %arg8[%arg0, %add3A_50, %dma_start3A] : memref<2x10240x128xf32, #tpu.memory_space<hbm>> -> memref<1x80x128xf32, #tpu.memory_space<hbm>>
      %dma_start3A_108 = tpu.memref_squeeze %dma_start3A_107 : memref<1x80x128xf32, #tpu.memory_space<hbm>> -> memref<80x128xf32, #tpu.memory_space<hbm>>
      %dma_start3A_109 = arith.constant 0 : i32
      %dma_start3A_110 = tpu.memref_slice %arg8[%arg0, %add3A_50, %dma_start3A_109] : memref<2x10240x128xf32, #tpu.memory_space<hbm>> -> memref<1x80x128xf32, #tpu.memory_space<hbm>>
      %dma_start3A_111 = tpu.memref_squeeze %dma_start3A_110 : memref<1x80x128xf32, #tpu.memory_space<hbm>> -> memref<80x128xf32, #tpu.memory_space<hbm>>
      tpu.enqueue_dma source(%arg12 : memref<80x128xf32, #tpu.memory_space<vmem>>) target(%dma_start3A_111 : memref<80x128xf32, #tpu.memory_space<hbm>>) target_semaphore(%run_scoped3A : memref<!tpu.dma_semaphore, #tpu.memory_space<semaphore_mem>>)
      %dma_wait3A = arith.constant 0 : i32
      %dma_wait3A_112 = tpu.memref_slice %arg8[%arg0, %add3A_50, %dma_wait3A] : memref<2x10240x128xf32, #tpu.memory_space<hbm>> -> memref<1x80x128xf32, #tpu.memory_space<hbm>>
      %dma_wait3A_113 = tpu.memref_squeeze %dma_wait3A_112 : memref<1x80x128xf32, #tpu.memory_space<hbm>> -> memref<80x128xf32, #tpu.memory_space<hbm>>
      %dma_wait3A_114 = arith.constant 0 : i32
      %dma_wait3A_115 = tpu.memref_slice %arg8[%arg0, %add3A_50, %dma_wait3A_114] : memref<2x10240x128xf32, #tpu.memory_space<hbm>> -> memref<1x80x128xf32, #tpu.memory_space<hbm>>
      %dma_wait3A_116 = tpu.memref_squeeze %dma_wait3A_115 : memref<1x80x128xf32, #tpu.memory_space<hbm>> -> memref<80x128xf32, #tpu.memory_space<hbm>>
      tpu.wait_dma2 semaphore(%run_scoped3A : memref<!tpu.dma_semaphore, #tpu.memory_space<semaphore_mem>>) src(%arg12 : memref<80x128xf32, #tpu.memory_space<vmem>>) dst(%dma_wait3A_116 : memref<80x128xf32, #tpu.memory_space<hbm>>)
      tpu.yield
    }) : () -> ()
    %add3A_51 = arith.constant 160 : i32
    %add3A_52 = arith.addi %mul3A_0, %add3A_51 : i32
    "tpu.region"() ({
      %run_scoped3A = tpu.sem_alloc : memref<!tpu.dma_semaphore, #tpu.memory_space<semaphore_mem>>
      %dma_start3A = arith.constant 0 : i32
      %dma_start3A_107 = tpu.memref_slice %arg15[%add3A_52, %dma_start3A] : memref<10240x128xf32, #tpu.memory_space<vmem_shared>> -> memref<80x128xf32, #tpu.memory_space<vmem_shared>>
      %dma_start3A_108 = arith.constant 0 : i32
      %dma_start3A_109 = tpu.memref_slice %arg15[%add3A_52, %dma_start3A_108] : memref<10240x128xf32, #tpu.memory_space<vmem_shared>> -> memref<80x128xf32, #tpu.memory_space<vmem_shared>>
      tpu.enqueue_dma source(%dma_start3A_109 : memref<80x128xf32, #tpu.memory_space<vmem_shared>>) target(%arg12 : memref<80x128xf32, #tpu.memory_space<vmem>>) target_semaphore(%run_scoped3A : memref<!tpu.dma_semaphore, #tpu.memory_space<semaphore_mem>>)
      %dma_wait3A = arith.constant 0 : i32
      %dma_wait3A_110 = tpu.memref_slice %arg15[%add3A_52, %dma_wait3A] : memref<10240x128xf32, #tpu.memory_space<vmem_shared>> -> memref<80x128xf32, #tpu.memory_space<vmem_shared>>
      %dma_wait3A_111 = arith.constant 0 : i32
      %dma_wait3A_112 = tpu.memref_slice %arg15[%add3A_52, %dma_wait3A_111] : memref<10240x128xf32, #tpu.memory_space<vmem_shared>> -> memref<80x128xf32, #tpu.memory_space<vmem_shared>>
      tpu.wait_dma2 semaphore(%run_scoped3A : memref<!tpu.dma_semaphore, #tpu.memory_space<semaphore_mem>>) src(%dma_wait3A_112 : memref<80x128xf32, #tpu.memory_space<vmem_shared>>) dst(%arg12 : memref<80x128xf32, #tpu.memory_space<vmem>>)
      tpu.yield
    }) : () -> ()
    %add3A_53 = arith.constant 160 : i32
    %add3A_54 = arith.addi %mul3A_0, %add3A_53 : i32
    "tpu.region"() ({
      %run_scoped3A = tpu.sem_alloc : memref<!tpu.dma_semaphore, #tpu.memory_space<semaphore_mem>>
      %dma_start3A = arith.constant 0 : i32
      %dma_start3A_107 = tpu.memref_slice %arg8[%arg0, %add3A_54, %dma_start3A] : memref<2x10240x128xf32, #tpu.memory_space<hbm>> -> memref<1x80x128xf32, #tpu.memory_space<hbm>>
      %dma_start3A_108 = tpu.memref_squeeze %dma_start3A_107 : memref<1x80x128xf32, #tpu.memory_space<hbm>> -> memref<80x128xf32, #tpu.memory_space<hbm>>
      %dma_start3A_109 = arith.constant 0 : i32
      %dma_start3A_110 = tpu.memref_slice %arg8[%arg0, %add3A_54, %dma_start3A_109] : memref<2x10240x128xf32, #tpu.memory_space<hbm>> -> memref<1x80x128xf32, #tpu.memory_space<hbm>>
      %dma_start3A_111 = tpu.memref_squeeze %dma_start3A_110 : memref<1x80x128xf32, #tpu.memory_space<hbm>> -> memref<80x128xf32, #tpu.memory_space<hbm>>
      tpu.enqueue_dma source(%arg12 : memref<80x128xf32, #tpu.memory_space<vmem>>) target(%dma_start3A_111 : memref<80x128xf32, #tpu.memory_space<hbm>>) target_semaphore(%run_scoped3A : memref<!tpu.dma_semaphore, #tpu.memory_space<semaphore_mem>>)
      %dma_wait3A = arith.constant 0 : i32
      %dma_wait3A_112 = tpu.memref_slice %arg8[%arg0, %add3A_54, %dma_wait3A] : memref<2x10240x128xf32, #tpu.memory_space<hbm>> -> memref<1x80x128xf32, #tpu.memory_space<hbm>>
      %dma_wait3A_113 = tpu.memref_squeeze %dma_wait3A_112 : memref<1x80x128xf32, #tpu.memory_space<hbm>> -> memref<80x128xf32, #tpu.memory_space<hbm>>
      %dma_wait3A_114 = arith.constant 0 : i32
      %dma_wait3A_115 = tpu.memref_slice %arg8[%arg0, %add3A_54, %dma_wait3A_114] : memref<2x10240x128xf32, #tpu.memory_space<hbm>> -> memref<1x80x128xf32, #tpu.memory_space<hbm>>
      %dma_wait3A_116 = tpu.memref_squeeze %dma_wait3A_115 : memref<1x80x128xf32, #tpu.memory_space<hbm>> -> memref<80x128xf32, #tpu.memory_space<hbm>>
      tpu.wait_dma2 semaphore(%run_scoped3A : memref<!tpu.dma_semaphore, #tpu.memory_space<semaphore_mem>>) src(%arg12 : memref<80x128xf32, #tpu.memory_space<vmem>>) dst(%dma_wait3A_116 : memref<80x128xf32, #tpu.memory_space<hbm>>)
      tpu.yield
    }) : () -> ()
    %add3A_55 = arith.constant 240 : i32
    %add3A_56 = arith.addi %mul3A_0, %add3A_55 : i32
    "tpu.region"() ({
      %run_scoped3A = tpu.sem_alloc : memref<!tpu.dma_semaphore, #tpu.memory_space<semaphore_mem>>
      %dma_start3A = arith.constant 0 : i32
      %dma_start3A_107 = tpu.memref_slice %arg15[%add3A_56, %dma_start3A] : memref<10240x128xf32, #tpu.memory_space<vmem_shared>> -> memref<80x128xf32, #tpu.memory_space<vmem_shared>>
      %dma_start3A_108 = arith.constant 0 : i32
      %dma_start3A_109 = tpu.memref_slice %arg15[%add3A_56, %dma_start3A_108] : memref<10240x128xf32, #tpu.memory_space<vmem_shared>> -> memref<80x128xf32, #tpu.memory_space<vmem_shared>>
      tpu.enqueue_dma source(%dma_start3A_109 : memref<80x128xf32, #tpu.memory_space<vmem_shared>>) target(%arg12 : memref<80x128xf32, #tpu.memory_space<vmem>>) target_semaphore(%run_scoped3A : memref<!tpu.dma_semaphore, #tpu.memory_space<semaphore_mem>>)
      %dma_wait3A = arith.constant 0 : i32
      %dma_wait3A_110 = tpu.memref_slice %arg15[%add3A_56, %dma_wait3A] : memref<10240x128xf32, #tpu.memory_space<vmem_shared>> -> memref<80x128xf32, #tpu.memory_space<vmem_shared>>
      %dma_wait3A_111 = arith.constant 0 : i32
      %dma_wait3A_112 = tpu.memref_slice %arg15[%add3A_56, %dma_wait3A_111] : memref<10240x128xf32, #tpu.memory_space<vmem_shared>> -> memref<80x128xf32, #tpu.memory_space<vmem_shared>>
      tpu.wait_dma2 semaphore(%run_scoped3A : memref<!tpu.dma_semaphore, #tpu.memory_space<semaphore_mem>>) src(%dma_wait3A_112 : memref<80x128xf32, #tpu.memory_space<vmem_shared>>) dst(%arg12 : memref<80x128xf32, #tpu.memory_space<vmem>>)
      tpu.yield
    }) : () -> ()
    %add3A_57 = arith.constant 240 : i32
    %add3A_58 = arith.addi %mul3A_0, %add3A_57 : i32
    "tpu.region"() ({
      %run_scoped3A = tpu.sem_alloc : memref<!tpu.dma_semaphore, #tpu.memory_space<semaphore_mem>>
      %dma_start3A = arith.constant 0 : i32
      %dma_start3A_107 = tpu.memref_slice %arg8[%arg0, %add3A_58, %dma_start3A] : memref<2x10240x128xf32, #tpu.memory_space<hbm>> -> memref<1x80x128xf32, #tpu.memory_space<hbm>>
      %dma_start3A_108 = tpu.memref_squeeze %dma_start3A_107 : memref<1x80x128xf32, #tpu.memory_space<hbm>> -> memref<80x128xf32, #tpu.memory_space<hbm>>
      %dma_start3A_109 = arith.constant 0 : i32
      %dma_start3A_110 = tpu.memref_slice %arg8[%arg0, %add3A_58, %dma_start3A_109] : memref<2x10240x128xf32, #tpu.memory_space<hbm>> -> memref<1x80x128xf32, #tpu.memory_space<hbm>>
      %dma_start3A_111 = tpu.memref_squeeze %dma_start3A_110 : memref<1x80x128xf32, #tpu.memory_space<hbm>> -> memref<80x128xf32, #tpu.memory_space<hbm>>
      tpu.enqueue_dma source(%arg12 : memref<80x128xf32, #tpu.memory_space<vmem>>) target(%dma_start3A_111 : memref<80x128xf32, #tpu.memory_space<hbm>>) target_semaphore(%run_scoped3A : memref<!tpu.dma_semaphore, #tpu.memory_space<semaphore_mem>>)
      %dma_wait3A = arith.constant 0 : i32
      %dma_wait3A_112 = tpu.memref_slice %arg8[%arg0, %add3A_58, %dma_wait3A] : memref<2x10240x128xf32, #tpu.memory_space<hbm>> -> memref<1x80x128xf32, #tpu.memory_space<hbm>>
      %dma_wait3A_113 = tpu.memref_squeeze %dma_wait3A_112 : memref<1x80x128xf32, #tpu.memory_space<hbm>> -> memref<80x128xf32, #tpu.memory_space<hbm>>
      %dma_wait3A_114 = arith.constant 0 : i32
      %dma_wait3A_115 = tpu.memref_slice %arg8[%arg0, %add3A_58, %dma_wait3A_114] : memref<2x10240x128xf32, #tpu.memory_space<hbm>> -> memref<1x80x128xf32, #tpu.memory_space<hbm>>
      %dma_wait3A_116 = tpu.memref_squeeze %dma_wait3A_115 : memref<1x80x128xf32, #tpu.memory_space<hbm>> -> memref<80x128xf32, #tpu.memory_space<hbm>>
      tpu.wait_dma2 semaphore(%run_scoped3A : memref<!tpu.dma_semaphore, #tpu.memory_space<semaphore_mem>>) src(%arg12 : memref<80x128xf32, #tpu.memory_space<vmem>>) dst(%dma_wait3A_116 : memref<80x128xf32, #tpu.memory_space<hbm>>)
      tpu.yield
    }) : () -> ()
    %add3A_59 = arith.constant 320 : i32
    %add3A_60 = arith.addi %mul3A_0, %add3A_59 : i32
    "tpu.region"() ({
      %run_scoped3A = tpu.sem_alloc : memref<!tpu.dma_semaphore, #tpu.memory_space<semaphore_mem>>
      %dma_start3A = arith.constant 0 : i32
      %dma_start3A_107 = tpu.memref_slice %arg15[%add3A_60, %dma_start3A] : memref<10240x128xf32, #tpu.memory_space<vmem_shared>> -> memref<80x128xf32, #tpu.memory_space<vmem_shared>>
      %dma_start3A_108 = arith.constant 0 : i32
      %dma_start3A_109 = tpu.memref_slice %arg15[%add3A_60, %dma_start3A_108] : memref<10240x128xf32, #tpu.memory_space<vmem_shared>> -> memref<80x128xf32, #tpu.memory_space<vmem_shared>>
      tpu.enqueue_dma source(%dma_start3A_109 : memref<80x128xf32, #tpu.memory_space<vmem_shared>>) target(%arg12 : memref<80x128xf32, #tpu.memory_space<vmem>>) target_semaphore(%run_scoped3A : memref<!tpu.dma_semaphore, #tpu.memory_space<semaphore_mem>>)
      %dma_wait3A = arith.constant 0 : i32
      %dma_wait3A_110 = tpu.memref_slice %arg15[%add3A_60, %dma_wait3A] : memref<10240x128xf32, #tpu.memory_space<vmem_shared>> -> memref<80x128xf32, #tpu.memory_space<vmem_shared>>
      %dma_wait3A_111 = arith.constant 0 : i32
      %dma_wait3A_112 = tpu.memref_slice %arg15[%add3A_60, %dma_wait3A_111] : memref<10240x128xf32, #tpu.memory_space<vmem_shared>> -> memref<80x128xf32, #tpu.memory_space<vmem_shared>>
      tpu.wait_dma2 semaphore(%run_scoped3A : memref<!tpu.dma_semaphore, #tpu.memory_space<semaphore_mem>>) src(%dma_wait3A_112 : memref<80x128xf32, #tpu.memory_space<vmem_shared>>) dst(%arg12 : memref<80x128xf32, #tpu.memory_space<vmem>>)
      tpu.yield
    }) : () -> ()
    %add3A_61 = arith.constant 320 : i32
    %add3A_62 = arith.addi %mul3A_0, %add3A_61 : i32
    "tpu.region"() ({
      %run_scoped3A = tpu.sem_alloc : memref<!tpu.dma_semaphore, #tpu.memory_space<semaphore_mem>>
      %dma_start3A = arith.constant 0 : i32
      %dma_start3A_107 = tpu.memref_slice %arg8[%arg0, %add3A_62, %dma_start3A] : memref<2x10240x128xf32, #tpu.memory_space<hbm>> -> memref<1x80x128xf32, #tpu.memory_space<hbm>>
      %dma_start3A_108 = tpu.memref_squeeze %dma_start3A_107 : memref<1x80x128xf32, #tpu.memory_space<hbm>> -> memref<80x128xf32, #tpu.memory_space<hbm>>
      %dma_start3A_109 = arith.constant 0 : i32
      %dma_start3A_110 = tpu.memref_slice %arg8[%arg0, %add3A_62, %dma_start3A_109] : memref<2x10240x128xf32, #tpu.memory_space<hbm>> -> memref<1x80x128xf32, #tpu.memory_space<hbm>>
      %dma_start3A_111 = tpu.memref_squeeze %dma_start3A_110 : memref<1x80x128xf32, #tpu.memory_space<hbm>> -> memref<80x128xf32, #tpu.memory_space<hbm>>
      tpu.enqueue_dma source(%arg12 : memref<80x128xf32, #tpu.memory_space<vmem>>) target(%dma_start3A_111 : memref<80x128xf32, #tpu.memory_space<hbm>>) target_semaphore(%run_scoped3A : memref<!tpu.dma_semaphore, #tpu.memory_space<semaphore_mem>>)
      %dma_wait3A = arith.constant 0 : i32
      %dma_wait3A_112 = tpu.memref_slice %arg8[%arg0, %add3A_62, %dma_wait3A] : memref<2x10240x128xf32, #tpu.memory_space<hbm>> -> memref<1x80x128xf32, #tpu.memory_space<hbm>>
      %dma_wait3A_113 = tpu.memref_squeeze %dma_wait3A_112 : memref<1x80x128xf32, #tpu.memory_space<hbm>> -> memref<80x128xf32, #tpu.memory_space<hbm>>
      %dma_wait3A_114 = arith.constant 0 : i32
      %dma_wait3A_115 = tpu.memref_slice %arg8[%arg0, %add3A_62, %dma_wait3A_114] : memref<2x10240x128xf32, #tpu.memory_space<hbm>> -> memref<1x80x128xf32, #tpu.memory_space<hbm>>
      %dma_wait3A_116 = tpu.memref_squeeze %dma_wait3A_115 : memref<1x80x128xf32, #tpu.memory_space<hbm>> -> memref<80x128xf32, #tpu.memory_space<hbm>>
      tpu.wait_dma2 semaphore(%run_scoped3A : memref<!tpu.dma_semaphore, #tpu.memory_space<semaphore_mem>>) src(%arg12 : memref<80x128xf32, #tpu.memory_space<vmem>>) dst(%dma_wait3A_116 : memref<80x128xf32, #tpu.memory_space<hbm>>)
      tpu.yield
    }) : () -> ()
    %add3A_63 = arith.constant 400 : i32
    %add3A_64 = arith.addi %mul3A_0, %add3A_63 : i32
    "tpu.region"() ({
      %run_scoped3A = tpu.sem_alloc : memref<!tpu.dma_semaphore, #tpu.memory_space<semaphore_mem>>
      %dma_start3A = arith.constant 0 : i32
      %dma_start3A_107 = tpu.memref_slice %arg15[%add3A_64, %dma_start3A] : memref<10240x128xf32, #tpu.memory_space<vmem_shared>> -> memref<80x128xf32, #tpu.memory_space<vmem_shared>>
      %dma_start3A_108 = arith.constant 0 : i32
      %dma_start3A_109 = tpu.memref_slice %arg15[%add3A_64, %dma_start3A_108] : memref<10240x128xf32, #tpu.memory_space<vmem_shared>> -> memref<80x128xf32, #tpu.memory_space<vmem_shared>>
      tpu.enqueue_dma source(%dma_start3A_109 : memref<80x128xf32, #tpu.memory_space<vmem_shared>>) target(%arg12 : memref<80x128xf32, #tpu.memory_space<vmem>>) target_semaphore(%run_scoped3A : memref<!tpu.dma_semaphore, #tpu.memory_space<semaphore_mem>>)
      %dma_wait3A = arith.constant 0 : i32
      %dma_wait3A_110 = tpu.memref_slice %arg15[%add3A_64, %dma_wait3A] : memref<10240x128xf32, #tpu.memory_space<vmem_shared>> -> memref<80x128xf32, #tpu.memory_space<vmem_shared>>
      %dma_wait3A_111 = arith.constant 0 : i32
      %dma_wait3A_112 = tpu.memref_slice %arg15[%add3A_64, %dma_wait3A_111] : memref<10240x128xf32, #tpu.memory_space<vmem_shared>> -> memref<80x128xf32, #tpu.memory_space<vmem_shared>>
      tpu.wait_dma2 semaphore(%run_scoped3A : memref<!tpu.dma_semaphore, #tpu.memory_space<semaphore_mem>>) src(%dma_wait3A_112 : memref<80x128xf32, #tpu.memory_space<vmem_shared>>) dst(%arg12 : memref<80x128xf32, #tpu.memory_space<vmem>>)
      tpu.yield
    }) : () -> ()
    %add3A_65 = arith.constant 400 : i32
    %add3A_66 = arith.addi %mul3A_0, %add3A_65 : i32
    "tpu.region"() ({
      %run_scoped3A = tpu.sem_alloc : memref<!tpu.dma_semaphore, #tpu.memory_space<semaphore_mem>>
      %dma_start3A = arith.constant 0 : i32
      %dma_start3A_107 = tpu.memref_slice %arg8[%arg0, %add3A_66, %dma_start3A] : memref<2x10240x128xf32, #tpu.memory_space<hbm>> -> memref<1x80x128xf32, #tpu.memory_space<hbm>>
      %dma_start3A_108 = tpu.memref_squeeze %dma_start3A_107 : memref<1x80x128xf32, #tpu.memory_space<hbm>> -> memref<80x128xf32, #tpu.memory_space<hbm>>
      %dma_start3A_109 = arith.constant 0 : i32
      %dma_start3A_110 = tpu.memref_slice %arg8[%arg0, %add3A_66, %dma_start3A_109] : memref<2x10240x128xf32, #tpu.memory_space<hbm>> -> memref<1x80x128xf32, #tpu.memory_space<hbm>>
      %dma_start3A_111 = tpu.memref_squeeze %dma_start3A_110 : memref<1x80x128xf32, #tpu.memory_space<hbm>> -> memref<80x128xf32, #tpu.memory_space<hbm>>
      tpu.enqueue_dma source(%arg12 : memref<80x128xf32, #tpu.memory_space<vmem>>) target(%dma_start3A_111 : memref<80x128xf32, #tpu.memory_space<hbm>>) target_semaphore(%run_scoped3A : memref<!tpu.dma_semaphore, #tpu.memory_space<semaphore_mem>>)
      %dma_wait3A = arith.constant 0 : i32
      %dma_wait3A_112 = tpu.memref_slice %arg8[%arg0, %add3A_66, %dma_wait3A] : memref<2x10240x128xf32, #tpu.memory_space<hbm>> -> memref<1x80x128xf32, #tpu.memory_space<hbm>>
      %dma_wait3A_113 = tpu.memref_squeeze %dma_wait3A_112 : memref<1x80x128xf32, #tpu.memory_space<hbm>> -> memref<80x128xf32, #tpu.memory_space<hbm>>
      %dma_wait3A_114 = arith.constant 0 : i32
      %dma_wait3A_115 = tpu.memref_slice %arg8[%arg0, %add3A_66, %dma_wait3A_114] : memref<2x10240x128xf32, #tpu.memory_space<hbm>> -> memref<1x80x128xf32, #tpu.memory_space<hbm>>
      %dma_wait3A_116 = tpu.memref_squeeze %dma_wait3A_115 : memref<1x80x128xf32, #tpu.memory_space<hbm>> -> memref<80x128xf32, #tpu.memory_space<hbm>>
      tpu.wait_dma2 semaphore(%run_scoped3A : memref<!tpu.dma_semaphore, #tpu.memory_space<semaphore_mem>>) src(%arg12 : memref<80x128xf32, #tpu.memory_space<vmem>>) dst(%dma_wait3A_116 : memref<80x128xf32, #tpu.memory_space<hbm>>)
      tpu.yield
    }) : () -> ()
    %add3A_67 = arith.constant 480 : i32
    %add3A_68 = arith.addi %mul3A_0, %add3A_67 : i32
    "tpu.region"() ({
      %run_scoped3A = tpu.sem_alloc : memref<!tpu.dma_semaphore, #tpu.memory_space<semaphore_mem>>
      %dma_start3A = arith.constant 0 : i32
      %dma_start3A_107 = tpu.memref_slice %arg15[%add3A_68, %dma_start3A] : memref<10240x128xf32, #tpu.memory_space<vmem_shared>> -> memref<80x128xf32, #tpu.memory_space<vmem_shared>>
      %dma_start3A_108 = arith.constant 0 : i32
      %dma_start3A_109 = tpu.memref_slice %arg15[%add3A_68, %dma_start3A_108] : memref<10240x128xf32, #tpu.memory_space<vmem_shared>> -> memref<80x128xf32, #tpu.memory_space<vmem_shared>>
      tpu.enqueue_dma source(%dma_start3A_109 : memref<80x128xf32, #tpu.memory_space<vmem_shared>>) target(%arg12 : memref<80x128xf32, #tpu.memory_space<vmem>>) target_semaphore(%run_scoped3A : memref<!tpu.dma_semaphore, #tpu.memory_space<semaphore_mem>>)
      %dma_wait3A = arith.constant 0 : i32
      %dma_wait3A_110 = tpu.memref_slice %arg15[%add3A_68, %dma_wait3A] : memref<10240x128xf32, #tpu.memory_space<vmem_shared>> -> memref<80x128xf32, #tpu.memory_space<vmem_shared>>
      %dma_wait3A_111 = arith.constant 0 : i32
      %dma_wait3A_112 = tpu.memref_slice %arg15[%add3A_68, %dma_wait3A_111] : memref<10240x128xf32, #tpu.memory_space<vmem_shared>> -> memref<80x128xf32, #tpu.memory_space<vmem_shared>>
      tpu.wait_dma2 semaphore(%run_scoped3A : memref<!tpu.dma_semaphore, #tpu.memory_space<semaphore_mem>>) src(%dma_wait3A_112 : memref<80x128xf32, #tpu.memory_space<vmem_shared>>) dst(%arg12 : memref<80x128xf32, #tpu.memory_space<vmem>>)
      tpu.yield
    }) : () -> ()
    %add3A_69 = arith.constant 480 : i32
    %add3A_70 = arith.addi %mul3A_0, %add3A_69 : i32
    "tpu.region"() ({
      %run_scoped3A = tpu.sem_alloc : memref<!tpu.dma_semaphore, #tpu.memory_space<semaphore_mem>>
      %dma_start3A = arith.constant 0 : i32
      %dma_start3A_107 = tpu.memref_slice %arg8[%arg0, %add3A_70, %dma_start3A] : memref<2x10240x128xf32, #tpu.memory_space<hbm>> -> memref<1x80x128xf32, #tpu.memory_space<hbm>>
      %dma_start3A_108 = tpu.memref_squeeze %dma_start3A_107 : memref<1x80x128xf32, #tpu.memory_space<hbm>> -> memref<80x128xf32, #tpu.memory_space<hbm>>
      %dma_start3A_109 = arith.constant 0 : i32
      %dma_start3A_110 = tpu.memref_slice %arg8[%arg0, %add3A_70, %dma_start3A_109] : memref<2x10240x128xf32, #tpu.memory_space<hbm>> -> memref<1x80x128xf32, #tpu.memory_space<hbm>>
      %dma_start3A_111 = tpu.memref_squeeze %dma_start3A_110 : memref<1x80x128xf32, #tpu.memory_space<hbm>> -> memref<80x128xf32, #tpu.memory_space<hbm>>
      tpu.enqueue_dma source(%arg12 : memref<80x128xf32, #tpu.memory_space<vmem>>) target(%dma_start3A_111 : memref<80x128xf32, #tpu.memory_space<hbm>>) target_semaphore(%run_scoped3A : memref<!tpu.dma_semaphore, #tpu.memory_space<semaphore_mem>>)
      %dma_wait3A = arith.constant 0 : i32
      %dma_wait3A_112 = tpu.memref_slice %arg8[%arg0, %add3A_70, %dma_wait3A] : memref<2x10240x128xf32, #tpu.memory_space<hbm>> -> memref<1x80x128xf32, #tpu.memory_space<hbm>>
      %dma_wait3A_113 = tpu.memref_squeeze %dma_wait3A_112 : memref<1x80x128xf32, #tpu.memory_space<hbm>> -> memref<80x128xf32, #tpu.memory_space<hbm>>
      %dma_wait3A_114 = arith.constant 0 : i32
      %dma_wait3A_115 = tpu.memref_slice %arg8[%arg0, %add3A_70, %dma_wait3A_114] : memref<2x10240x128xf32, #tpu.memory_space<hbm>> -> memref<1x80x128xf32, #tpu.memory_space<hbm>>
      %dma_wait3A_116 = tpu.memref_squeeze %dma_wait3A_115 : memref<1x80x128xf32, #tpu.memory_space<hbm>> -> memref<80x128xf32, #tpu.memory_space<hbm>>
      tpu.wait_dma2 semaphore(%run_scoped3A : memref<!tpu.dma_semaphore, #tpu.memory_space<semaphore_mem>>) src(%arg12 : memref<80x128xf32, #tpu.memory_space<vmem>>) dst(%dma_wait3A_116 : memref<80x128xf32, #tpu.memory_space<hbm>>)
      tpu.yield
    }) : () -> ()
    %add3A_71 = arith.constant 560 : i32
    %add3A_72 = arith.addi %mul3A_0, %add3A_71 : i32
    "tpu.region"() ({
      %run_scoped3A = tpu.sem_alloc : memref<!tpu.dma_semaphore, #tpu.memory_space<semaphore_mem>>
      %dma_start3A = arith.constant 0 : i32
      %dma_start3A_107 = tpu.memref_slice %arg15[%add3A_72, %dma_start3A] : memref<10240x128xf32, #tpu.memory_space<vmem_shared>> -> memref<80x128xf32, #tpu.memory_space<vmem_shared>>
      %dma_start3A_108 = arith.constant 0 : i32
      %dma_start3A_109 = tpu.memref_slice %arg15[%add3A_72, %dma_start3A_108] : memref<10240x128xf32, #tpu.memory_space<vmem_shared>> -> memref<80x128xf32, #tpu.memory_space<vmem_shared>>
      tpu.enqueue_dma source(%dma_start3A_109 : memref<80x128xf32, #tpu.memory_space<vmem_shared>>) target(%arg12 : memref<80x128xf32, #tpu.memory_space<vmem>>) target_semaphore(%run_scoped3A : memref<!tpu.dma_semaphore, #tpu.memory_space<semaphore_mem>>)
      %dma_wait3A = arith.constant 0 : i32
      %dma_wait3A_110 = tpu.memref_slice %arg15[%add3A_72, %dma_wait3A] : memref<10240x128xf32, #tpu.memory_space<vmem_shared>> -> memref<80x128xf32, #tpu.memory_space<vmem_shared>>
      %dma_wait3A_111 = arith.constant 0 : i32
      %dma_wait3A_112 = tpu.memref_slice %arg15[%add3A_72, %dma_wait3A_111] : memref<10240x128xf32, #tpu.memory_space<vmem_shared>> -> memref<80x128xf32, #tpu.memory_space<vmem_shared>>
      tpu.wait_dma2 semaphore(%run_scoped3A : memref<!tpu.dma_semaphore, #tpu.memory_space<semaphore_mem>>) src(%dma_wait3A_112 : memref<80x128xf32, #tpu.memory_space<vmem_shared>>) dst(%arg12 : memref<80x128xf32, #tpu.memory_space<vmem>>)
      tpu.yield
    }) : () -> ()
    %add3A_73 = arith.constant 560 : i32
    %add3A_74 = arith.addi %mul3A_0, %add3A_73 : i32
    "tpu.region"() ({
      %run_scoped3A = tpu.sem_alloc : memref<!tpu.dma_semaphore, #tpu.memory_space<semaphore_mem>>
      %dma_start3A = arith.constant 0 : i32
      %dma_start3A_107 = tpu.memref_slice %arg8[%arg0, %add3A_74, %dma_start3A] : memref<2x10240x128xf32, #tpu.memory_space<hbm>> -> memref<1x80x128xf32, #tpu.memory_space<hbm>>
      %dma_start3A_108 = tpu.memref_squeeze %dma_start3A_107 : memref<1x80x128xf32, #tpu.memory_space<hbm>> -> memref<80x128xf32, #tpu.memory_space<hbm>>
      %dma_start3A_109 = arith.constant 0 : i32
      %dma_start3A_110 = tpu.memref_slice %arg8[%arg0, %add3A_74, %dma_start3A_109] : memref<2x10240x128xf32, #tpu.memory_space<hbm>> -> memref<1x80x128xf32, #tpu.memory_space<hbm>>
      %dma_start3A_111 = tpu.memref_squeeze %dma_start3A_110 : memref<1x80x128xf32, #tpu.memory_space<hbm>> -> memref<80x128xf32, #tpu.memory_space<hbm>>
      tpu.enqueue_dma source(%arg12 : memref<80x128xf32, #tpu.memory_space<vmem>>) target(%dma_start3A_111 : memref<80x128xf32, #tpu.memory_space<hbm>>) target_semaphore(%run_scoped3A : memref<!tpu.dma_semaphore, #tpu.memory_space<semaphore_mem>>)
      %dma_wait3A = arith.constant 0 : i32
      %dma_wait3A_112 = tpu.memref_slice %arg8[%arg0, %add3A_74, %dma_wait3A] : memref<2x10240x128xf32, #tpu.memory_space<hbm>> -> memref<1x80x128xf32, #tpu.memory_space<hbm>>
      %dma_wait3A_113 = tpu.memref_squeeze %dma_wait3A_112 : memref<1x80x128xf32, #tpu.memory_space<hbm>> -> memref<80x128xf32, #tpu.memory_space<hbm>>
      %dma_wait3A_114 = arith.constant 0 : i32
      %dma_wait3A_115 = tpu.memref_slice %arg8[%arg0, %add3A_74, %dma_wait3A_114] : memref<2x10240x128xf32, #tpu.memory_space<hbm>> -> memref<1x80x128xf32, #tpu.memory_space<hbm>>
      %dma_wait3A_116 = tpu.memref_squeeze %dma_wait3A_115 : memref<1x80x128xf32, #tpu.memory_space<hbm>> -> memref<80x128xf32, #tpu.memory_space<hbm>>
      tpu.wait_dma2 semaphore(%run_scoped3A : memref<!tpu.dma_semaphore, #tpu.memory_space<semaphore_mem>>) src(%arg12 : memref<80x128xf32, #tpu.memory_space<vmem>>) dst(%dma_wait3A_116 : memref<80x128xf32, #tpu.memory_space<hbm>>)
      tpu.yield
    }) : () -> ()
    %add3A_75 = arith.constant 0 : i32
    %add3A_76 = arith.addi %mul3A_0, %add3A_75 : i32
    "tpu.region"() ({
      %run_scoped3A = tpu.sem_alloc : memref<!tpu.dma_semaphore, #tpu.memory_space<semaphore_mem>>
      %dma_start3A = arith.constant 0 : i32
      %dma_start3A_107 = tpu.memref_slice %arg16[%add3A_76, %dma_start3A] : memref<10240x16xf32, #tpu.memory_space<vmem_shared>> -> memref<80x16xf32, #tpu.memory_space<vmem_shared>>
      %dma_start3A_108 = arith.constant 0 : i32
      %dma_start3A_109 = tpu.memref_slice %arg16[%add3A_76, %dma_start3A_108] : memref<10240x16xf32, #tpu.memory_space<vmem_shared>> -> memref<80x16xf32, #tpu.memory_space<vmem_shared>>
      tpu.enqueue_dma source(%dma_start3A_109 : memref<80x16xf32, #tpu.memory_space<vmem_shared>>) target(%arg14 : memref<80x16xf32, #tpu.memory_space<vmem>>) target_semaphore(%run_scoped3A : memref<!tpu.dma_semaphore, #tpu.memory_space<semaphore_mem>>)
      %dma_wait3A = arith.constant 0 : i32
      %dma_wait3A_110 = tpu.memref_slice %arg16[%add3A_76, %dma_wait3A] : memref<10240x16xf32, #tpu.memory_space<vmem_shared>> -> memref<80x16xf32, #tpu.memory_space<vmem_shared>>
      %dma_wait3A_111 = arith.constant 0 : i32
      %dma_wait3A_112 = tpu.memref_slice %arg16[%add3A_76, %dma_wait3A_111] : memref<10240x16xf32, #tpu.memory_space<vmem_shared>> -> memref<80x16xf32, #tpu.memory_space<vmem_shared>>
      tpu.wait_dma2 semaphore(%run_scoped3A : memref<!tpu.dma_semaphore, #tpu.memory_space<semaphore_mem>>) src(%dma_wait3A_112 : memref<80x16xf32, #tpu.memory_space<vmem_shared>>) dst(%arg14 : memref<80x16xf32, #tpu.memory_space<vmem>>)
      tpu.yield
    }) : () -> ()
    %add3A_77 = arith.constant 0 : i32
    %add3A_78 = arith.addi %mul3A_0, %add3A_77 : i32
    "tpu.region"() ({
      %run_scoped3A = tpu.sem_alloc : memref<!tpu.dma_semaphore, #tpu.memory_space<semaphore_mem>>
      %dma_start3A = arith.constant 0 : i32
      %dma_start3A_107 = tpu.memref_slice %arg9[%arg0, %add3A_78, %dma_start3A] : memref<2x10240x16xf32, #tpu.memory_space<hbm>> -> memref<1x80x16xf32, #tpu.memory_space<hbm>>
      %dma_start3A_108 = tpu.memref_squeeze %dma_start3A_107 : memref<1x80x16xf32, #tpu.memory_space<hbm>> -> memref<80x16xf32, #tpu.memory_space<hbm>>
      %dma_start3A_109 = arith.constant 0 : i32
      %dma_start3A_110 = tpu.memref_slice %arg9[%arg0, %add3A_78, %dma_start3A_109] : memref<2x10240x16xf32, #tpu.memory_space<hbm>> -> memref<1x80x16xf32, #tpu.memory_space<hbm>>
      %dma_start3A_111 = tpu.memref_squeeze %dma_start3A_110 : memref<1x80x16xf32, #tpu.memory_space<hbm>> -> memref<80x16xf32, #tpu.memory_space<hbm>>
      tpu.enqueue_dma source(%arg14 : memref<80x16xf32, #tpu.memory_space<vmem>>) target(%dma_start3A_111 : memref<80x16xf32, #tpu.memory_space<hbm>>) target_semaphore(%run_scoped3A : memref<!tpu.dma_semaphore, #tpu.memory_space<semaphore_mem>>)
      %dma_wait3A = arith.constant 0 : i32
      %dma_wait3A_112 = tpu.memref_slice %arg9[%arg0, %add3A_78, %dma_wait3A] : memref<2x10240x16xf32, #tpu.memory_space<hbm>> -> memref<1x80x16xf32, #tpu.memory_space<hbm>>
      %dma_wait3A_113 = tpu.memref_squeeze %dma_wait3A_112 : memref<1x80x16xf32, #tpu.memory_space<hbm>> -> memref<80x16xf32, #tpu.memory_space<hbm>>
      %dma_wait3A_114 = arith.constant 0 : i32
      %dma_wait3A_115 = tpu.memref_slice %arg9[%arg0, %add3A_78, %dma_wait3A_114] : memref<2x10240x16xf32, #tpu.memory_space<hbm>> -> memref<1x80x16xf32, #tpu.memory_space<hbm>>
      %dma_wait3A_116 = tpu.memref_squeeze %dma_wait3A_115 : memref<1x80x16xf32, #tpu.memory_space<hbm>> -> memref<80x16xf32, #tpu.memory_space<hbm>>
      tpu.wait_dma2 semaphore(%run_scoped3A : memref<!tpu.dma_semaphore, #tpu.memory_space<semaphore_mem>>) src(%arg14 : memref<80x16xf32, #tpu.memory_space<vmem>>) dst(%dma_wait3A_116 : memref<80x16xf32, #tpu.memory_space<hbm>>)
      tpu.yield
    }) : () -> ()
    %add3A_79 = arith.constant 80 : i32
    %add3A_80 = arith.addi %mul3A_0, %add3A_79 : i32
    "tpu.region"() ({
      %run_scoped3A = tpu.sem_alloc : memref<!tpu.dma_semaphore, #tpu.memory_space<semaphore_mem>>
      %dma_start3A = arith.constant 0 : i32
      %dma_start3A_107 = tpu.memref_slice %arg16[%add3A_80, %dma_start3A] : memref<10240x16xf32, #tpu.memory_space<vmem_shared>> -> memref<80x16xf32, #tpu.memory_space<vmem_shared>>
      %dma_start3A_108 = arith.constant 0 : i32
      %dma_start3A_109 = tpu.memref_slice %arg16[%add3A_80, %dma_start3A_108] : memref<10240x16xf32, #tpu.memory_space<vmem_shared>> -> memref<80x16xf32, #tpu.memory_space<vmem_shared>>
      tpu.enqueue_dma source(%dma_start3A_109 : memref<80x16xf32, #tpu.memory_space<vmem_shared>>) target(%arg14 : memref<80x16xf32, #tpu.memory_space<vmem>>) target_semaphore(%run_scoped3A : memref<!tpu.dma_semaphore, #tpu.memory_space<semaphore_mem>>)
      %dma_wait3A = arith.constant 0 : i32
      %dma_wait3A_110 = tpu.memref_slice %arg16[%add3A_80, %dma_wait3A] : memref<10240x16xf32, #tpu.memory_space<vmem_shared>> -> memref<80x16xf32, #tpu.memory_space<vmem_shared>>
      %dma_wait3A_111 = arith.constant 0 : i32
      %dma_wait3A_112 = tpu.memref_slice %arg16[%add3A_80, %dma_wait3A_111] : memref<10240x16xf32, #tpu.memory_space<vmem_shared>> -> memref<80x16xf32, #tpu.memory_space<vmem_shared>>
      tpu.wait_dma2 semaphore(%run_scoped3A : memref<!tpu.dma_semaphore, #tpu.memory_space<semaphore_mem>>) src(%dma_wait3A_112 : memref<80x16xf32, #tpu.memory_space<vmem_shared>>) dst(%arg14 : memref<80x16xf32, #tpu.memory_space<vmem>>)
      tpu.yield
    }) : () -> ()
    %add3A_81 = arith.constant 80 : i32
    %add3A_82 = arith.addi %mul3A_0, %add3A_81 : i32
    "tpu.region"() ({
      %run_scoped3A = tpu.sem_alloc : memref<!tpu.dma_semaphore, #tpu.memory_space<semaphore_mem>>
      %dma_start3A = arith.constant 0 : i32
      %dma_start3A_107 = tpu.memref_slice %arg9[%arg0, %add3A_82, %dma_start3A] : memref<2x10240x16xf32, #tpu.memory_space<hbm>> -> memref<1x80x16xf32, #tpu.memory_space<hbm>>
      %dma_start3A_108 = tpu.memref_squeeze %dma_start3A_107 : memref<1x80x16xf32, #tpu.memory_space<hbm>> -> memref<80x16xf32, #tpu.memory_space<hbm>>
      %dma_start3A_109 = arith.constant 0 : i32
      %dma_start3A_110 = tpu.memref_slice %arg9[%arg0, %add3A_82, %dma_start3A_109] : memref<2x10240x16xf32, #tpu.memory_space<hbm>> -> memref<1x80x16xf32, #tpu.memory_space<hbm>>
      %dma_start3A_111 = tpu.memref_squeeze %dma_start3A_110 : memref<1x80x16xf32, #tpu.memory_space<hbm>> -> memref<80x16xf32, #tpu.memory_space<hbm>>
      tpu.enqueue_dma source(%arg14 : memref<80x16xf32, #tpu.memory_space<vmem>>) target(%dma_start3A_111 : memref<80x16xf32, #tpu.memory_space<hbm>>) target_semaphore(%run_scoped3A : memref<!tpu.dma_semaphore, #tpu.memory_space<semaphore_mem>>)
      %dma_wait3A = arith.constant 0 : i32
      %dma_wait3A_112 = tpu.memref_slice %arg9[%arg0, %add3A_82, %dma_wait3A] : memref<2x10240x16xf32, #tpu.memory_space<hbm>> -> memref<1x80x16xf32, #tpu.memory_space<hbm>>
      %dma_wait3A_113 = tpu.memref_squeeze %dma_wait3A_112 : memref<1x80x16xf32, #tpu.memory_space<hbm>> -> memref<80x16xf32, #tpu.memory_space<hbm>>
      %dma_wait3A_114 = arith.constant 0 : i32
      %dma_wait3A_115 = tpu.memref_slice %arg9[%arg0, %add3A_82, %dma_wait3A_114] : memref<2x10240x16xf32, #tpu.memory_space<hbm>> -> memref<1x80x16xf32, #tpu.memory_space<hbm>>
      %dma_wait3A_116 = tpu.memref_squeeze %dma_wait3A_115 : memref<1x80x16xf32, #tpu.memory_space<hbm>> -> memref<80x16xf32, #tpu.memory_space<hbm>>
      tpu.wait_dma2 semaphore(%run_scoped3A : memref<!tpu.dma_semaphore, #tpu.memory_space<semaphore_mem>>) src(%arg14 : memref<80x16xf32, #tpu.memory_space<vmem>>) dst(%dma_wait3A_116 : memref<80x16xf32, #tpu.memory_space<hbm>>)
      tpu.yield
    }) : () -> ()
    %add3A_83 = arith.constant 160 : i32
    %add3A_84 = arith.addi %mul3A_0, %add3A_83 : i32
    "tpu.region"() ({
      %run_scoped3A = tpu.sem_alloc : memref<!tpu.dma_semaphore, #tpu.memory_space<semaphore_mem>>
      %dma_start3A = arith.constant 0 : i32
      %dma_start3A_107 = tpu.memref_slice %arg16[%add3A_84, %dma_start3A] : memref<10240x16xf32, #tpu.memory_space<vmem_shared>> -> memref<80x16xf32, #tpu.memory_space<vmem_shared>>
      %dma_start3A_108 = arith.constant 0 : i32
      %dma_start3A_109 = tpu.memref_slice %arg16[%add3A_84, %dma_start3A_108] : memref<10240x16xf32, #tpu.memory_space<vmem_shared>> -> memref<80x16xf32, #tpu.memory_space<vmem_shared>>
      tpu.enqueue_dma source(%dma_start3A_109 : memref<80x16xf32, #tpu.memory_space<vmem_shared>>) target(%arg14 : memref<80x16xf32, #tpu.memory_space<vmem>>) target_semaphore(%run_scoped3A : memref<!tpu.dma_semaphore, #tpu.memory_space<semaphore_mem>>)
      %dma_wait3A = arith.constant 0 : i32
      %dma_wait3A_110 = tpu.memref_slice %arg16[%add3A_84, %dma_wait3A] : memref<10240x16xf32, #tpu.memory_space<vmem_shared>> -> memref<80x16xf32, #tpu.memory_space<vmem_shared>>
      %dma_wait3A_111 = arith.constant 0 : i32
      %dma_wait3A_112 = tpu.memref_slice %arg16[%add3A_84, %dma_wait3A_111] : memref<10240x16xf32, #tpu.memory_space<vmem_shared>> -> memref<80x16xf32, #tpu.memory_space<vmem_shared>>
      tpu.wait_dma2 semaphore(%run_scoped3A : memref<!tpu.dma_semaphore, #tpu.memory_space<semaphore_mem>>) src(%dma_wait3A_112 : memref<80x16xf32, #tpu.memory_space<vmem_shared>>) dst(%arg14 : memref<80x16xf32, #tpu.memory_space<vmem>>)
      tpu.yield
    }) : () -> ()
    %add3A_85 = arith.constant 160 : i32
    %add3A_86 = arith.addi %mul3A_0, %add3A_85 : i32
    "tpu.region"() ({
      %run_scoped3A = tpu.sem_alloc : memref<!tpu.dma_semaphore, #tpu.memory_space<semaphore_mem>>
      %dma_start3A = arith.constant 0 : i32
      %dma_start3A_107 = tpu.memref_slice %arg9[%arg0, %add3A_86, %dma_start3A] : memref<2x10240x16xf32, #tpu.memory_space<hbm>> -> memref<1x80x16xf32, #tpu.memory_space<hbm>>
      %dma_start3A_108 = tpu.memref_squeeze %dma_start3A_107 : memref<1x80x16xf32, #tpu.memory_space<hbm>> -> memref<80x16xf32, #tpu.memory_space<hbm>>
      %dma_start3A_109 = arith.constant 0 : i32
      %dma_start3A_110 = tpu.memref_slice %arg9[%arg0, %add3A_86, %dma_start3A_109] : memref<2x10240x16xf32, #tpu.memory_space<hbm>> -> memref<1x80x16xf32, #tpu.memory_space<hbm>>
      %dma_start3A_111 = tpu.memref_squeeze %dma_start3A_110 : memref<1x80x16xf32, #tpu.memory_space<hbm>> -> memref<80x16xf32, #tpu.memory_space<hbm>>
      tpu.enqueue_dma source(%arg14 : memref<80x16xf32, #tpu.memory_space<vmem>>) target(%dma_start3A_111 : memref<80x16xf32, #tpu.memory_space<hbm>>) target_semaphore(%run_scoped3A : memref<!tpu.dma_semaphore, #tpu.memory_space<semaphore_mem>>)
      %dma_wait3A = arith.constant 0 : i32
      %dma_wait3A_112 = tpu.memref_slice %arg9[%arg0, %add3A_86, %dma_wait3A] : memref<2x10240x16xf32, #tpu.memory_space<hbm>> -> memref<1x80x16xf32, #tpu.memory_space<hbm>>
      %dma_wait3A_113 = tpu.memref_squeeze %dma_wait3A_112 : memref<1x80x16xf32, #tpu.memory_space<hbm>> -> memref<80x16xf32, #tpu.memory_space<hbm>>
      %dma_wait3A_114 = arith.constant 0 : i32
      %dma_wait3A_115 = tpu.memref_slice %arg9[%arg0, %add3A_86, %dma_wait3A_114] : memref<2x10240x16xf32, #tpu.memory_space<hbm>> -> memref<1x80x16xf32, #tpu.memory_space<hbm>>
      %dma_wait3A_116 = tpu.memref_squeeze %dma_wait3A_115 : memref<1x80x16xf32, #tpu.memory_space<hbm>> -> memref<80x16xf32, #tpu.memory_space<hbm>>
      tpu.wait_dma2 semaphore(%run_scoped3A : memref<!tpu.dma_semaphore, #tpu.memory_space<semaphore_mem>>) src(%arg14 : memref<80x16xf32, #tpu.memory_space<vmem>>) dst(%dma_wait3A_116 : memref<80x16xf32, #tpu.memory_space<hbm>>)
      tpu.yield
    }) : () -> ()
    %add3A_87 = arith.constant 240 : i32
    %add3A_88 = arith.addi %mul3A_0, %add3A_87 : i32
    "tpu.region"() ({
      %run_scoped3A = tpu.sem_alloc : memref<!tpu.dma_semaphore, #tpu.memory_space<semaphore_mem>>
      %dma_start3A = arith.constant 0 : i32
      %dma_start3A_107 = tpu.memref_slice %arg16[%add3A_88, %dma_start3A] : memref<10240x16xf32, #tpu.memory_space<vmem_shared>> -> memref<80x16xf32, #tpu.memory_space<vmem_shared>>
      %dma_start3A_108 = arith.constant 0 : i32
      %dma_start3A_109 = tpu.memref_slice %arg16[%add3A_88, %dma_start3A_108] : memref<10240x16xf32, #tpu.memory_space<vmem_shared>> -> memref<80x16xf32, #tpu.memory_space<vmem_shared>>
      tpu.enqueue_dma source(%dma_start3A_109 : memref<80x16xf32, #tpu.memory_space<vmem_shared>>) target(%arg14 : memref<80x16xf32, #tpu.memory_space<vmem>>) target_semaphore(%run_scoped3A : memref<!tpu.dma_semaphore, #tpu.memory_space<semaphore_mem>>)
      %dma_wait3A = arith.constant 0 : i32
      %dma_wait3A_110 = tpu.memref_slice %arg16[%add3A_88, %dma_wait3A] : memref<10240x16xf32, #tpu.memory_space<vmem_shared>> -> memref<80x16xf32, #tpu.memory_space<vmem_shared>>
      %dma_wait3A_111 = arith.constant 0 : i32
      %dma_wait3A_112 = tpu.memref_slice %arg16[%add3A_88, %dma_wait3A_111] : memref<10240x16xf32, #tpu.memory_space<vmem_shared>> -> memref<80x16xf32, #tpu.memory_space<vmem_shared>>
      tpu.wait_dma2 semaphore(%run_scoped3A : memref<!tpu.dma_semaphore, #tpu.memory_space<semaphore_mem>>) src(%dma_wait3A_112 : memref<80x16xf32, #tpu.memory_space<vmem_shared>>) dst(%arg14 : memref<80x16xf32, #tpu.memory_space<vmem>>)
      tpu.yield
    }) : () -> ()
    %add3A_89 = arith.constant 240 : i32
    %add3A_90 = arith.addi %mul3A_0, %add3A_89 : i32
    "tpu.region"() ({
      %run_scoped3A = tpu.sem_alloc : memref<!tpu.dma_semaphore, #tpu.memory_space<semaphore_mem>>
      %dma_start3A = arith.constant 0 : i32
      %dma_start3A_107 = tpu.memref_slice %arg9[%arg0, %add3A_90, %dma_start3A] : memref<2x10240x16xf32, #tpu.memory_space<hbm>> -> memref<1x80x16xf32, #tpu.memory_space<hbm>>
      %dma_start3A_108 = tpu.memref_squeeze %dma_start3A_107 : memref<1x80x16xf32, #tpu.memory_space<hbm>> -> memref<80x16xf32, #tpu.memory_space<hbm>>
      %dma_start3A_109 = arith.constant 0 : i32
      %dma_start3A_110 = tpu.memref_slice %arg9[%arg0, %add3A_90, %dma_start3A_109] : memref<2x10240x16xf32, #tpu.memory_space<hbm>> -> memref<1x80x16xf32, #tpu.memory_space<hbm>>
      %dma_start3A_111 = tpu.memref_squeeze %dma_start3A_110 : memref<1x80x16xf32, #tpu.memory_space<hbm>> -> memref<80x16xf32, #tpu.memory_space<hbm>>
      tpu.enqueue_dma source(%arg14 : memref<80x16xf32, #tpu.memory_space<vmem>>) target(%dma_start3A_111 : memref<80x16xf32, #tpu.memory_space<hbm>>) target_semaphore(%run_scoped3A : memref<!tpu.dma_semaphore, #tpu.memory_space<semaphore_mem>>)
      %dma_wait3A = arith.constant 0 : i32
      %dma_wait3A_112 = tpu.memref_slice %arg9[%arg0, %add3A_90, %dma_wait3A] : memref<2x10240x16xf32, #tpu.memory_space<hbm>> -> memref<1x80x16xf32, #tpu.memory_space<hbm>>
      %dma_wait3A_113 = tpu.memref_squeeze %dma_wait3A_112 : memref<1x80x16xf32, #tpu.memory_space<hbm>> -> memref<80x16xf32, #tpu.memory_space<hbm>>
      %dma_wait3A_114 = arith.constant 0 : i32
      %dma_wait3A_115 = tpu.memref_slice %arg9[%arg0, %add3A_90, %dma_wait3A_114] : memref<2x10240x16xf32, #tpu.memory_space<hbm>> -> memref<1x80x16xf32, #tpu.memory_space<hbm>>
      %dma_wait3A_116 = tpu.memref_squeeze %dma_wait3A_115 : memref<1x80x16xf32, #tpu.memory_space<hbm>> -> memref<80x16xf32, #tpu.memory_space<hbm>>
      tpu.wait_dma2 semaphore(%run_scoped3A : memref<!tpu.dma_semaphore, #tpu.memory_space<semaphore_mem>>) src(%arg14 : memref<80x16xf32, #tpu.memory_space<vmem>>) dst(%dma_wait3A_116 : memref<80x16xf32, #tpu.memory_space<hbm>>)
      tpu.yield
    }) : () -> ()
    %add3A_91 = arith.constant 320 : i32
    %add3A_92 = arith.addi %mul3A_0, %add3A_91 : i32
    "tpu.region"() ({
      %run_scoped3A = tpu.sem_alloc : memref<!tpu.dma_semaphore, #tpu.memory_space<semaphore_mem>>
      %dma_start3A = arith.constant 0 : i32
      %dma_start3A_107 = tpu.memref_slice %arg16[%add3A_92, %dma_start3A] : memref<10240x16xf32, #tpu.memory_space<vmem_shared>> -> memref<80x16xf32, #tpu.memory_space<vmem_shared>>
      %dma_start3A_108 = arith.constant 0 : i32
      %dma_start3A_109 = tpu.memref_slice %arg16[%add3A_92, %dma_start3A_108] : memref<10240x16xf32, #tpu.memory_space<vmem_shared>> -> memref<80x16xf32, #tpu.memory_space<vmem_shared>>
      tpu.enqueue_dma source(%dma_start3A_109 : memref<80x16xf32, #tpu.memory_space<vmem_shared>>) target(%arg14 : memref<80x16xf32, #tpu.memory_space<vmem>>) target_semaphore(%run_scoped3A : memref<!tpu.dma_semaphore, #tpu.memory_space<semaphore_mem>>)
      %dma_wait3A = arith.constant 0 : i32
      %dma_wait3A_110 = tpu.memref_slice %arg16[%add3A_92, %dma_wait3A] : memref<10240x16xf32, #tpu.memory_space<vmem_shared>> -> memref<80x16xf32, #tpu.memory_space<vmem_shared>>
      %dma_wait3A_111 = arith.constant 0 : i32
      %dma_wait3A_112 = tpu.memref_slice %arg16[%add3A_92, %dma_wait3A_111] : memref<10240x16xf32, #tpu.memory_space<vmem_shared>> -> memref<80x16xf32, #tpu.memory_space<vmem_shared>>
      tpu.wait_dma2 semaphore(%run_scoped3A : memref<!tpu.dma_semaphore, #tpu.memory_space<semaphore_mem>>) src(%dma_wait3A_112 : memref<80x16xf32, #tpu.memory_space<vmem_shared>>) dst(%arg14 : memref<80x16xf32, #tpu.memory_space<vmem>>)
      tpu.yield
    }) : () -> ()
    %add3A_93 = arith.constant 320 : i32
    %add3A_94 = arith.addi %mul3A_0, %add3A_93 : i32
    "tpu.region"() ({
      %run_scoped3A = tpu.sem_alloc : memref<!tpu.dma_semaphore, #tpu.memory_space<semaphore_mem>>
      %dma_start3A = arith.constant 0 : i32
      %dma_start3A_107 = tpu.memref_slice %arg9[%arg0, %add3A_94, %dma_start3A] : memref<2x10240x16xf32, #tpu.memory_space<hbm>> -> memref<1x80x16xf32, #tpu.memory_space<hbm>>
      %dma_start3A_108 = tpu.memref_squeeze %dma_start3A_107 : memref<1x80x16xf32, #tpu.memory_space<hbm>> -> memref<80x16xf32, #tpu.memory_space<hbm>>
      %dma_start3A_109 = arith.constant 0 : i32
      %dma_start3A_110 = tpu.memref_slice %arg9[%arg0, %add3A_94, %dma_start3A_109] : memref<2x10240x16xf32, #tpu.memory_space<hbm>> -> memref<1x80x16xf32, #tpu.memory_space<hbm>>
      %dma_start3A_111 = tpu.memref_squeeze %dma_start3A_110 : memref<1x80x16xf32, #tpu.memory_space<hbm>> -> memref<80x16xf32, #tpu.memory_space<hbm>>
      tpu.enqueue_dma source(%arg14 : memref<80x16xf32, #tpu.memory_space<vmem>>) target(%dma_start3A_111 : memref<80x16xf32, #tpu.memory_space<hbm>>) target_semaphore(%run_scoped3A : memref<!tpu.dma_semaphore, #tpu.memory_space<semaphore_mem>>)
      %dma_wait3A = arith.constant 0 : i32
      %dma_wait3A_112 = tpu.memref_slice %arg9[%arg0, %add3A_94, %dma_wait3A] : memref<2x10240x16xf32, #tpu.memory_space<hbm>> -> memref<1x80x16xf32, #tpu.memory_space<hbm>>
      %dma_wait3A_113 = tpu.memref_squeeze %dma_wait3A_112 : memref<1x80x16xf32, #tpu.memory_space<hbm>> -> memref<80x16xf32, #tpu.memory_space<hbm>>
      %dma_wait3A_114 = arith.constant 0 : i32
      %dma_wait3A_115 = tpu.memref_slice %arg9[%arg0, %add3A_94, %dma_wait3A_114] : memref<2x10240x16xf32, #tpu.memory_space<hbm>> -> memref<1x80x16xf32, #tpu.memory_space<hbm>>
      %dma_wait3A_116 = tpu.memref_squeeze %dma_wait3A_115 : memref<1x80x16xf32, #tpu.memory_space<hbm>> -> memref<80x16xf32, #tpu.memory_space<hbm>>
      tpu.wait_dma2 semaphore(%run_scoped3A : memref<!tpu.dma_semaphore, #tpu.memory_space<semaphore_mem>>) src(%arg14 : memref<80x16xf32, #tpu.memory_space<vmem>>) dst(%dma_wait3A_116 : memref<80x16xf32, #tpu.memory_space<hbm>>)
      tpu.yield
    }) : () -> ()
    %add3A_95 = arith.constant 400 : i32
    %add3A_96 = arith.addi %mul3A_0, %add3A_95 : i32
    "tpu.region"() ({
      %run_scoped3A = tpu.sem_alloc : memref<!tpu.dma_semaphore, #tpu.memory_space<semaphore_mem>>
      %dma_start3A = arith.constant 0 : i32
      %dma_start3A_107 = tpu.memref_slice %arg16[%add3A_96, %dma_start3A] : memref<10240x16xf32, #tpu.memory_space<vmem_shared>> -> memref<80x16xf32, #tpu.memory_space<vmem_shared>>
      %dma_start3A_108 = arith.constant 0 : i32
      %dma_start3A_109 = tpu.memref_slice %arg16[%add3A_96, %dma_start3A_108] : memref<10240x16xf32, #tpu.memory_space<vmem_shared>> -> memref<80x16xf32, #tpu.memory_space<vmem_shared>>
      tpu.enqueue_dma source(%dma_start3A_109 : memref<80x16xf32, #tpu.memory_space<vmem_shared>>) target(%arg14 : memref<80x16xf32, #tpu.memory_space<vmem>>) target_semaphore(%run_scoped3A : memref<!tpu.dma_semaphore, #tpu.memory_space<semaphore_mem>>)
      %dma_wait3A = arith.constant 0 : i32
      %dma_wait3A_110 = tpu.memref_slice %arg16[%add3A_96, %dma_wait3A] : memref<10240x16xf32, #tpu.memory_space<vmem_shared>> -> memref<80x16xf32, #tpu.memory_space<vmem_shared>>
      %dma_wait3A_111 = arith.constant 0 : i32
      %dma_wait3A_112 = tpu.memref_slice %arg16[%add3A_96, %dma_wait3A_111] : memref<10240x16xf32, #tpu.memory_space<vmem_shared>> -> memref<80x16xf32, #tpu.memory_space<vmem_shared>>
      tpu.wait_dma2 semaphore(%run_scoped3A : memref<!tpu.dma_semaphore, #tpu.memory_space<semaphore_mem>>) src(%dma_wait3A_112 : memref<80x16xf32, #tpu.memory_space<vmem_shared>>) dst(%arg14 : memref<80x16xf32, #tpu.memory_space<vmem>>)
      tpu.yield
    }) : () -> ()
    %add3A_97 = arith.constant 400 : i32
    %add3A_98 = arith.addi %mul3A_0, %add3A_97 : i32
    "tpu.region"() ({
      %run_scoped3A = tpu.sem_alloc : memref<!tpu.dma_semaphore, #tpu.memory_space<semaphore_mem>>
      %dma_start3A = arith.constant 0 : i32
      %dma_start3A_107 = tpu.memref_slice %arg9[%arg0, %add3A_98, %dma_start3A] : memref<2x10240x16xf32, #tpu.memory_space<hbm>> -> memref<1x80x16xf32, #tpu.memory_space<hbm>>
      %dma_start3A_108 = tpu.memref_squeeze %dma_start3A_107 : memref<1x80x16xf32, #tpu.memory_space<hbm>> -> memref<80x16xf32, #tpu.memory_space<hbm>>
      %dma_start3A_109 = arith.constant 0 : i32
      %dma_start3A_110 = tpu.memref_slice %arg9[%arg0, %add3A_98, %dma_start3A_109] : memref<2x10240x16xf32, #tpu.memory_space<hbm>> -> memref<1x80x16xf32, #tpu.memory_space<hbm>>
      %dma_start3A_111 = tpu.memref_squeeze %dma_start3A_110 : memref<1x80x16xf32, #tpu.memory_space<hbm>> -> memref<80x16xf32, #tpu.memory_space<hbm>>
      tpu.enqueue_dma source(%arg14 : memref<80x16xf32, #tpu.memory_space<vmem>>) target(%dma_start3A_111 : memref<80x16xf32, #tpu.memory_space<hbm>>) target_semaphore(%run_scoped3A : memref<!tpu.dma_semaphore, #tpu.memory_space<semaphore_mem>>)
      %dma_wait3A = arith.constant 0 : i32
      %dma_wait3A_112 = tpu.memref_slice %arg9[%arg0, %add3A_98, %dma_wait3A] : memref<2x10240x16xf32, #tpu.memory_space<hbm>> -> memref<1x80x16xf32, #tpu.memory_space<hbm>>
      %dma_wait3A_113 = tpu.memref_squeeze %dma_wait3A_112 : memref<1x80x16xf32, #tpu.memory_space<hbm>> -> memref<80x16xf32, #tpu.memory_space<hbm>>
      %dma_wait3A_114 = arith.constant 0 : i32
      %dma_wait3A_115 = tpu.memref_slice %arg9[%arg0, %add3A_98, %dma_wait3A_114] : memref<2x10240x16xf32, #tpu.memory_space<hbm>> -> memref<1x80x16xf32, #tpu.memory_space<hbm>>
      %dma_wait3A_116 = tpu.memref_squeeze %dma_wait3A_115 : memref<1x80x16xf32, #tpu.memory_space<hbm>> -> memref<80x16xf32, #tpu.memory_space<hbm>>
      tpu.wait_dma2 semaphore(%run_scoped3A : memref<!tpu.dma_semaphore, #tpu.memory_space<semaphore_mem>>) src(%arg14 : memref<80x16xf32, #tpu.memory_space<vmem>>) dst(%dma_wait3A_116 : memref<80x16xf32, #tpu.memory_space<hbm>>)
      tpu.yield
    }) : () -> ()
    %add3A_99 = arith.constant 480 : i32
    %add3A_100 = arith.addi %mul3A_0, %add3A_99 : i32
    "tpu.region"() ({
      %run_scoped3A = tpu.sem_alloc : memref<!tpu.dma_semaphore, #tpu.memory_space<semaphore_mem>>
      %dma_start3A = arith.constant 0 : i32
      %dma_start3A_107 = tpu.memref_slice %arg16[%add3A_100, %dma_start3A] : memref<10240x16xf32, #tpu.memory_space<vmem_shared>> -> memref<80x16xf32, #tpu.memory_space<vmem_shared>>
      %dma_start3A_108 = arith.constant 0 : i32
      %dma_start3A_109 = tpu.memref_slice %arg16[%add3A_100, %dma_start3A_108] : memref<10240x16xf32, #tpu.memory_space<vmem_shared>> -> memref<80x16xf32, #tpu.memory_space<vmem_shared>>
      tpu.enqueue_dma source(%dma_start3A_109 : memref<80x16xf32, #tpu.memory_space<vmem_shared>>) target(%arg14 : memref<80x16xf32, #tpu.memory_space<vmem>>) target_semaphore(%run_scoped3A : memref<!tpu.dma_semaphore, #tpu.memory_space<semaphore_mem>>)
      %dma_wait3A = arith.constant 0 : i32
      %dma_wait3A_110 = tpu.memref_slice %arg16[%add3A_100, %dma_wait3A] : memref<10240x16xf32, #tpu.memory_space<vmem_shared>> -> memref<80x16xf32, #tpu.memory_space<vmem_shared>>
      %dma_wait3A_111 = arith.constant 0 : i32
      %dma_wait3A_112 = tpu.memref_slice %arg16[%add3A_100, %dma_wait3A_111] : memref<10240x16xf32, #tpu.memory_space<vmem_shared>> -> memref<80x16xf32, #tpu.memory_space<vmem_shared>>
      tpu.wait_dma2 semaphore(%run_scoped3A : memref<!tpu.dma_semaphore, #tpu.memory_space<semaphore_mem>>) src(%dma_wait3A_112 : memref<80x16xf32, #tpu.memory_space<vmem_shared>>) dst(%arg14 : memref<80x16xf32, #tpu.memory_space<vmem>>)
      tpu.yield
    }) : () -> ()
    %add3A_101 = arith.constant 480 : i32
    %add3A_102 = arith.addi %mul3A_0, %add3A_101 : i32
    "tpu.region"() ({
      %run_scoped3A = tpu.sem_alloc : memref<!tpu.dma_semaphore, #tpu.memory_space<semaphore_mem>>
      %dma_start3A = arith.constant 0 : i32
      %dma_start3A_107 = tpu.memref_slice %arg9[%arg0, %add3A_102, %dma_start3A] : memref<2x10240x16xf32, #tpu.memory_space<hbm>> -> memref<1x80x16xf32, #tpu.memory_space<hbm>>
      %dma_start3A_108 = tpu.memref_squeeze %dma_start3A_107 : memref<1x80x16xf32, #tpu.memory_space<hbm>> -> memref<80x16xf32, #tpu.memory_space<hbm>>
      %dma_start3A_109 = arith.constant 0 : i32
      %dma_start3A_110 = tpu.memref_slice %arg9[%arg0, %add3A_102, %dma_start3A_109] : memref<2x10240x16xf32, #tpu.memory_space<hbm>> -> memref<1x80x16xf32, #tpu.memory_space<hbm>>
      %dma_start3A_111 = tpu.memref_squeeze %dma_start3A_110 : memref<1x80x16xf32, #tpu.memory_space<hbm>> -> memref<80x16xf32, #tpu.memory_space<hbm>>
      tpu.enqueue_dma source(%arg14 : memref<80x16xf32, #tpu.memory_space<vmem>>) target(%dma_start3A_111 : memref<80x16xf32, #tpu.memory_space<hbm>>) target_semaphore(%run_scoped3A : memref<!tpu.dma_semaphore, #tpu.memory_space<semaphore_mem>>)
      %dma_wait3A = arith.constant 0 : i32
      %dma_wait3A_112 = tpu.memref_slice %arg9[%arg0, %add3A_102, %dma_wait3A] : memref<2x10240x16xf32, #tpu.memory_space<hbm>> -> memref<1x80x16xf32, #tpu.memory_space<hbm>>
      %dma_wait3A_113 = tpu.memref_squeeze %dma_wait3A_112 : memref<1x80x16xf32, #tpu.memory_space<hbm>> -> memref<80x16xf32, #tpu.memory_space<hbm>>
      %dma_wait3A_114 = arith.constant 0 : i32
      %dma_wait3A_115 = tpu.memref_slice %arg9[%arg0, %add3A_102, %dma_wait3A_114] : memref<2x10240x16xf32, #tpu.memory_space<hbm>> -> memref<1x80x16xf32, #tpu.memory_space<hbm>>
      %dma_wait3A_116 = tpu.memref_squeeze %dma_wait3A_115 : memref<1x80x16xf32, #tpu.memory_space<hbm>> -> memref<80x16xf32, #tpu.memory_space<hbm>>
      tpu.wait_dma2 semaphore(%run_scoped3A : memref<!tpu.dma_semaphore, #tpu.memory_space<semaphore_mem>>) src(%arg14 : memref<80x16xf32, #tpu.memory_space<vmem>>) dst(%dma_wait3A_116 : memref<80x16xf32, #tpu.memory_space<hbm>>)
      tpu.yield
    }) : () -> ()
    %add3A_103 = arith.constant 560 : i32
    %add3A_104 = arith.addi %mul3A_0, %add3A_103 : i32
    "tpu.region"() ({
      %run_scoped3A = tpu.sem_alloc : memref<!tpu.dma_semaphore, #tpu.memory_space<semaphore_mem>>
      %dma_start3A = arith.constant 0 : i32
      %dma_start3A_107 = tpu.memref_slice %arg16[%add3A_104, %dma_start3A] : memref<10240x16xf32, #tpu.memory_space<vmem_shared>> -> memref<80x16xf32, #tpu.memory_space<vmem_shared>>
      %dma_start3A_108 = arith.constant 0 : i32
      %dma_start3A_109 = tpu.memref_slice %arg16[%add3A_104, %dma_start3A_108] : memref<10240x16xf32, #tpu.memory_space<vmem_shared>> -> memref<80x16xf32, #tpu.memory_space<vmem_shared>>
      tpu.enqueue_dma source(%dma_start3A_109 : memref<80x16xf32, #tpu.memory_space<vmem_shared>>) target(%arg14 : memref<80x16xf32, #tpu.memory_space<vmem>>) target_semaphore(%run_scoped3A : memref<!tpu.dma_semaphore, #tpu.memory_space<semaphore_mem>>)
      %dma_wait3A = arith.constant 0 : i32
      %dma_wait3A_110 = tpu.memref_slice %arg16[%add3A_104, %dma_wait3A] : memref<10240x16xf32, #tpu.memory_space<vmem_shared>> -> memref<80x16xf32, #tpu.memory_space<vmem_shared>>
      %dma_wait3A_111 = arith.constant 0 : i32
      %dma_wait3A_112 = tpu.memref_slice %arg16[%add3A_104, %dma_wait3A_111] : memref<10240x16xf32, #tpu.memory_space<vmem_shared>> -> memref<80x16xf32, #tpu.memory_space<vmem_shared>>
      tpu.wait_dma2 semaphore(%run_scoped3A : memref<!tpu.dma_semaphore, #tpu.memory_space<semaphore_mem>>) src(%dma_wait3A_112 : memref<80x16xf32, #tpu.memory_space<vmem_shared>>) dst(%arg14 : memref<80x16xf32, #tpu.memory_space<vmem>>)
      tpu.yield
    }) : () -> ()
    %add3A_105 = arith.constant 560 : i32
    %add3A_106 = arith.addi %mul3A_0, %add3A_105 : i32
    "tpu.region"() ({
      %run_scoped3A = tpu.sem_alloc : memref<!tpu.dma_semaphore, #tpu.memory_space<semaphore_mem>>
      %dma_start3A = arith.constant 0 : i32
      %dma_start3A_107 = tpu.memref_slice %arg9[%arg0, %add3A_106, %dma_start3A] : memref<2x10240x16xf32, #tpu.memory_space<hbm>> -> memref<1x80x16xf32, #tpu.memory_space<hbm>>
      %dma_start3A_108 = tpu.memref_squeeze %dma_start3A_107 : memref<1x80x16xf32, #tpu.memory_space<hbm>> -> memref<80x16xf32, #tpu.memory_space<hbm>>
      %dma_start3A_109 = arith.constant 0 : i32
      %dma_start3A_110 = tpu.memref_slice %arg9[%arg0, %add3A_106, %dma_start3A_109] : memref<2x10240x16xf32, #tpu.memory_space<hbm>> -> memref<1x80x16xf32, #tpu.memory_space<hbm>>
      %dma_start3A_111 = tpu.memref_squeeze %dma_start3A_110 : memref<1x80x16xf32, #tpu.memory_space<hbm>> -> memref<80x16xf32, #tpu.memory_space<hbm>>
      tpu.enqueue_dma source(%arg14 : memref<80x16xf32, #tpu.memory_space<vmem>>) target(%dma_start3A_111 : memref<80x16xf32, #tpu.memory_space<hbm>>) target_semaphore(%run_scoped3A : memref<!tpu.dma_semaphore, #tpu.memory_space<semaphore_mem>>)
      %dma_wait3A = arith.constant 0 : i32
      %dma_wait3A_112 = tpu.memref_slice %arg9[%arg0, %add3A_106, %dma_wait3A] : memref<2x10240x16xf32, #tpu.memory_space<hbm>> -> memref<1x80x16xf32, #tpu.memory_space<hbm>>
      %dma_wait3A_113 = tpu.memref_squeeze %dma_wait3A_112 : memref<1x80x16xf32, #tpu.memory_space<hbm>> -> memref<80x16xf32, #tpu.memory_space<hbm>>
      %dma_wait3A_114 = arith.constant 0 : i32
      %dma_wait3A_115 = tpu.memref_slice %arg9[%arg0, %add3A_106, %dma_wait3A_114] : memref<2x10240x16xf32, #tpu.memory_space<hbm>> -> memref<1x80x16xf32, #tpu.memory_space<hbm>>
      %dma_wait3A_116 = tpu.memref_squeeze %dma_wait3A_115 : memref<1x80x16xf32, #tpu.memory_space<hbm>> -> memref<80x16xf32, #tpu.memory_space<hbm>>
      tpu.wait_dma2 semaphore(%run_scoped3A : memref<!tpu.dma_semaphore, #tpu.memory_space<semaphore_mem>>) src(%arg14 : memref<80x16xf32, #tpu.memory_space<vmem>>) dst(%dma_wait3A_116 : memref<80x16xf32, #tpu.memory_space<hbm>>)
      tpu.yield
    }) : () -> ()
    return
  }
}

#map = affine_map<(d0, d1) -> (0, 0)>
#map1 = affine_map<(d0, d1) -> (0)>
#map2 = affine_map<(d0, d1) -> (0, 0, 0)>
module attributes {stable_mosaic.version = 14 : i64} {
  func.func @sage_sc_agg(%arg0: i32, %arg1: i32, %arg2: memref<10000x128xf32, #tpu.memory_space<hbm>>, %arg3: memref<320000xi32, #tpu.memory_space<hbm>>, %arg4: memref<320000xi32, #tpu.memory_space<hbm>>, %arg5: memref<80x128xf32, #tpu.memory_space<hbm>>, %arg6: memref<2x10240x128xf32, #tpu.memory_space<hbm>>, %arg7: memref<80xi32, #tpu.memory_space<vmem>>, %arg8: memref<80xi32, #tpu.memory_space<vmem>>, %arg9: memref<80x128xf32, #tpu.memory_space<vmem>>, %arg10: memref<10240x128xf32, #tpu.memory_space<vmem_shared>>, %arg11: memref<!tpu.dma_semaphore, #tpu.memory_space<semaphore_mem>>) attributes {dimension_semantics = [#tpu.dimension_semantics<core_parallel>, #tpu.dimension_semantics<subcore_parallel>], iteration_bounds = array<i64: 2, 16>, scalar_prefetch = 0 : i64, scratch_operands = 5 : i64, tpu.core_type = #tpu.core_type<sc_vector_subcore>, window_params = [{transform_indices = #map}, {transform_indices = #map1}, {transform_indices = #map1}, {transform_indices = #map}, {transform_indices = #map2}]} {
    %mul3A = arith.constant 640 : i32
    %mul3A_0 = arith.muli %arg1, %mul3A : i32
    "tpu.region"() ({
      %run_scoped3A = tpu.sem_alloc : memref<!tpu.dma_semaphore, #tpu.memory_space<semaphore_mem>>
      tpu.enqueue_dma source(%arg5 : memref<80x128xf32, #tpu.memory_space<hbm>>) target(%arg9 : memref<80x128xf32, #tpu.memory_space<vmem>>) target_semaphore(%run_scoped3A : memref<!tpu.dma_semaphore, #tpu.memory_space<semaphore_mem>>)
      tpu.wait_dma2 semaphore(%run_scoped3A : memref<!tpu.dma_semaphore, #tpu.memory_space<semaphore_mem>>) src(%arg5 : memref<80x128xf32, #tpu.memory_space<hbm>>) dst(%arg9 : memref<80x128xf32, #tpu.memory_space<vmem>>)
      tpu.yield
    }) : () -> ()
    %add3A = arith.constant 0 : i32
    %add3A_1 = arith.addi %mul3A_0, %add3A : i32
    "tpu.region"() ({
      %run_scoped3A = tpu.sem_alloc : memref<!tpu.dma_semaphore, #tpu.memory_space<semaphore_mem>>
      %dma_start3A = arith.constant 0 : i32
      %dma_start3A_59 = tpu.memref_slice %arg10[%add3A_1, %dma_start3A] : memref<10240x128xf32, #tpu.memory_space<vmem_shared>> -> memref<80x128xf32, #tpu.memory_space<vmem_shared>>
      %dma_start3A_60 = arith.constant 0 : i32
      %dma_start3A_61 = tpu.memref_slice %arg10[%add3A_1, %dma_start3A_60] : memref<10240x128xf32, #tpu.memory_space<vmem_shared>> -> memref<80x128xf32, #tpu.memory_space<vmem_shared>>
      tpu.enqueue_dma source(%arg9 : memref<80x128xf32, #tpu.memory_space<vmem>>) target(%dma_start3A_61 : memref<80x128xf32, #tpu.memory_space<vmem_shared>>) target_semaphore(%run_scoped3A : memref<!tpu.dma_semaphore, #tpu.memory_space<semaphore_mem>>)
      %dma_wait3A = arith.constant 0 : i32
      %dma_wait3A_62 = tpu.memref_slice %arg10[%add3A_1, %dma_wait3A] : memref<10240x128xf32, #tpu.memory_space<vmem_shared>> -> memref<80x128xf32, #tpu.memory_space<vmem_shared>>
      %dma_wait3A_63 = arith.constant 0 : i32
      %dma_wait3A_64 = tpu.memref_slice %arg10[%add3A_1, %dma_wait3A_63] : memref<10240x128xf32, #tpu.memory_space<vmem_shared>> -> memref<80x128xf32, #tpu.memory_space<vmem_shared>>
      tpu.wait_dma2 semaphore(%run_scoped3A : memref<!tpu.dma_semaphore, #tpu.memory_space<semaphore_mem>>) src(%arg9 : memref<80x128xf32, #tpu.memory_space<vmem>>) dst(%dma_wait3A_64 : memref<80x128xf32, #tpu.memory_space<vmem_shared>>)
      tpu.yield
    }) : () -> ()
    %add3A_2 = arith.constant 80 : i32
    %add3A_3 = arith.addi %mul3A_0, %add3A_2 : i32
    "tpu.region"() ({
      %run_scoped3A = tpu.sem_alloc : memref<!tpu.dma_semaphore, #tpu.memory_space<semaphore_mem>>
      %dma_start3A = arith.constant 0 : i32
      %dma_start3A_59 = tpu.memref_slice %arg10[%add3A_3, %dma_start3A] : memref<10240x128xf32, #tpu.memory_space<vmem_shared>> -> memref<80x128xf32, #tpu.memory_space<vmem_shared>>
      %dma_start3A_60 = arith.constant 0 : i32
      %dma_start3A_61 = tpu.memref_slice %arg10[%add3A_3, %dma_start3A_60] : memref<10240x128xf32, #tpu.memory_space<vmem_shared>> -> memref<80x128xf32, #tpu.memory_space<vmem_shared>>
      tpu.enqueue_dma source(%arg9 : memref<80x128xf32, #tpu.memory_space<vmem>>) target(%dma_start3A_61 : memref<80x128xf32, #tpu.memory_space<vmem_shared>>) target_semaphore(%run_scoped3A : memref<!tpu.dma_semaphore, #tpu.memory_space<semaphore_mem>>)
      %dma_wait3A = arith.constant 0 : i32
      %dma_wait3A_62 = tpu.memref_slice %arg10[%add3A_3, %dma_wait3A] : memref<10240x128xf32, #tpu.memory_space<vmem_shared>> -> memref<80x128xf32, #tpu.memory_space<vmem_shared>>
      %dma_wait3A_63 = arith.constant 0 : i32
      %dma_wait3A_64 = tpu.memref_slice %arg10[%add3A_3, %dma_wait3A_63] : memref<10240x128xf32, #tpu.memory_space<vmem_shared>> -> memref<80x128xf32, #tpu.memory_space<vmem_shared>>
      tpu.wait_dma2 semaphore(%run_scoped3A : memref<!tpu.dma_semaphore, #tpu.memory_space<semaphore_mem>>) src(%arg9 : memref<80x128xf32, #tpu.memory_space<vmem>>) dst(%dma_wait3A_64 : memref<80x128xf32, #tpu.memory_space<vmem_shared>>)
      tpu.yield
    }) : () -> ()
    %add3A_4 = arith.constant 160 : i32
    %add3A_5 = arith.addi %mul3A_0, %add3A_4 : i32
    "tpu.region"() ({
      %run_scoped3A = tpu.sem_alloc : memref<!tpu.dma_semaphore, #tpu.memory_space<semaphore_mem>>
      %dma_start3A = arith.constant 0 : i32
      %dma_start3A_59 = tpu.memref_slice %arg10[%add3A_5, %dma_start3A] : memref<10240x128xf32, #tpu.memory_space<vmem_shared>> -> memref<80x128xf32, #tpu.memory_space<vmem_shared>>
      %dma_start3A_60 = arith.constant 0 : i32
      %dma_start3A_61 = tpu.memref_slice %arg10[%add3A_5, %dma_start3A_60] : memref<10240x128xf32, #tpu.memory_space<vmem_shared>> -> memref<80x128xf32, #tpu.memory_space<vmem_shared>>
      tpu.enqueue_dma source(%arg9 : memref<80x128xf32, #tpu.memory_space<vmem>>) target(%dma_start3A_61 : memref<80x128xf32, #tpu.memory_space<vmem_shared>>) target_semaphore(%run_scoped3A : memref<!tpu.dma_semaphore, #tpu.memory_space<semaphore_mem>>)
      %dma_wait3A = arith.constant 0 : i32
      %dma_wait3A_62 = tpu.memref_slice %arg10[%add3A_5, %dma_wait3A] : memref<10240x128xf32, #tpu.memory_space<vmem_shared>> -> memref<80x128xf32, #tpu.memory_space<vmem_shared>>
      %dma_wait3A_63 = arith.constant 0 : i32
      %dma_wait3A_64 = tpu.memref_slice %arg10[%add3A_5, %dma_wait3A_63] : memref<10240x128xf32, #tpu.memory_space<vmem_shared>> -> memref<80x128xf32, #tpu.memory_space<vmem_shared>>
      tpu.wait_dma2 semaphore(%run_scoped3A : memref<!tpu.dma_semaphore, #tpu.memory_space<semaphore_mem>>) src(%arg9 : memref<80x128xf32, #tpu.memory_space<vmem>>) dst(%dma_wait3A_64 : memref<80x128xf32, #tpu.memory_space<vmem_shared>>)
      tpu.yield
    }) : () -> ()
    %add3A_6 = arith.constant 240 : i32
    %add3A_7 = arith.addi %mul3A_0, %add3A_6 : i32
    "tpu.region"() ({
      %run_scoped3A = tpu.sem_alloc : memref<!tpu.dma_semaphore, #tpu.memory_space<semaphore_mem>>
      %dma_start3A = arith.constant 0 : i32
      %dma_start3A_59 = tpu.memref_slice %arg10[%add3A_7, %dma_start3A] : memref<10240x128xf32, #tpu.memory_space<vmem_shared>> -> memref<80x128xf32, #tpu.memory_space<vmem_shared>>
      %dma_start3A_60 = arith.constant 0 : i32
      %dma_start3A_61 = tpu.memref_slice %arg10[%add3A_7, %dma_start3A_60] : memref<10240x128xf32, #tpu.memory_space<vmem_shared>> -> memref<80x128xf32, #tpu.memory_space<vmem_shared>>
      tpu.enqueue_dma source(%arg9 : memref<80x128xf32, #tpu.memory_space<vmem>>) target(%dma_start3A_61 : memref<80x128xf32, #tpu.memory_space<vmem_shared>>) target_semaphore(%run_scoped3A : memref<!tpu.dma_semaphore, #tpu.memory_space<semaphore_mem>>)
      %dma_wait3A = arith.constant 0 : i32
      %dma_wait3A_62 = tpu.memref_slice %arg10[%add3A_7, %dma_wait3A] : memref<10240x128xf32, #tpu.memory_space<vmem_shared>> -> memref<80x128xf32, #tpu.memory_space<vmem_shared>>
      %dma_wait3A_63 = arith.constant 0 : i32
      %dma_wait3A_64 = tpu.memref_slice %arg10[%add3A_7, %dma_wait3A_63] : memref<10240x128xf32, #tpu.memory_space<vmem_shared>> -> memref<80x128xf32, #tpu.memory_space<vmem_shared>>
      tpu.wait_dma2 semaphore(%run_scoped3A : memref<!tpu.dma_semaphore, #tpu.memory_space<semaphore_mem>>) src(%arg9 : memref<80x128xf32, #tpu.memory_space<vmem>>) dst(%dma_wait3A_64 : memref<80x128xf32, #tpu.memory_space<vmem_shared>>)
      tpu.yield
    }) : () -> ()
    %add3A_8 = arith.constant 320 : i32
    %add3A_9 = arith.addi %mul3A_0, %add3A_8 : i32
    "tpu.region"() ({
      %run_scoped3A = tpu.sem_alloc : memref<!tpu.dma_semaphore, #tpu.memory_space<semaphore_mem>>
      %dma_start3A = arith.constant 0 : i32
      %dma_start3A_59 = tpu.memref_slice %arg10[%add3A_9, %dma_start3A] : memref<10240x128xf32, #tpu.memory_space<vmem_shared>> -> memref<80x128xf32, #tpu.memory_space<vmem_shared>>
      %dma_start3A_60 = arith.constant 0 : i32
      %dma_start3A_61 = tpu.memref_slice %arg10[%add3A_9, %dma_start3A_60] : memref<10240x128xf32, #tpu.memory_space<vmem_shared>> -> memref<80x128xf32, #tpu.memory_space<vmem_shared>>
      tpu.enqueue_dma source(%arg9 : memref<80x128xf32, #tpu.memory_space<vmem>>) target(%dma_start3A_61 : memref<80x128xf32, #tpu.memory_space<vmem_shared>>) target_semaphore(%run_scoped3A : memref<!tpu.dma_semaphore, #tpu.memory_space<semaphore_mem>>)
      %dma_wait3A = arith.constant 0 : i32
      %dma_wait3A_62 = tpu.memref_slice %arg10[%add3A_9, %dma_wait3A] : memref<10240x128xf32, #tpu.memory_space<vmem_shared>> -> memref<80x128xf32, #tpu.memory_space<vmem_shared>>
      %dma_wait3A_63 = arith.constant 0 : i32
      %dma_wait3A_64 = tpu.memref_slice %arg10[%add3A_9, %dma_wait3A_63] : memref<10240x128xf32, #tpu.memory_space<vmem_shared>> -> memref<80x128xf32, #tpu.memory_space<vmem_shared>>
      tpu.wait_dma2 semaphore(%run_scoped3A : memref<!tpu.dma_semaphore, #tpu.memory_space<semaphore_mem>>) src(%arg9 : memref<80x128xf32, #tpu.memory_space<vmem>>) dst(%dma_wait3A_64 : memref<80x128xf32, #tpu.memory_space<vmem_shared>>)
      tpu.yield
    }) : () -> ()
    %add3A_10 = arith.constant 400 : i32
    %add3A_11 = arith.addi %mul3A_0, %add3A_10 : i32
    "tpu.region"() ({
      %run_scoped3A = tpu.sem_alloc : memref<!tpu.dma_semaphore, #tpu.memory_space<semaphore_mem>>
      %dma_start3A = arith.constant 0 : i32
      %dma_start3A_59 = tpu.memref_slice %arg10[%add3A_11, %dma_start3A] : memref<10240x128xf32, #tpu.memory_space<vmem_shared>> -> memref<80x128xf32, #tpu.memory_space<vmem_shared>>
      %dma_start3A_60 = arith.constant 0 : i32
      %dma_start3A_61 = tpu.memref_slice %arg10[%add3A_11, %dma_start3A_60] : memref<10240x128xf32, #tpu.memory_space<vmem_shared>> -> memref<80x128xf32, #tpu.memory_space<vmem_shared>>
      tpu.enqueue_dma source(%arg9 : memref<80x128xf32, #tpu.memory_space<vmem>>) target(%dma_start3A_61 : memref<80x128xf32, #tpu.memory_space<vmem_shared>>) target_semaphore(%run_scoped3A : memref<!tpu.dma_semaphore, #tpu.memory_space<semaphore_mem>>)
      %dma_wait3A = arith.constant 0 : i32
      %dma_wait3A_62 = tpu.memref_slice %arg10[%add3A_11, %dma_wait3A] : memref<10240x128xf32, #tpu.memory_space<vmem_shared>> -> memref<80x128xf32, #tpu.memory_space<vmem_shared>>
      %dma_wait3A_63 = arith.constant 0 : i32
      %dma_wait3A_64 = tpu.memref_slice %arg10[%add3A_11, %dma_wait3A_63] : memref<10240x128xf32, #tpu.memory_space<vmem_shared>> -> memref<80x128xf32, #tpu.memory_space<vmem_shared>>
      tpu.wait_dma2 semaphore(%run_scoped3A : memref<!tpu.dma_semaphore, #tpu.memory_space<semaphore_mem>>) src(%arg9 : memref<80x128xf32, #tpu.memory_space<vmem>>) dst(%dma_wait3A_64 : memref<80x128xf32, #tpu.memory_space<vmem_shared>>)
      tpu.yield
    }) : () -> ()
    %add3A_12 = arith.constant 480 : i32
    %add3A_13 = arith.addi %mul3A_0, %add3A_12 : i32
    "tpu.region"() ({
      %run_scoped3A = tpu.sem_alloc : memref<!tpu.dma_semaphore, #tpu.memory_space<semaphore_mem>>
      %dma_start3A = arith.constant 0 : i32
      %dma_start3A_59 = tpu.memref_slice %arg10[%add3A_13, %dma_start3A] : memref<10240x128xf32, #tpu.memory_space<vmem_shared>> -> memref<80x128xf32, #tpu.memory_space<vmem_shared>>
      %dma_start3A_60 = arith.constant 0 : i32
      %dma_start3A_61 = tpu.memref_slice %arg10[%add3A_13, %dma_start3A_60] : memref<10240x128xf32, #tpu.memory_space<vmem_shared>> -> memref<80x128xf32, #tpu.memory_space<vmem_shared>>
      tpu.enqueue_dma source(%arg9 : memref<80x128xf32, #tpu.memory_space<vmem>>) target(%dma_start3A_61 : memref<80x128xf32, #tpu.memory_space<vmem_shared>>) target_semaphore(%run_scoped3A : memref<!tpu.dma_semaphore, #tpu.memory_space<semaphore_mem>>)
      %dma_wait3A = arith.constant 0 : i32
      %dma_wait3A_62 = tpu.memref_slice %arg10[%add3A_13, %dma_wait3A] : memref<10240x128xf32, #tpu.memory_space<vmem_shared>> -> memref<80x128xf32, #tpu.memory_space<vmem_shared>>
      %dma_wait3A_63 = arith.constant 0 : i32
      %dma_wait3A_64 = tpu.memref_slice %arg10[%add3A_13, %dma_wait3A_63] : memref<10240x128xf32, #tpu.memory_space<vmem_shared>> -> memref<80x128xf32, #tpu.memory_space<vmem_shared>>
      tpu.wait_dma2 semaphore(%run_scoped3A : memref<!tpu.dma_semaphore, #tpu.memory_space<semaphore_mem>>) src(%arg9 : memref<80x128xf32, #tpu.memory_space<vmem>>) dst(%dma_wait3A_64 : memref<80x128xf32, #tpu.memory_space<vmem_shared>>)
      tpu.yield
    }) : () -> ()
    %add3A_14 = arith.constant 560 : i32
    %add3A_15 = arith.addi %mul3A_0, %add3A_14 : i32
    "tpu.region"() ({
      %run_scoped3A = tpu.sem_alloc : memref<!tpu.dma_semaphore, #tpu.memory_space<semaphore_mem>>
      %dma_start3A = arith.constant 0 : i32
      %dma_start3A_59 = tpu.memref_slice %arg10[%add3A_15, %dma_start3A] : memref<10240x128xf32, #tpu.memory_space<vmem_shared>> -> memref<80x128xf32, #tpu.memory_space<vmem_shared>>
      %dma_start3A_60 = arith.constant 0 : i32
      %dma_start3A_61 = tpu.memref_slice %arg10[%add3A_15, %dma_start3A_60] : memref<10240x128xf32, #tpu.memory_space<vmem_shared>> -> memref<80x128xf32, #tpu.memory_space<vmem_shared>>
      tpu.enqueue_dma source(%arg9 : memref<80x128xf32, #tpu.memory_space<vmem>>) target(%dma_start3A_61 : memref<80x128xf32, #tpu.memory_space<vmem_shared>>) target_semaphore(%run_scoped3A : memref<!tpu.dma_semaphore, #tpu.memory_space<semaphore_mem>>)
      %dma_wait3A = arith.constant 0 : i32
      %dma_wait3A_62 = tpu.memref_slice %arg10[%add3A_15, %dma_wait3A] : memref<10240x128xf32, #tpu.memory_space<vmem_shared>> -> memref<80x128xf32, #tpu.memory_space<vmem_shared>>
      %dma_wait3A_63 = arith.constant 0 : i32
      %dma_wait3A_64 = tpu.memref_slice %arg10[%add3A_15, %dma_wait3A_63] : memref<10240x128xf32, #tpu.memory_space<vmem_shared>> -> memref<80x128xf32, #tpu.memory_space<vmem_shared>>
      tpu.wait_dma2 semaphore(%run_scoped3A : memref<!tpu.dma_semaphore, #tpu.memory_space<semaphore_mem>>) src(%arg9 : memref<80x128xf32, #tpu.memory_space<vmem>>) dst(%dma_wait3A_64 : memref<80x128xf32, #tpu.memory_space<vmem_shared>>)
      tpu.yield
    }) : () -> ()
    %barrier3A = arith.constant 0 : index
    tpu.barrier barrier_id(%barrier3A)
    %mul3A_16 = arith.constant 16 : i32
    %mul3A_17 = arith.muli %arg0, %mul3A_16 : i32
    %add3A_18 = arith.addi %mul3A_17, %arg1 : i32
    %mul3A_19 = arith.constant 10000 : i32
    %mul3A_20 = arith.muli %add3A_18, %mul3A_19 : i32
    %scan3A = arith.constant 0 : i32
    %scan3A_21 = arith.constant 0 : i32
    %scan3A_22 = arith.constant 125 : i32
    %scan3A_23 = arith.addi %scan3A_21, %scan3A_22 : i32
    %scan3A_24 = arith.constant 1 : i32
    scf.for %scan3A_59 = %scan3A_21 to %scan3A_23 step %scan3A_24  : i32 {
      %mul3A_60 = arith.constant 80 : i32
      %mul3A_61 = arith.muli %scan3A_59, %mul3A_60 : i32
      %add3A_62 = arith.addi %mul3A_20, %mul3A_61 : i32
      "tpu.region"() ({
        %run_scoped3A = tpu.sem_alloc : memref<!tpu.dma_semaphore, #tpu.memory_space<semaphore_mem>>
        %dma_start3A_67 = tpu.memref_slice %arg3[%add3A_62] : memref<320000xi32, #tpu.memory_space<hbm>> -> memref<80xi32, #tpu.memory_space<hbm>>
        %dma_start3A_68 = tpu.memref_slice %arg3[%add3A_62] : memref<320000xi32, #tpu.memory_space<hbm>> -> memref<80xi32, #tpu.memory_space<hbm>>
        tpu.enqueue_dma source(%dma_start3A_68 : memref<80xi32, #tpu.memory_space<hbm>>) target(%arg7 : memref<80xi32, #tpu.memory_space<vmem>>) target_semaphore(%run_scoped3A : memref<!tpu.dma_semaphore, #tpu.memory_space<semaphore_mem>>)
        %dma_wait3A_69 = tpu.memref_slice %arg3[%add3A_62] : memref<320000xi32, #tpu.memory_space<hbm>> -> memref<80xi32, #tpu.memory_space<hbm>>
        %dma_wait3A_70 = tpu.memref_slice %arg3[%add3A_62] : memref<320000xi32, #tpu.memory_space<hbm>> -> memref<80xi32, #tpu.memory_space<hbm>>
        tpu.wait_dma2 semaphore(%run_scoped3A : memref<!tpu.dma_semaphore, #tpu.memory_space<semaphore_mem>>) src(%dma_wait3A_70 : memref<80xi32, #tpu.memory_space<hbm>>) dst(%arg7 : memref<80xi32, #tpu.memory_space<vmem>>)
        tpu.yield
      }) : () -> ()
      "tpu.region"() ({
        %run_scoped3A = tpu.sem_alloc : memref<!tpu.dma_semaphore, #tpu.memory_space<semaphore_mem>>
        %dma_start3A_67 = tpu.memref_slice %arg4[%add3A_62] : memref<320000xi32, #tpu.memory_space<hbm>> -> memref<80xi32, #tpu.memory_space<hbm>>
        %dma_start3A_68 = tpu.memref_slice %arg4[%add3A_62] : memref<320000xi32, #tpu.memory_space<hbm>> -> memref<80xi32, #tpu.memory_space<hbm>>
        tpu.enqueue_dma source(%dma_start3A_68 : memref<80xi32, #tpu.memory_space<hbm>>) target(%arg8 : memref<80xi32, #tpu.memory_space<vmem>>) target_semaphore(%run_scoped3A : memref<!tpu.dma_semaphore, #tpu.memory_space<semaphore_mem>>)
        %dma_wait3A_69 = tpu.memref_slice %arg4[%add3A_62] : memref<320000xi32, #tpu.memory_space<hbm>> -> memref<80xi32, #tpu.memory_space<hbm>>
        %dma_wait3A_70 = tpu.memref_slice %arg4[%add3A_62] : memref<320000xi32, #tpu.memory_space<hbm>> -> memref<80xi32, #tpu.memory_space<hbm>>
        tpu.wait_dma2 semaphore(%run_scoped3A : memref<!tpu.dma_semaphore, #tpu.memory_space<semaphore_mem>>) src(%dma_wait3A_70 : memref<80xi32, #tpu.memory_space<hbm>>) dst(%arg8 : memref<80xi32, #tpu.memory_space<vmem>>)
        tpu.yield
      }) : () -> ()
      %dma_start3A = arith.constant 0 : i32
      %dma_start3A_63 = arith.constant 0 : i32
      %dma_start3A_64 = tpu.memref_slice %arg2[%dma_start3A, %dma_start3A_63] : memref<10000x128xf32, #tpu.memory_space<hbm>> -> memref<10000x128xf32, #tpu.memory_space<hbm>>
      tpu.enqueue_indirect_dma source(%dma_start3A_64 : memref<10000x128xf32, #tpu.memory_space<hbm>>) target(%arg9 : memref<80x128xf32, #tpu.memory_space<vmem>>) offsets(%arg7 : memref<80xi32, #tpu.memory_space<vmem>>) semaphore(%arg11 : memref<!tpu.dma_semaphore, #tpu.memory_space<semaphore_mem>>)
      %dma_wait3A = arith.constant 0 : i32
      %dma_wait3A_65 = arith.constant 0 : i32
      %dma_wait3A_66 = tpu.memref_slice %arg2[%dma_wait3A, %dma_wait3A_65] : memref<10000x128xf32, #tpu.memory_space<hbm>> -> memref<10000x128xf32, #tpu.memory_space<hbm>>
      tpu.wait_indirect_dma semaphore(%arg11 : memref<!tpu.dma_semaphore, #tpu.memory_space<semaphore_mem>>) src(%dma_wait3A_66 : memref<10000x128xf32, #tpu.memory_space<hbm>>) dst(%arg9 : memref<80x128xf32, #tpu.memory_space<vmem>>)
      "tpu.region"() ({
        %run_scoped3A = tpu.sem_alloc : memref<!tpu.dma_semaphore, #tpu.memory_space<semaphore_mem>>
        %dma_start3A_67 = arith.constant 0 : i32
        %dma_start3A_68 = arith.constant 0 : i32
        %dma_start3A_69 = tpu.memref_slice %arg10[%dma_start3A_67, %dma_start3A_68] : memref<10240x128xf32, #tpu.memory_space<vmem_shared>> -> memref<10240x128xf32, #tpu.memory_space<vmem_shared>>
        tpu.enqueue_indirect_dma source(%arg9 : memref<80x128xf32, #tpu.memory_space<vmem>>) target(%dma_start3A_69 : memref<10240x128xf32, #tpu.memory_space<vmem_shared>>) offsets(%arg8 : memref<80xi32, #tpu.memory_space<vmem>>) semaphore(%run_scoped3A : memref<!tpu.dma_semaphore, #tpu.memory_space<semaphore_mem>>) {add = true}
        %dma_wait3A_70 = arith.constant 0 : i32
        %dma_wait3A_71 = arith.constant 0 : i32
        %dma_wait3A_72 = tpu.memref_slice %arg10[%dma_wait3A_70, %dma_wait3A_71] : memref<10240x128xf32, #tpu.memory_space<vmem_shared>> -> memref<10240x128xf32, #tpu.memory_space<vmem_shared>>
        tpu.wait_indirect_dma semaphore(%run_scoped3A : memref<!tpu.dma_semaphore, #tpu.memory_space<semaphore_mem>>) src(%arg9 : memref<80x128xf32, #tpu.memory_space<vmem>>) dst(%dma_wait3A_72 : memref<10240x128xf32, #tpu.memory_space<vmem_shared>>)
        tpu.yield
      }) : () -> ()
    }
    %scan3A_25 = arith.constant 125 : i32
    %barrier3A_26 = arith.constant 0 : index
    tpu.barrier barrier_id(%barrier3A_26)
    %add3A_27 = arith.constant 0 : i32
    %add3A_28 = arith.addi %mul3A_0, %add3A_27 : i32
    "tpu.region"() ({
      %run_scoped3A = tpu.sem_alloc : memref<!tpu.dma_semaphore, #tpu.memory_space<semaphore_mem>>
      %dma_start3A = arith.constant 0 : i32
      %dma_start3A_59 = tpu.memref_slice %arg10[%add3A_28, %dma_start3A] : memref<10240x128xf32, #tpu.memory_space<vmem_shared>> -> memref<80x128xf32, #tpu.memory_space<vmem_shared>>
      %dma_start3A_60 = arith.constant 0 : i32
      %dma_start3A_61 = tpu.memref_slice %arg10[%add3A_28, %dma_start3A_60] : memref<10240x128xf32, #tpu.memory_space<vmem_shared>> -> memref<80x128xf32, #tpu.memory_space<vmem_shared>>
      tpu.enqueue_dma source(%dma_start3A_61 : memref<80x128xf32, #tpu.memory_space<vmem_shared>>) target(%arg9 : memref<80x128xf32, #tpu.memory_space<vmem>>) target_semaphore(%run_scoped3A : memref<!tpu.dma_semaphore, #tpu.memory_space<semaphore_mem>>)
      %dma_wait3A = arith.constant 0 : i32
      %dma_wait3A_62 = tpu.memref_slice %arg10[%add3A_28, %dma_wait3A] : memref<10240x128xf32, #tpu.memory_space<vmem_shared>> -> memref<80x128xf32, #tpu.memory_space<vmem_shared>>
      %dma_wait3A_63 = arith.constant 0 : i32
      %dma_wait3A_64 = tpu.memref_slice %arg10[%add3A_28, %dma_wait3A_63] : memref<10240x128xf32, #tpu.memory_space<vmem_shared>> -> memref<80x128xf32, #tpu.memory_space<vmem_shared>>
      tpu.wait_dma2 semaphore(%run_scoped3A : memref<!tpu.dma_semaphore, #tpu.memory_space<semaphore_mem>>) src(%dma_wait3A_64 : memref<80x128xf32, #tpu.memory_space<vmem_shared>>) dst(%arg9 : memref<80x128xf32, #tpu.memory_space<vmem>>)
      tpu.yield
    }) : () -> ()
    %add3A_29 = arith.constant 0 : i32
    %add3A_30 = arith.addi %mul3A_0, %add3A_29 : i32
    "tpu.region"() ({
      %run_scoped3A = tpu.sem_alloc : memref<!tpu.dma_semaphore, #tpu.memory_space<semaphore_mem>>
      %dma_start3A = arith.constant 0 : i32
      %dma_start3A_59 = tpu.memref_slice %arg6[%arg0, %add3A_30, %dma_start3A] : memref<2x10240x128xf32, #tpu.memory_space<hbm>> -> memref<1x80x128xf32, #tpu.memory_space<hbm>>
      %dma_start3A_60 = tpu.memref_squeeze %dma_start3A_59 : memref<1x80x128xf32, #tpu.memory_space<hbm>> -> memref<80x128xf32, #tpu.memory_space<hbm>>
      %dma_start3A_61 = arith.constant 0 : i32
      %dma_start3A_62 = tpu.memref_slice %arg6[%arg0, %add3A_30, %dma_start3A_61] : memref<2x10240x128xf32, #tpu.memory_space<hbm>> -> memref<1x80x128xf32, #tpu.memory_space<hbm>>
      %dma_start3A_63 = tpu.memref_squeeze %dma_start3A_62 : memref<1x80x128xf32, #tpu.memory_space<hbm>> -> memref<80x128xf32, #tpu.memory_space<hbm>>
      tpu.enqueue_dma source(%arg9 : memref<80x128xf32, #tpu.memory_space<vmem>>) target(%dma_start3A_63 : memref<80x128xf32, #tpu.memory_space<hbm>>) target_semaphore(%run_scoped3A : memref<!tpu.dma_semaphore, #tpu.memory_space<semaphore_mem>>)
      %dma_wait3A = arith.constant 0 : i32
      %dma_wait3A_64 = tpu.memref_slice %arg6[%arg0, %add3A_30, %dma_wait3A] : memref<2x10240x128xf32, #tpu.memory_space<hbm>> -> memref<1x80x128xf32, #tpu.memory_space<hbm>>
      %dma_wait3A_65 = tpu.memref_squeeze %dma_wait3A_64 : memref<1x80x128xf32, #tpu.memory_space<hbm>> -> memref<80x128xf32, #tpu.memory_space<hbm>>
      %dma_wait3A_66 = arith.constant 0 : i32
      %dma_wait3A_67 = tpu.memref_slice %arg6[%arg0, %add3A_30, %dma_wait3A_66] : memref<2x10240x128xf32, #tpu.memory_space<hbm>> -> memref<1x80x128xf32, #tpu.memory_space<hbm>>
      %dma_wait3A_68 = tpu.memref_squeeze %dma_wait3A_67 : memref<1x80x128xf32, #tpu.memory_space<hbm>> -> memref<80x128xf32, #tpu.memory_space<hbm>>
      tpu.wait_dma2 semaphore(%run_scoped3A : memref<!tpu.dma_semaphore, #tpu.memory_space<semaphore_mem>>) src(%arg9 : memref<80x128xf32, #tpu.memory_space<vmem>>) dst(%dma_wait3A_68 : memref<80x128xf32, #tpu.memory_space<hbm>>)
      tpu.yield
    }) : () -> ()
    %add3A_31 = arith.constant 80 : i32
    %add3A_32 = arith.addi %mul3A_0, %add3A_31 : i32
    "tpu.region"() ({
      %run_scoped3A = tpu.sem_alloc : memref<!tpu.dma_semaphore, #tpu.memory_space<semaphore_mem>>
      %dma_start3A = arith.constant 0 : i32
      %dma_start3A_59 = tpu.memref_slice %arg10[%add3A_32, %dma_start3A] : memref<10240x128xf32, #tpu.memory_space<vmem_shared>> -> memref<80x128xf32, #tpu.memory_space<vmem_shared>>
      %dma_start3A_60 = arith.constant 0 : i32
      %dma_start3A_61 = tpu.memref_slice %arg10[%add3A_32, %dma_start3A_60] : memref<10240x128xf32, #tpu.memory_space<vmem_shared>> -> memref<80x128xf32, #tpu.memory_space<vmem_shared>>
      tpu.enqueue_dma source(%dma_start3A_61 : memref<80x128xf32, #tpu.memory_space<vmem_shared>>) target(%arg9 : memref<80x128xf32, #tpu.memory_space<vmem>>) target_semaphore(%run_scoped3A : memref<!tpu.dma_semaphore, #tpu.memory_space<semaphore_mem>>)
      %dma_wait3A = arith.constant 0 : i32
      %dma_wait3A_62 = tpu.memref_slice %arg10[%add3A_32, %dma_wait3A] : memref<10240x128xf32, #tpu.memory_space<vmem_shared>> -> memref<80x128xf32, #tpu.memory_space<vmem_shared>>
      %dma_wait3A_63 = arith.constant 0 : i32
      %dma_wait3A_64 = tpu.memref_slice %arg10[%add3A_32, %dma_wait3A_63] : memref<10240x128xf32, #tpu.memory_space<vmem_shared>> -> memref<80x128xf32, #tpu.memory_space<vmem_shared>>
      tpu.wait_dma2 semaphore(%run_scoped3A : memref<!tpu.dma_semaphore, #tpu.memory_space<semaphore_mem>>) src(%dma_wait3A_64 : memref<80x128xf32, #tpu.memory_space<vmem_shared>>) dst(%arg9 : memref<80x128xf32, #tpu.memory_space<vmem>>)
      tpu.yield
    }) : () -> ()
    %add3A_33 = arith.constant 80 : i32
    %add3A_34 = arith.addi %mul3A_0, %add3A_33 : i32
    "tpu.region"() ({
      %run_scoped3A = tpu.sem_alloc : memref<!tpu.dma_semaphore, #tpu.memory_space<semaphore_mem>>
      %dma_start3A = arith.constant 0 : i32
      %dma_start3A_59 = tpu.memref_slice %arg6[%arg0, %add3A_34, %dma_start3A] : memref<2x10240x128xf32, #tpu.memory_space<hbm>> -> memref<1x80x128xf32, #tpu.memory_space<hbm>>
      %dma_start3A_60 = tpu.memref_squeeze %dma_start3A_59 : memref<1x80x128xf32, #tpu.memory_space<hbm>> -> memref<80x128xf32, #tpu.memory_space<hbm>>
      %dma_start3A_61 = arith.constant 0 : i32
      %dma_start3A_62 = tpu.memref_slice %arg6[%arg0, %add3A_34, %dma_start3A_61] : memref<2x10240x128xf32, #tpu.memory_space<hbm>> -> memref<1x80x128xf32, #tpu.memory_space<hbm>>
      %dma_start3A_63 = tpu.memref_squeeze %dma_start3A_62 : memref<1x80x128xf32, #tpu.memory_space<hbm>> -> memref<80x128xf32, #tpu.memory_space<hbm>>
      tpu.enqueue_dma source(%arg9 : memref<80x128xf32, #tpu.memory_space<vmem>>) target(%dma_start3A_63 : memref<80x128xf32, #tpu.memory_space<hbm>>) target_semaphore(%run_scoped3A : memref<!tpu.dma_semaphore, #tpu.memory_space<semaphore_mem>>)
      %dma_wait3A = arith.constant 0 : i32
      %dma_wait3A_64 = tpu.memref_slice %arg6[%arg0, %add3A_34, %dma_wait3A] : memref<2x10240x128xf32, #tpu.memory_space<hbm>> -> memref<1x80x128xf32, #tpu.memory_space<hbm>>
      %dma_wait3A_65 = tpu.memref_squeeze %dma_wait3A_64 : memref<1x80x128xf32, #tpu.memory_space<hbm>> -> memref<80x128xf32, #tpu.memory_space<hbm>>
      %dma_wait3A_66 = arith.constant 0 : i32
      %dma_wait3A_67 = tpu.memref_slice %arg6[%arg0, %add3A_34, %dma_wait3A_66] : memref<2x10240x128xf32, #tpu.memory_space<hbm>> -> memref<1x80x128xf32, #tpu.memory_space<hbm>>
      %dma_wait3A_68 = tpu.memref_squeeze %dma_wait3A_67 : memref<1x80x128xf32, #tpu.memory_space<hbm>> -> memref<80x128xf32, #tpu.memory_space<hbm>>
      tpu.wait_dma2 semaphore(%run_scoped3A : memref<!tpu.dma_semaphore, #tpu.memory_space<semaphore_mem>>) src(%arg9 : memref<80x128xf32, #tpu.memory_space<vmem>>) dst(%dma_wait3A_68 : memref<80x128xf32, #tpu.memory_space<hbm>>)
      tpu.yield
    }) : () -> ()
    %add3A_35 = arith.constant 160 : i32
    %add3A_36 = arith.addi %mul3A_0, %add3A_35 : i32
    "tpu.region"() ({
      %run_scoped3A = tpu.sem_alloc : memref<!tpu.dma_semaphore, #tpu.memory_space<semaphore_mem>>
      %dma_start3A = arith.constant 0 : i32
      %dma_start3A_59 = tpu.memref_slice %arg10[%add3A_36, %dma_start3A] : memref<10240x128xf32, #tpu.memory_space<vmem_shared>> -> memref<80x128xf32, #tpu.memory_space<vmem_shared>>
      %dma_start3A_60 = arith.constant 0 : i32
      %dma_start3A_61 = tpu.memref_slice %arg10[%add3A_36, %dma_start3A_60] : memref<10240x128xf32, #tpu.memory_space<vmem_shared>> -> memref<80x128xf32, #tpu.memory_space<vmem_shared>>
      tpu.enqueue_dma source(%dma_start3A_61 : memref<80x128xf32, #tpu.memory_space<vmem_shared>>) target(%arg9 : memref<80x128xf32, #tpu.memory_space<vmem>>) target_semaphore(%run_scoped3A : memref<!tpu.dma_semaphore, #tpu.memory_space<semaphore_mem>>)
      %dma_wait3A = arith.constant 0 : i32
      %dma_wait3A_62 = tpu.memref_slice %arg10[%add3A_36, %dma_wait3A] : memref<10240x128xf32, #tpu.memory_space<vmem_shared>> -> memref<80x128xf32, #tpu.memory_space<vmem_shared>>
      %dma_wait3A_63 = arith.constant 0 : i32
      %dma_wait3A_64 = tpu.memref_slice %arg10[%add3A_36, %dma_wait3A_63] : memref<10240x128xf32, #tpu.memory_space<vmem_shared>> -> memref<80x128xf32, #tpu.memory_space<vmem_shared>>
      tpu.wait_dma2 semaphore(%run_scoped3A : memref<!tpu.dma_semaphore, #tpu.memory_space<semaphore_mem>>) src(%dma_wait3A_64 : memref<80x128xf32, #tpu.memory_space<vmem_shared>>) dst(%arg9 : memref<80x128xf32, #tpu.memory_space<vmem>>)
      tpu.yield
    }) : () -> ()
    %add3A_37 = arith.constant 160 : i32
    %add3A_38 = arith.addi %mul3A_0, %add3A_37 : i32
    "tpu.region"() ({
      %run_scoped3A = tpu.sem_alloc : memref<!tpu.dma_semaphore, #tpu.memory_space<semaphore_mem>>
      %dma_start3A = arith.constant 0 : i32
      %dma_start3A_59 = tpu.memref_slice %arg6[%arg0, %add3A_38, %dma_start3A] : memref<2x10240x128xf32, #tpu.memory_space<hbm>> -> memref<1x80x128xf32, #tpu.memory_space<hbm>>
      %dma_start3A_60 = tpu.memref_squeeze %dma_start3A_59 : memref<1x80x128xf32, #tpu.memory_space<hbm>> -> memref<80x128xf32, #tpu.memory_space<hbm>>
      %dma_start3A_61 = arith.constant 0 : i32
      %dma_start3A_62 = tpu.memref_slice %arg6[%arg0, %add3A_38, %dma_start3A_61] : memref<2x10240x128xf32, #tpu.memory_space<hbm>> -> memref<1x80x128xf32, #tpu.memory_space<hbm>>
      %dma_start3A_63 = tpu.memref_squeeze %dma_start3A_62 : memref<1x80x128xf32, #tpu.memory_space<hbm>> -> memref<80x128xf32, #tpu.memory_space<hbm>>
      tpu.enqueue_dma source(%arg9 : memref<80x128xf32, #tpu.memory_space<vmem>>) target(%dma_start3A_63 : memref<80x128xf32, #tpu.memory_space<hbm>>) target_semaphore(%run_scoped3A : memref<!tpu.dma_semaphore, #tpu.memory_space<semaphore_mem>>)
      %dma_wait3A = arith.constant 0 : i32
      %dma_wait3A_64 = tpu.memref_slice %arg6[%arg0, %add3A_38, %dma_wait3A] : memref<2x10240x128xf32, #tpu.memory_space<hbm>> -> memref<1x80x128xf32, #tpu.memory_space<hbm>>
      %dma_wait3A_65 = tpu.memref_squeeze %dma_wait3A_64 : memref<1x80x128xf32, #tpu.memory_space<hbm>> -> memref<80x128xf32, #tpu.memory_space<hbm>>
      %dma_wait3A_66 = arith.constant 0 : i32
      %dma_wait3A_67 = tpu.memref_slice %arg6[%arg0, %add3A_38, %dma_wait3A_66] : memref<2x10240x128xf32, #tpu.memory_space<hbm>> -> memref<1x80x128xf32, #tpu.memory_space<hbm>>
      %dma_wait3A_68 = tpu.memref_squeeze %dma_wait3A_67 : memref<1x80x128xf32, #tpu.memory_space<hbm>> -> memref<80x128xf32, #tpu.memory_space<hbm>>
      tpu.wait_dma2 semaphore(%run_scoped3A : memref<!tpu.dma_semaphore, #tpu.memory_space<semaphore_mem>>) src(%arg9 : memref<80x128xf32, #tpu.memory_space<vmem>>) dst(%dma_wait3A_68 : memref<80x128xf32, #tpu.memory_space<hbm>>)
      tpu.yield
    }) : () -> ()
    %add3A_39 = arith.constant 240 : i32
    %add3A_40 = arith.addi %mul3A_0, %add3A_39 : i32
    "tpu.region"() ({
      %run_scoped3A = tpu.sem_alloc : memref<!tpu.dma_semaphore, #tpu.memory_space<semaphore_mem>>
      %dma_start3A = arith.constant 0 : i32
      %dma_start3A_59 = tpu.memref_slice %arg10[%add3A_40, %dma_start3A] : memref<10240x128xf32, #tpu.memory_space<vmem_shared>> -> memref<80x128xf32, #tpu.memory_space<vmem_shared>>
      %dma_start3A_60 = arith.constant 0 : i32
      %dma_start3A_61 = tpu.memref_slice %arg10[%add3A_40, %dma_start3A_60] : memref<10240x128xf32, #tpu.memory_space<vmem_shared>> -> memref<80x128xf32, #tpu.memory_space<vmem_shared>>
      tpu.enqueue_dma source(%dma_start3A_61 : memref<80x128xf32, #tpu.memory_space<vmem_shared>>) target(%arg9 : memref<80x128xf32, #tpu.memory_space<vmem>>) target_semaphore(%run_scoped3A : memref<!tpu.dma_semaphore, #tpu.memory_space<semaphore_mem>>)
      %dma_wait3A = arith.constant 0 : i32
      %dma_wait3A_62 = tpu.memref_slice %arg10[%add3A_40, %dma_wait3A] : memref<10240x128xf32, #tpu.memory_space<vmem_shared>> -> memref<80x128xf32, #tpu.memory_space<vmem_shared>>
      %dma_wait3A_63 = arith.constant 0 : i32
      %dma_wait3A_64 = tpu.memref_slice %arg10[%add3A_40, %dma_wait3A_63] : memref<10240x128xf32, #tpu.memory_space<vmem_shared>> -> memref<80x128xf32, #tpu.memory_space<vmem_shared>>
      tpu.wait_dma2 semaphore(%run_scoped3A : memref<!tpu.dma_semaphore, #tpu.memory_space<semaphore_mem>>) src(%dma_wait3A_64 : memref<80x128xf32, #tpu.memory_space<vmem_shared>>) dst(%arg9 : memref<80x128xf32, #tpu.memory_space<vmem>>)
      tpu.yield
    }) : () -> ()
    %add3A_41 = arith.constant 240 : i32
    %add3A_42 = arith.addi %mul3A_0, %add3A_41 : i32
    "tpu.region"() ({
      %run_scoped3A = tpu.sem_alloc : memref<!tpu.dma_semaphore, #tpu.memory_space<semaphore_mem>>
      %dma_start3A = arith.constant 0 : i32
      %dma_start3A_59 = tpu.memref_slice %arg6[%arg0, %add3A_42, %dma_start3A] : memref<2x10240x128xf32, #tpu.memory_space<hbm>> -> memref<1x80x128xf32, #tpu.memory_space<hbm>>
      %dma_start3A_60 = tpu.memref_squeeze %dma_start3A_59 : memref<1x80x128xf32, #tpu.memory_space<hbm>> -> memref<80x128xf32, #tpu.memory_space<hbm>>
      %dma_start3A_61 = arith.constant 0 : i32
      %dma_start3A_62 = tpu.memref_slice %arg6[%arg0, %add3A_42, %dma_start3A_61] : memref<2x10240x128xf32, #tpu.memory_space<hbm>> -> memref<1x80x128xf32, #tpu.memory_space<hbm>>
      %dma_start3A_63 = tpu.memref_squeeze %dma_start3A_62 : memref<1x80x128xf32, #tpu.memory_space<hbm>> -> memref<80x128xf32, #tpu.memory_space<hbm>>
      tpu.enqueue_dma source(%arg9 : memref<80x128xf32, #tpu.memory_space<vmem>>) target(%dma_start3A_63 : memref<80x128xf32, #tpu.memory_space<hbm>>) target_semaphore(%run_scoped3A : memref<!tpu.dma_semaphore, #tpu.memory_space<semaphore_mem>>)
      %dma_wait3A = arith.constant 0 : i32
      %dma_wait3A_64 = tpu.memref_slice %arg6[%arg0, %add3A_42, %dma_wait3A] : memref<2x10240x128xf32, #tpu.memory_space<hbm>> -> memref<1x80x128xf32, #tpu.memory_space<hbm>>
      %dma_wait3A_65 = tpu.memref_squeeze %dma_wait3A_64 : memref<1x80x128xf32, #tpu.memory_space<hbm>> -> memref<80x128xf32, #tpu.memory_space<hbm>>
      %dma_wait3A_66 = arith.constant 0 : i32
      %dma_wait3A_67 = tpu.memref_slice %arg6[%arg0, %add3A_42, %dma_wait3A_66] : memref<2x10240x128xf32, #tpu.memory_space<hbm>> -> memref<1x80x128xf32, #tpu.memory_space<hbm>>
      %dma_wait3A_68 = tpu.memref_squeeze %dma_wait3A_67 : memref<1x80x128xf32, #tpu.memory_space<hbm>> -> memref<80x128xf32, #tpu.memory_space<hbm>>
      tpu.wait_dma2 semaphore(%run_scoped3A : memref<!tpu.dma_semaphore, #tpu.memory_space<semaphore_mem>>) src(%arg9 : memref<80x128xf32, #tpu.memory_space<vmem>>) dst(%dma_wait3A_68 : memref<80x128xf32, #tpu.memory_space<hbm>>)
      tpu.yield
    }) : () -> ()
    %add3A_43 = arith.constant 320 : i32
    %add3A_44 = arith.addi %mul3A_0, %add3A_43 : i32
    "tpu.region"() ({
      %run_scoped3A = tpu.sem_alloc : memref<!tpu.dma_semaphore, #tpu.memory_space<semaphore_mem>>
      %dma_start3A = arith.constant 0 : i32
      %dma_start3A_59 = tpu.memref_slice %arg10[%add3A_44, %dma_start3A] : memref<10240x128xf32, #tpu.memory_space<vmem_shared>> -> memref<80x128xf32, #tpu.memory_space<vmem_shared>>
      %dma_start3A_60 = arith.constant 0 : i32
      %dma_start3A_61 = tpu.memref_slice %arg10[%add3A_44, %dma_start3A_60] : memref<10240x128xf32, #tpu.memory_space<vmem_shared>> -> memref<80x128xf32, #tpu.memory_space<vmem_shared>>
      tpu.enqueue_dma source(%dma_start3A_61 : memref<80x128xf32, #tpu.memory_space<vmem_shared>>) target(%arg9 : memref<80x128xf32, #tpu.memory_space<vmem>>) target_semaphore(%run_scoped3A : memref<!tpu.dma_semaphore, #tpu.memory_space<semaphore_mem>>)
      %dma_wait3A = arith.constant 0 : i32
      %dma_wait3A_62 = tpu.memref_slice %arg10[%add3A_44, %dma_wait3A] : memref<10240x128xf32, #tpu.memory_space<vmem_shared>> -> memref<80x128xf32, #tpu.memory_space<vmem_shared>>
      %dma_wait3A_63 = arith.constant 0 : i32
      %dma_wait3A_64 = tpu.memref_slice %arg10[%add3A_44, %dma_wait3A_63] : memref<10240x128xf32, #tpu.memory_space<vmem_shared>> -> memref<80x128xf32, #tpu.memory_space<vmem_shared>>
      tpu.wait_dma2 semaphore(%run_scoped3A : memref<!tpu.dma_semaphore, #tpu.memory_space<semaphore_mem>>) src(%dma_wait3A_64 : memref<80x128xf32, #tpu.memory_space<vmem_shared>>) dst(%arg9 : memref<80x128xf32, #tpu.memory_space<vmem>>)
      tpu.yield
    }) : () -> ()
    %add3A_45 = arith.constant 320 : i32
    %add3A_46 = arith.addi %mul3A_0, %add3A_45 : i32
    "tpu.region"() ({
      %run_scoped3A = tpu.sem_alloc : memref<!tpu.dma_semaphore, #tpu.memory_space<semaphore_mem>>
      %dma_start3A = arith.constant 0 : i32
      %dma_start3A_59 = tpu.memref_slice %arg6[%arg0, %add3A_46, %dma_start3A] : memref<2x10240x128xf32, #tpu.memory_space<hbm>> -> memref<1x80x128xf32, #tpu.memory_space<hbm>>
      %dma_start3A_60 = tpu.memref_squeeze %dma_start3A_59 : memref<1x80x128xf32, #tpu.memory_space<hbm>> -> memref<80x128xf32, #tpu.memory_space<hbm>>
      %dma_start3A_61 = arith.constant 0 : i32
      %dma_start3A_62 = tpu.memref_slice %arg6[%arg0, %add3A_46, %dma_start3A_61] : memref<2x10240x128xf32, #tpu.memory_space<hbm>> -> memref<1x80x128xf32, #tpu.memory_space<hbm>>
      %dma_start3A_63 = tpu.memref_squeeze %dma_start3A_62 : memref<1x80x128xf32, #tpu.memory_space<hbm>> -> memref<80x128xf32, #tpu.memory_space<hbm>>
      tpu.enqueue_dma source(%arg9 : memref<80x128xf32, #tpu.memory_space<vmem>>) target(%dma_start3A_63 : memref<80x128xf32, #tpu.memory_space<hbm>>) target_semaphore(%run_scoped3A : memref<!tpu.dma_semaphore, #tpu.memory_space<semaphore_mem>>)
      %dma_wait3A = arith.constant 0 : i32
      %dma_wait3A_64 = tpu.memref_slice %arg6[%arg0, %add3A_46, %dma_wait3A] : memref<2x10240x128xf32, #tpu.memory_space<hbm>> -> memref<1x80x128xf32, #tpu.memory_space<hbm>>
      %dma_wait3A_65 = tpu.memref_squeeze %dma_wait3A_64 : memref<1x80x128xf32, #tpu.memory_space<hbm>> -> memref<80x128xf32, #tpu.memory_space<hbm>>
      %dma_wait3A_66 = arith.constant 0 : i32
      %dma_wait3A_67 = tpu.memref_slice %arg6[%arg0, %add3A_46, %dma_wait3A_66] : memref<2x10240x128xf32, #tpu.memory_space<hbm>> -> memref<1x80x128xf32, #tpu.memory_space<hbm>>
      %dma_wait3A_68 = tpu.memref_squeeze %dma_wait3A_67 : memref<1x80x128xf32, #tpu.memory_space<hbm>> -> memref<80x128xf32, #tpu.memory_space<hbm>>
      tpu.wait_dma2 semaphore(%run_scoped3A : memref<!tpu.dma_semaphore, #tpu.memory_space<semaphore_mem>>) src(%arg9 : memref<80x128xf32, #tpu.memory_space<vmem>>) dst(%dma_wait3A_68 : memref<80x128xf32, #tpu.memory_space<hbm>>)
      tpu.yield
    }) : () -> ()
    %add3A_47 = arith.constant 400 : i32
    %add3A_48 = arith.addi %mul3A_0, %add3A_47 : i32
    "tpu.region"() ({
      %run_scoped3A = tpu.sem_alloc : memref<!tpu.dma_semaphore, #tpu.memory_space<semaphore_mem>>
      %dma_start3A = arith.constant 0 : i32
      %dma_start3A_59 = tpu.memref_slice %arg10[%add3A_48, %dma_start3A] : memref<10240x128xf32, #tpu.memory_space<vmem_shared>> -> memref<80x128xf32, #tpu.memory_space<vmem_shared>>
      %dma_start3A_60 = arith.constant 0 : i32
      %dma_start3A_61 = tpu.memref_slice %arg10[%add3A_48, %dma_start3A_60] : memref<10240x128xf32, #tpu.memory_space<vmem_shared>> -> memref<80x128xf32, #tpu.memory_space<vmem_shared>>
      tpu.enqueue_dma source(%dma_start3A_61 : memref<80x128xf32, #tpu.memory_space<vmem_shared>>) target(%arg9 : memref<80x128xf32, #tpu.memory_space<vmem>>) target_semaphore(%run_scoped3A : memref<!tpu.dma_semaphore, #tpu.memory_space<semaphore_mem>>)
      %dma_wait3A = arith.constant 0 : i32
      %dma_wait3A_62 = tpu.memref_slice %arg10[%add3A_48, %dma_wait3A] : memref<10240x128xf32, #tpu.memory_space<vmem_shared>> -> memref<80x128xf32, #tpu.memory_space<vmem_shared>>
      %dma_wait3A_63 = arith.constant 0 : i32
      %dma_wait3A_64 = tpu.memref_slice %arg10[%add3A_48, %dma_wait3A_63] : memref<10240x128xf32, #tpu.memory_space<vmem_shared>> -> memref<80x128xf32, #tpu.memory_space<vmem_shared>>
      tpu.wait_dma2 semaphore(%run_scoped3A : memref<!tpu.dma_semaphore, #tpu.memory_space<semaphore_mem>>) src(%dma_wait3A_64 : memref<80x128xf32, #tpu.memory_space<vmem_shared>>) dst(%arg9 : memref<80x128xf32, #tpu.memory_space<vmem>>)
      tpu.yield
    }) : () -> ()
    %add3A_49 = arith.constant 400 : i32
    %add3A_50 = arith.addi %mul3A_0, %add3A_49 : i32
    "tpu.region"() ({
      %run_scoped3A = tpu.sem_alloc : memref<!tpu.dma_semaphore, #tpu.memory_space<semaphore_mem>>
      %dma_start3A = arith.constant 0 : i32
      %dma_start3A_59 = tpu.memref_slice %arg6[%arg0, %add3A_50, %dma_start3A] : memref<2x10240x128xf32, #tpu.memory_space<hbm>> -> memref<1x80x128xf32, #tpu.memory_space<hbm>>
      %dma_start3A_60 = tpu.memref_squeeze %dma_start3A_59 : memref<1x80x128xf32, #tpu.memory_space<hbm>> -> memref<80x128xf32, #tpu.memory_space<hbm>>
      %dma_start3A_61 = arith.constant 0 : i32
      %dma_start3A_62 = tpu.memref_slice %arg6[%arg0, %add3A_50, %dma_start3A_61] : memref<2x10240x128xf32, #tpu.memory_space<hbm>> -> memref<1x80x128xf32, #tpu.memory_space<hbm>>
      %dma_start3A_63 = tpu.memref_squeeze %dma_start3A_62 : memref<1x80x128xf32, #tpu.memory_space<hbm>> -> memref<80x128xf32, #tpu.memory_space<hbm>>
      tpu.enqueue_dma source(%arg9 : memref<80x128xf32, #tpu.memory_space<vmem>>) target(%dma_start3A_63 : memref<80x128xf32, #tpu.memory_space<hbm>>) target_semaphore(%run_scoped3A : memref<!tpu.dma_semaphore, #tpu.memory_space<semaphore_mem>>)
      %dma_wait3A = arith.constant 0 : i32
      %dma_wait3A_64 = tpu.memref_slice %arg6[%arg0, %add3A_50, %dma_wait3A] : memref<2x10240x128xf32, #tpu.memory_space<hbm>> -> memref<1x80x128xf32, #tpu.memory_space<hbm>>
      %dma_wait3A_65 = tpu.memref_squeeze %dma_wait3A_64 : memref<1x80x128xf32, #tpu.memory_space<hbm>> -> memref<80x128xf32, #tpu.memory_space<hbm>>
      %dma_wait3A_66 = arith.constant 0 : i32
      %dma_wait3A_67 = tpu.memref_slice %arg6[%arg0, %add3A_50, %dma_wait3A_66] : memref<2x10240x128xf32, #tpu.memory_space<hbm>> -> memref<1x80x128xf32, #tpu.memory_space<hbm>>
      %dma_wait3A_68 = tpu.memref_squeeze %dma_wait3A_67 : memref<1x80x128xf32, #tpu.memory_space<hbm>> -> memref<80x128xf32, #tpu.memory_space<hbm>>
      tpu.wait_dma2 semaphore(%run_scoped3A : memref<!tpu.dma_semaphore, #tpu.memory_space<semaphore_mem>>) src(%arg9 : memref<80x128xf32, #tpu.memory_space<vmem>>) dst(%dma_wait3A_68 : memref<80x128xf32, #tpu.memory_space<hbm>>)
      tpu.yield
    }) : () -> ()
    %add3A_51 = arith.constant 480 : i32
    %add3A_52 = arith.addi %mul3A_0, %add3A_51 : i32
    "tpu.region"() ({
      %run_scoped3A = tpu.sem_alloc : memref<!tpu.dma_semaphore, #tpu.memory_space<semaphore_mem>>
      %dma_start3A = arith.constant 0 : i32
      %dma_start3A_59 = tpu.memref_slice %arg10[%add3A_52, %dma_start3A] : memref<10240x128xf32, #tpu.memory_space<vmem_shared>> -> memref<80x128xf32, #tpu.memory_space<vmem_shared>>
      %dma_start3A_60 = arith.constant 0 : i32
      %dma_start3A_61 = tpu.memref_slice %arg10[%add3A_52, %dma_start3A_60] : memref<10240x128xf32, #tpu.memory_space<vmem_shared>> -> memref<80x128xf32, #tpu.memory_space<vmem_shared>>
      tpu.enqueue_dma source(%dma_start3A_61 : memref<80x128xf32, #tpu.memory_space<vmem_shared>>) target(%arg9 : memref<80x128xf32, #tpu.memory_space<vmem>>) target_semaphore(%run_scoped3A : memref<!tpu.dma_semaphore, #tpu.memory_space<semaphore_mem>>)
      %dma_wait3A = arith.constant 0 : i32
      %dma_wait3A_62 = tpu.memref_slice %arg10[%add3A_52, %dma_wait3A] : memref<10240x128xf32, #tpu.memory_space<vmem_shared>> -> memref<80x128xf32, #tpu.memory_space<vmem_shared>>
      %dma_wait3A_63 = arith.constant 0 : i32
      %dma_wait3A_64 = tpu.memref_slice %arg10[%add3A_52, %dma_wait3A_63] : memref<10240x128xf32, #tpu.memory_space<vmem_shared>> -> memref<80x128xf32, #tpu.memory_space<vmem_shared>>
      tpu.wait_dma2 semaphore(%run_scoped3A : memref<!tpu.dma_semaphore, #tpu.memory_space<semaphore_mem>>) src(%dma_wait3A_64 : memref<80x128xf32, #tpu.memory_space<vmem_shared>>) dst(%arg9 : memref<80x128xf32, #tpu.memory_space<vmem>>)
      tpu.yield
    }) : () -> ()
    %add3A_53 = arith.constant 480 : i32
    %add3A_54 = arith.addi %mul3A_0, %add3A_53 : i32
    "tpu.region"() ({
      %run_scoped3A = tpu.sem_alloc : memref<!tpu.dma_semaphore, #tpu.memory_space<semaphore_mem>>
      %dma_start3A = arith.constant 0 : i32
      %dma_start3A_59 = tpu.memref_slice %arg6[%arg0, %add3A_54, %dma_start3A] : memref<2x10240x128xf32, #tpu.memory_space<hbm>> -> memref<1x80x128xf32, #tpu.memory_space<hbm>>
      %dma_start3A_60 = tpu.memref_squeeze %dma_start3A_59 : memref<1x80x128xf32, #tpu.memory_space<hbm>> -> memref<80x128xf32, #tpu.memory_space<hbm>>
      %dma_start3A_61 = arith.constant 0 : i32
      %dma_start3A_62 = tpu.memref_slice %arg6[%arg0, %add3A_54, %dma_start3A_61] : memref<2x10240x128xf32, #tpu.memory_space<hbm>> -> memref<1x80x128xf32, #tpu.memory_space<hbm>>
      %dma_start3A_63 = tpu.memref_squeeze %dma_start3A_62 : memref<1x80x128xf32, #tpu.memory_space<hbm>> -> memref<80x128xf32, #tpu.memory_space<hbm>>
      tpu.enqueue_dma source(%arg9 : memref<80x128xf32, #tpu.memory_space<vmem>>) target(%dma_start3A_63 : memref<80x128xf32, #tpu.memory_space<hbm>>) target_semaphore(%run_scoped3A : memref<!tpu.dma_semaphore, #tpu.memory_space<semaphore_mem>>)
      %dma_wait3A = arith.constant 0 : i32
      %dma_wait3A_64 = tpu.memref_slice %arg6[%arg0, %add3A_54, %dma_wait3A] : memref<2x10240x128xf32, #tpu.memory_space<hbm>> -> memref<1x80x128xf32, #tpu.memory_space<hbm>>
      %dma_wait3A_65 = tpu.memref_squeeze %dma_wait3A_64 : memref<1x80x128xf32, #tpu.memory_space<hbm>> -> memref<80x128xf32, #tpu.memory_space<hbm>>
      %dma_wait3A_66 = arith.constant 0 : i32
      %dma_wait3A_67 = tpu.memref_slice %arg6[%arg0, %add3A_54, %dma_wait3A_66] : memref<2x10240x128xf32, #tpu.memory_space<hbm>> -> memref<1x80x128xf32, #tpu.memory_space<hbm>>
      %dma_wait3A_68 = tpu.memref_squeeze %dma_wait3A_67 : memref<1x80x128xf32, #tpu.memory_space<hbm>> -> memref<80x128xf32, #tpu.memory_space<hbm>>
      tpu.wait_dma2 semaphore(%run_scoped3A : memref<!tpu.dma_semaphore, #tpu.memory_space<semaphore_mem>>) src(%arg9 : memref<80x128xf32, #tpu.memory_space<vmem>>) dst(%dma_wait3A_68 : memref<80x128xf32, #tpu.memory_space<hbm>>)
      tpu.yield
    }) : () -> ()
    %add3A_55 = arith.constant 560 : i32
    %add3A_56 = arith.addi %mul3A_0, %add3A_55 : i32
    "tpu.region"() ({
      %run_scoped3A = tpu.sem_alloc : memref<!tpu.dma_semaphore, #tpu.memory_space<semaphore_mem>>
      %dma_start3A = arith.constant 0 : i32
      %dma_start3A_59 = tpu.memref_slice %arg10[%add3A_56, %dma_start3A] : memref<10240x128xf32, #tpu.memory_space<vmem_shared>> -> memref<80x128xf32, #tpu.memory_space<vmem_shared>>
      %dma_start3A_60 = arith.constant 0 : i32
      %dma_start3A_61 = tpu.memref_slice %arg10[%add3A_56, %dma_start3A_60] : memref<10240x128xf32, #tpu.memory_space<vmem_shared>> -> memref<80x128xf32, #tpu.memory_space<vmem_shared>>
      tpu.enqueue_dma source(%dma_start3A_61 : memref<80x128xf32, #tpu.memory_space<vmem_shared>>) target(%arg9 : memref<80x128xf32, #tpu.memory_space<vmem>>) target_semaphore(%run_scoped3A : memref<!tpu.dma_semaphore, #tpu.memory_space<semaphore_mem>>)
      %dma_wait3A = arith.constant 0 : i32
      %dma_wait3A_62 = tpu.memref_slice %arg10[%add3A_56, %dma_wait3A] : memref<10240x128xf32, #tpu.memory_space<vmem_shared>> -> memref<80x128xf32, #tpu.memory_space<vmem_shared>>
      %dma_wait3A_63 = arith.constant 0 : i32
      %dma_wait3A_64 = tpu.memref_slice %arg10[%add3A_56, %dma_wait3A_63] : memref<10240x128xf32, #tpu.memory_space<vmem_shared>> -> memref<80x128xf32, #tpu.memory_space<vmem_shared>>
      tpu.wait_dma2 semaphore(%run_scoped3A : memref<!tpu.dma_semaphore, #tpu.memory_space<semaphore_mem>>) src(%dma_wait3A_64 : memref<80x128xf32, #tpu.memory_space<vmem_shared>>) dst(%arg9 : memref<80x128xf32, #tpu.memory_space<vmem>>)
      tpu.yield
    }) : () -> ()
    %add3A_57 = arith.constant 560 : i32
    %add3A_58 = arith.addi %mul3A_0, %add3A_57 : i32
    "tpu.region"() ({
      %run_scoped3A = tpu.sem_alloc : memref<!tpu.dma_semaphore, #tpu.memory_space<semaphore_mem>>
      %dma_start3A = arith.constant 0 : i32
      %dma_start3A_59 = tpu.memref_slice %arg6[%arg0, %add3A_58, %dma_start3A] : memref<2x10240x128xf32, #tpu.memory_space<hbm>> -> memref<1x80x128xf32, #tpu.memory_space<hbm>>
      %dma_start3A_60 = tpu.memref_squeeze %dma_start3A_59 : memref<1x80x128xf32, #tpu.memory_space<hbm>> -> memref<80x128xf32, #tpu.memory_space<hbm>>
      %dma_start3A_61 = arith.constant 0 : i32
      %dma_start3A_62 = tpu.memref_slice %arg6[%arg0, %add3A_58, %dma_start3A_61] : memref<2x10240x128xf32, #tpu.memory_space<hbm>> -> memref<1x80x128xf32, #tpu.memory_space<hbm>>
      %dma_start3A_63 = tpu.memref_squeeze %dma_start3A_62 : memref<1x80x128xf32, #tpu.memory_space<hbm>> -> memref<80x128xf32, #tpu.memory_space<hbm>>
      tpu.enqueue_dma source(%arg9 : memref<80x128xf32, #tpu.memory_space<vmem>>) target(%dma_start3A_63 : memref<80x128xf32, #tpu.memory_space<hbm>>) target_semaphore(%run_scoped3A : memref<!tpu.dma_semaphore, #tpu.memory_space<semaphore_mem>>)
      %dma_wait3A = arith.constant 0 : i32
      %dma_wait3A_64 = tpu.memref_slice %arg6[%arg0, %add3A_58, %dma_wait3A] : memref<2x10240x128xf32, #tpu.memory_space<hbm>> -> memref<1x80x128xf32, #tpu.memory_space<hbm>>
      %dma_wait3A_65 = tpu.memref_squeeze %dma_wait3A_64 : memref<1x80x128xf32, #tpu.memory_space<hbm>> -> memref<80x128xf32, #tpu.memory_space<hbm>>
      %dma_wait3A_66 = arith.constant 0 : i32
      %dma_wait3A_67 = tpu.memref_slice %arg6[%arg0, %add3A_58, %dma_wait3A_66] : memref<2x10240x128xf32, #tpu.memory_space<hbm>> -> memref<1x80x128xf32, #tpu.memory_space<hbm>>
      %dma_wait3A_68 = tpu.memref_squeeze %dma_wait3A_67 : memref<1x80x128xf32, #tpu.memory_space<hbm>> -> memref<80x128xf32, #tpu.memory_space<hbm>>
      tpu.wait_dma2 semaphore(%run_scoped3A : memref<!tpu.dma_semaphore, #tpu.memory_space<semaphore_mem>>) src(%arg9 : memref<80x128xf32, #tpu.memory_space<vmem>>) dst(%dma_wait3A_68 : memref<80x128xf32, #tpu.memory_space<hbm>>)
      tpu.yield
    }) : () -> ()
    return
  }
}

module attributes {stable_mosaic.version = 14 : i64} {
  func.func @_tc_dense_body(%arg0: i32, %arg1: memref<2x1000x128xf32, #tpu.memory_space<vmem>>, %arg2: memref<2x1000x16xf32, #tpu.memory_space<vmem>>, %arg3: memref<1000x128xf32, #tpu.memory_space<vmem>>, %arg4: memref<128x128xf32, #tpu.memory_space<vmem>>, %arg5: memref<128x128xf32, #tpu.memory_space<vmem>>, %arg6: memref<1x128xf32, #tpu.memory_space<vmem>>, %arg7: memref<1000x128xf32, #tpu.memory_space<vmem>>) attributes {dimension_semantics = [#tpu.dimension_semantics<arbitrary>], iteration_bounds = array<i64: 10>, scalar_prefetch = 0 : i64, scratch_operands = 0 : i64, tpu.core_type = #tpu.core_type<tc>, window_params = [{transform_indices = @transform_0, window_bounds = array<i64: 2, 1000, 128>}, {transform_indices = @transform_1, window_bounds = array<i64: 2, 1000, 16>}, {transform_indices = @transform_2, window_bounds = array<i64: 1000, 128>}, {pipeline_mode = #tpu.pipeline_mode<synchronous>, transform_indices = @transform_3, window_bounds = array<i64: 128, 128>}, {pipeline_mode = #tpu.pipeline_mode<synchronous>, transform_indices = @transform_4, window_bounds = array<i64: 128, 128>}, {pipeline_mode = #tpu.pipeline_mode<synchronous>, transform_indices = @transform_5, window_bounds = array<i64: 1, 128>}, {transform_indices = @transform_6, window_bounds = array<i64: 1000, 128>}]} {
    %get3A = arith.constant 0 : index
    %get3A_0 = arith.constant 0 : index
    %get3A_1 = arith.constant 0 : index
    %get3A_2 = vector.load %arg2[%get3A, %get3A_0, %get3A_1] : memref<2x1000x16xf32, #tpu.memory_space<vmem>>, vector<1x1000x1xf32>
    %get3A_3 = vector.shape_cast %get3A_2 : vector<1x1000x1xf32> to vector<1000x1xf32>
    %get3A_4 = arith.constant 1 : index
    %get3A_5 = arith.constant 0 : index
    %get3A_6 = arith.constant 0 : index
    %get3A_7 = vector.load %arg2[%get3A_4, %get3A_5, %get3A_6] : memref<2x1000x16xf32, #tpu.memory_space<vmem>>, vector<1x1000x1xf32>
    %get3A_8 = vector.shape_cast %get3A_7 : vector<1x1000x1xf32> to vector<1000x1xf32>
    %add3A = arith.addf %get3A_3, %get3A_8 : vector<1000x1xf32>
    %get3A_9 = arith.constant 0 : index
    %get3A_10 = arith.constant 0 : index
    %get3A_11 = arith.constant 0 : index
    %get3A_12 = vector.load %arg1[%get3A_9, %get3A_10, %get3A_11] : memref<2x1000x128xf32, #tpu.memory_space<vmem>>, vector<1x1000x128xf32>
    %get3A_13 = vector.shape_cast %get3A_12 : vector<1x1000x128xf32> to vector<1000x128xf32>
    %get3A_14 = arith.constant 1 : index
    %get3A_15 = arith.constant 0 : index
    %get3A_16 = arith.constant 0 : index
    %get3A_17 = vector.load %arg1[%get3A_14, %get3A_15, %get3A_16] : memref<2x1000x128xf32, #tpu.memory_space<vmem>>, vector<1x1000x128xf32>
    %get3A_18 = vector.shape_cast %get3A_17 : vector<1x1000x128xf32> to vector<1000x128xf32>
    %add3A_19 = arith.addf %get3A_13, %get3A_18 : vector<1000x128xf32>
    %max3A = arith.constant 1.000000e+00 : f32
    %max3A_20 = vector.broadcast %max3A : f32 to vector<1000x1xf32>
    %max3A_21 = arith.maximumf %add3A, %max3A_20 : vector<1000x1xf32>
    %div3A = vector.broadcast %max3A_21 : vector<1000x1xf32> to vector<1000x128xf32>
    %div3A_22 = arith.divf %add3A_19, %div3A : vector<1000x128xf32>
    %get3A_23 = arith.constant 0 : index
    %get3A_24 = arith.constant 0 : index
    %get3A_25 = vector.load %arg4[%get3A_23, %get3A_24] : memref<128x128xf32, #tpu.memory_space<vmem>>, vector<128x128xf32>
    %dot_general3A = arith.constant dense<0.000000e+00> : vector<1000x128xf32>
    %dot_general3A_26 = tpu.matmul %div3A_22, %get3A_25, %dot_general3A {dimension_numbers = #tpu.dot_dimension_numbers<[1], [0], [0], [1], [0, 0, 1, 1], [], []>, transpose_lhs_hint = false} : vector<1000x128xf32>, vector<128x128xf32>, vector<1000x128xf32> -> vector<1000x128xf32>
    %get3A_27 = arith.constant 0 : index
    %get3A_28 = arith.constant 0 : index
    %get3A_29 = vector.load %arg6[%get3A_27, %get3A_28] : memref<1x128xf32, #tpu.memory_space<vmem>>, vector<1x128xf32>
    %add3A_30 = vector.broadcast %get3A_29 : vector<1x128xf32> to vector<1000x128xf32>
    %add3A_31 = arith.addf %dot_general3A_26, %add3A_30 : vector<1000x128xf32>
    %get3A_32 = arith.constant 0 : index
    %get3A_33 = arith.constant 0 : index
    %get3A_34 = vector.load %arg3[%get3A_32, %get3A_33] : memref<1000x128xf32, #tpu.memory_space<vmem>>, vector<1000x128xf32>
    %get3A_35 = arith.constant 0 : index
    %get3A_36 = arith.constant 0 : index
    %get3A_37 = vector.load %arg5[%get3A_35, %get3A_36] : memref<128x128xf32, #tpu.memory_space<vmem>>, vector<128x128xf32>
    %dot_general3A_38 = arith.constant dense<0.000000e+00> : vector<1000x128xf32>
    %dot_general3A_39 = tpu.matmul %get3A_34, %get3A_37, %dot_general3A_38 {dimension_numbers = #tpu.dot_dimension_numbers<[1], [0], [0], [1], [0, 0, 1, 1], [], []>, transpose_lhs_hint = false} : vector<1000x128xf32>, vector<128x128xf32>, vector<1000x128xf32> -> vector<1000x128xf32>
    %add3A_40 = arith.addf %add3A_31, %dot_general3A_39 : vector<1000x128xf32>
    %max3A_41 = arith.constant 0.000000e+00 : f32
    %max3A_42 = vector.broadcast %max3A_41 : f32 to vector<1000x128xf32>
    %max3A_43 = arith.maximumf %add3A_40, %max3A_42 : vector<1000x128xf32>
    %swap3A = arith.constant 0 : index
    %swap3A_44 = arith.constant 0 : index
    %swap3A_45 = vector.load %arg7[%swap3A, %swap3A_44] : memref<1000x128xf32, #tpu.memory_space<vmem>>, vector<1000x128xf32>
    tpu.vector_store %arg7[%swap3A, %swap3A_44], %max3A_43 {strides = array<i32>} : memref<1000x128xf32, #tpu.memory_space<vmem>>, vector<1000x128xf32>,
    return
  }
  func.func @transform_0(%arg0: i32) -> (i32, i32, i32) {
    %c0_i32 = arith.constant 0 : i32
    %c0_i32_0 = arith.constant 0 : i32
    %c0_i32_1 = arith.constant 0 : i32
    return %c0_i32, %arg0, %c0_i32_0 : i32, i32, i32
  }
  func.func @transform_1(%arg0: i32) -> (i32, i32, i32) {
    %c0_i32 = arith.constant 0 : i32
    %c0_i32_0 = arith.constant 0 : i32
    %c0_i32_1 = arith.constant 0 : i32
    return %c0_i32, %arg0, %c0_i32_0 : i32, i32, i32
  }
  func.func @transform_2(%arg0: i32) -> (i32, i32) {
    %c0_i32 = arith.constant 0 : i32
    %c0_i32_0 = arith.constant 0 : i32
    return %arg0, %c0_i32 : i32, i32
  }
  func.func @transform_3(%arg0: i32) -> (i32, i32) {
    %c0_i32 = arith.constant 0 : i32
    %c0_i32_0 = arith.constant 0 : i32
    %c0_i32_1 = arith.constant 0 : i32
    return %c0_i32, %c0_i32_0 : i32, i32
  }
  func.func @transform_4(%arg0: i32) -> (i32, i32) {
    %c0_i32 = arith.constant 0 : i32
    %c0_i32_0 = arith.constant 0 : i32
    %c0_i32_1 = arith.constant 0 : i32
    return %c0_i32, %c0_i32_0 : i32, i32
  }
  func.func @transform_5(%arg0: i32) -> (i32, i32) {
    %c0_i32 = arith.constant 0 : i32
    %c0_i32_0 = arith.constant 0 : i32
    %c0_i32_1 = arith.constant 0 : i32
    return %c0_i32, %c0_i32_0 : i32, i32
  }
  func.func @transform_6(%arg0: i32) -> (i32, i32) {
    %c0_i32 = arith.constant 0 : i32
    %c0_i32_0 = arith.constant 0 : i32
    return %arg0, %c0_i32 : i32, i32
  }
}

module attributes {stable_mosaic.version = 14 : i64} {
  func.func @_tc_dense_body(%arg0: i32, %arg1: memref<2x1000x128xf32, #tpu.memory_space<vmem>>, %arg2: memref<2x1000x16xf32, #tpu.memory_space<vmem>>, %arg3: memref<1000x128xf32, #tpu.memory_space<vmem>>, %arg4: memref<128x128xf32, #tpu.memory_space<vmem>>, %arg5: memref<128x128xf32, #tpu.memory_space<vmem>>, %arg6: memref<1x128xf32, #tpu.memory_space<vmem>>, %arg7: memref<1000x128xf32, #tpu.memory_space<vmem>>) attributes {dimension_semantics = [#tpu.dimension_semantics<arbitrary>], iteration_bounds = array<i64: 10>, scalar_prefetch = 0 : i64, scratch_operands = 0 : i64, tpu.core_type = #tpu.core_type<tc>, window_params = [{transform_indices = @transform_0, window_bounds = array<i64: 2, 1000, 128>}, {transform_indices = @transform_1, window_bounds = array<i64: 2, 1000, 16>}, {transform_indices = @transform_2, window_bounds = array<i64: 1000, 128>}, {pipeline_mode = #tpu.pipeline_mode<synchronous>, transform_indices = @transform_3, window_bounds = array<i64: 128, 128>}, {pipeline_mode = #tpu.pipeline_mode<synchronous>, transform_indices = @transform_4, window_bounds = array<i64: 128, 128>}, {pipeline_mode = #tpu.pipeline_mode<synchronous>, transform_indices = @transform_5, window_bounds = array<i64: 1, 128>}, {transform_indices = @transform_6, window_bounds = array<i64: 1000, 128>}]} {
    %get3A = arith.constant 0 : index
    %get3A_0 = arith.constant 0 : index
    %get3A_1 = arith.constant 0 : index
    %get3A_2 = vector.load %arg2[%get3A, %get3A_0, %get3A_1] : memref<2x1000x16xf32, #tpu.memory_space<vmem>>, vector<1x1000x1xf32>
    %get3A_3 = vector.shape_cast %get3A_2 : vector<1x1000x1xf32> to vector<1000x1xf32>
    %get3A_4 = arith.constant 1 : index
    %get3A_5 = arith.constant 0 : index
    %get3A_6 = arith.constant 0 : index
    %get3A_7 = vector.load %arg2[%get3A_4, %get3A_5, %get3A_6] : memref<2x1000x16xf32, #tpu.memory_space<vmem>>, vector<1x1000x1xf32>
    %get3A_8 = vector.shape_cast %get3A_7 : vector<1x1000x1xf32> to vector<1000x1xf32>
    %add3A = arith.addf %get3A_3, %get3A_8 : vector<1000x1xf32>
    %get3A_9 = arith.constant 0 : index
    %get3A_10 = arith.constant 0 : index
    %get3A_11 = arith.constant 0 : index
    %get3A_12 = vector.load %arg1[%get3A_9, %get3A_10, %get3A_11] : memref<2x1000x128xf32, #tpu.memory_space<vmem>>, vector<1x1000x128xf32>
    %get3A_13 = vector.shape_cast %get3A_12 : vector<1x1000x128xf32> to vector<1000x128xf32>
    %get3A_14 = arith.constant 1 : index
    %get3A_15 = arith.constant 0 : index
    %get3A_16 = arith.constant 0 : index
    %get3A_17 = vector.load %arg1[%get3A_14, %get3A_15, %get3A_16] : memref<2x1000x128xf32, #tpu.memory_space<vmem>>, vector<1x1000x128xf32>
    %get3A_18 = vector.shape_cast %get3A_17 : vector<1x1000x128xf32> to vector<1000x128xf32>
    %add3A_19 = arith.addf %get3A_13, %get3A_18 : vector<1000x128xf32>
    %max3A = arith.constant 1.000000e+00 : f32
    %max3A_20 = vector.broadcast %max3A : f32 to vector<1000x1xf32>
    %max3A_21 = arith.maximumf %add3A, %max3A_20 : vector<1000x1xf32>
    %div3A = vector.broadcast %max3A_21 : vector<1000x1xf32> to vector<1000x128xf32>
    %div3A_22 = arith.divf %add3A_19, %div3A : vector<1000x128xf32>
    %get3A_23 = arith.constant 0 : index
    %get3A_24 = arith.constant 0 : index
    %get3A_25 = vector.load %arg4[%get3A_23, %get3A_24] : memref<128x128xf32, #tpu.memory_space<vmem>>, vector<128x128xf32>
    %dot_general3A = arith.constant dense<0.000000e+00> : vector<1000x128xf32>
    %dot_general3A_26 = tpu.matmul %div3A_22, %get3A_25, %dot_general3A {dimension_numbers = #tpu.dot_dimension_numbers<[1], [0], [0], [1], [0, 0, 1, 1], [], []>, transpose_lhs_hint = false} : vector<1000x128xf32>, vector<128x128xf32>, vector<1000x128xf32> -> vector<1000x128xf32>
    %get3A_27 = arith.constant 0 : index
    %get3A_28 = arith.constant 0 : index
    %get3A_29 = vector.load %arg6[%get3A_27, %get3A_28] : memref<1x128xf32, #tpu.memory_space<vmem>>, vector<1x128xf32>
    %add3A_30 = vector.broadcast %get3A_29 : vector<1x128xf32> to vector<1000x128xf32>
    %add3A_31 = arith.addf %dot_general3A_26, %add3A_30 : vector<1000x128xf32>
    %get3A_32 = arith.constant 0 : index
    %get3A_33 = arith.constant 0 : index
    %get3A_34 = vector.load %arg3[%get3A_32, %get3A_33] : memref<1000x128xf32, #tpu.memory_space<vmem>>, vector<1000x128xf32>
    %get3A_35 = arith.constant 0 : index
    %get3A_36 = arith.constant 0 : index
    %get3A_37 = vector.load %arg5[%get3A_35, %get3A_36] : memref<128x128xf32, #tpu.memory_space<vmem>>, vector<128x128xf32>
    %dot_general3A_38 = arith.constant dense<0.000000e+00> : vector<1000x128xf32>
    %dot_general3A_39 = tpu.matmul %get3A_34, %get3A_37, %dot_general3A_38 {dimension_numbers = #tpu.dot_dimension_numbers<[1], [0], [0], [1], [0, 0, 1, 1], [], []>, transpose_lhs_hint = false} : vector<1000x128xf32>, vector<128x128xf32>, vector<1000x128xf32> -> vector<1000x128xf32>
    %add3A_40 = arith.addf %add3A_31, %dot_general3A_39 : vector<1000x128xf32>
    %swap3A = arith.constant 0 : index
    %swap3A_41 = arith.constant 0 : index
    %swap3A_42 = vector.load %arg7[%swap3A, %swap3A_41] : memref<1000x128xf32, #tpu.memory_space<vmem>>, vector<1000x128xf32>
    tpu.vector_store %arg7[%swap3A, %swap3A_41], %add3A_40 {strides = array<i32>} : memref<1000x128xf32, #tpu.memory_space<vmem>>, vector<1000x128xf32>,
    return
  }
  func.func @transform_0(%arg0: i32) -> (i32, i32, i32) {
    %c0_i32 = arith.constant 0 : i32
    %c0_i32_0 = arith.constant 0 : i32
    %c0_i32_1 = arith.constant 0 : i32
    return %c0_i32, %arg0, %c0_i32_0 : i32, i32, i32
  }
  func.func @transform_1(%arg0: i32) -> (i32, i32, i32) {
    %c0_i32 = arith.constant 0 : i32
    %c0_i32_0 = arith.constant 0 : i32
    %c0_i32_1 = arith.constant 0 : i32
    return %c0_i32, %arg0, %c0_i32_0 : i32, i32, i32
  }
  func.func @transform_2(%arg0: i32) -> (i32, i32) {
    %c0_i32 = arith.constant 0 : i32
    %c0_i32_0 = arith.constant 0 : i32
    return %arg0, %c0_i32 : i32, i32
  }
  func.func @transform_3(%arg0: i32) -> (i32, i32) {
    %c0_i32 = arith.constant 0 : i32
    %c0_i32_0 = arith.constant 0 : i32
    %c0_i32_1 = arith.constant 0 : i32
    return %c0_i32, %c0_i32_0 : i32, i32
  }
  func.func @transform_4(%arg0: i32) -> (i32, i32) {
    %c0_i32 = arith.constant 0 : i32
    %c0_i32_0 = arith.constant 0 : i32
    %c0_i32_1 = arith.constant 0 : i32
    return %c0_i32, %c0_i32_0 : i32, i32
  }
  func.func @transform_5(%arg0: i32) -> (i32, i32) {
    %c0_i32 = arith.constant 0 : i32
    %c0_i32_0 = arith.constant 0 : i32
    %c0_i32_1 = arith.constant 0 : i32
    return %c0_i32, %c0_i32_0 : i32, i32
  }
  func.func @transform_6(%arg0: i32) -> (i32, i32) {
    %c0_i32 = arith.constant 0 : i32
    %c0_i32_0 = arith.constant 0 : i32
    return %arg0, %c0_i32 : i32, i32
  }
}

</mosaic_0001>

<sc_bundles>
// kernel: sage_sc_agg.3.cloned.1.call-start
scs
__scs_entry_jumppad:
0x0: {  	(pc) =	sbr.rel $0x88, $3  }
0x1: {  	(tag) =	ssettag $0x0;
	lr =	simm.s32 $0x1  }
0x2: {  	[smem:$0x3F99] =	sst lr;
	_ =	strace $0xD0000000  }
0x3: {  	_ = 	snop  }
0x4: {  	_ = 	snop  }
0x5: {  	_ = 	snop  }
0x6: {  	_ = 	snop  }
0x7: {  	_ = 	snop  }
__scs_overlays_trampoline_lowered:
0x8: {  	[smem:$0x3FA8] =	sst s0  }
0x9: {  	[smem:$0x3FA9] =	sst s1  }
0xa: {  	[smem:$0x3FAA] =	sst s2  }
0xb: {  	[smem:$0x3FAB] =	sst s3  }
0xc: {  	[smem:$0x3FAC] =	sst s4  }
0xd: {  	[smem:$0x3FAD] =	sst s5  }
0xe: {  	[smem:$0x3FAE] =	sst s6  }
0xf: {  	[smem:$0x3FAF] =	sst s7  }
0x10: {  	[smem:$0x3FB0] =	sst s8  }
0x11: {  	[smem:$0x3FB1] =	sst s9;
	s0 =	simm.s32 @!p0 $0x0  }
0x12: {  	s1 =	sld [smem:$0x3F97];
	s0 =	simm.s32 @p0 $0x1  }
0x13: {  	[smem:$0x3FB2] =	sst s0;
	s0 =	simm.s32 @!p1 $0x0  }
0x14: {  	s2 =	sld [smem:$0x3F96];
	s0 =	simm.s32 @p1 $0x1  }
0x15: {  	[smem:$0x3FB3] =	sst s0;
	s0 =	simm.s32 @!p2 $0x0  }
0x16: {  	s3 =	sld [smem:$0x3FDB];
	s0 =	simm.s32 @p2 $0x1  }
0x17: {  	s4 =	simm.s32 $0x1BF5;
	[smem:$0x3FB5] =	sst s0  }
0x18: {  	s0 =	sld [smem:$0x3F98];
	_ =	swait.ge [sflag:s4], $0x0  }
0x19: {  	s7 =	sld [smem:$0x3F99]  }
0x1a: {  	s8 =	sadd.s32 $0xFFFFE003, lr  }
0x1b: {  	s9 =	sadd.s32 $0xFFFFFEF7, lr;
	s5 =	simm.s32 $0xFFFFFFFF;
	p2 =	slt.u32 s8, $0xFFFFF086  }
0x1c: {  	p1 =	slt.u32 s9, $0xF7A;
	s5 =	simm.s32 @!p2 $0x0  }
0x1d: {  	s5 =	simm.s32 @p1 $0x1;
	p0 =	seq.s32 s7, s2  }
0x1e: {  	s7 =	smul.u32 @!p0 $0xF7A, s2;
	p2 =	seq.s32 @!p0 s5, $0x0  }
0x1f: {  	s9 =	smul.u32 $0xF7A, s1;
	s8 =	simm.s32 @!p0 $0x1BF5;
	p2 =	por !p2, p0  }
0x20: {  	[sflag:s8] =	ssyncset.s32 @!p0 $0xFFFFF086;
	s6 =	sadd.s32 @!p0 s3, s7;
	s7 =	simm.s32 @!p0 $0x108  }
0x21: {  	s3 =	sadd.s32 s3, s9;
	s6 =	sadd.s32 @!p0 $0x88, s6;
	s7 =	simm.s32 @p2 $0x1082  }
0x22: {  	[simem:s7], [sflag:s8] =	dma.local @!p0 [hbm:s6], $0xF7A  }
0x23: {  	s9 =	sor.u32 $0xD0000000, s2;
	s6 =	simm.s32 $0x108;
	_ =	swait.ge @!p0 [sflag:s8], $0x0  }
0x24: {  	s3 =	sadd.s32 $0x88, s3;
	s6 =	simm.s32 @!p1 $0x1082;
	[sflag:s4] =	ssyncset.s32 $0xFFFFF086  }
0x25: {  	[simem:s6], [sflag:s4] =	dma.local [hbm:s3], $0xF7A  }
0x26: {  	[smem:$0x3F99] =	sst s1;
	(tag) =	ssettag s2;
	_ =	strace s9  }
0x27: {  	s1 =	sld [smem:$0x3FA9]  }
0x28: {  	s2 =	sld [smem:$0x3FAA]  }
0x29: {  	s4 =	sld [smem:$0x3FAC]  }
0x2a: {  	p0 =	seq.s32 s5, $0x0;
	s5 =	sld [smem:$0x3FAD]  }
0x2b: {  	s6 =	sld [smem:$0x3FAE]  }
0x2c: {  	s7 =	sld [smem:$0x3FAF]  }
0x2d: {  	s3 =	simm.s32 $0x108;
	s8 =	sld [smem:$0x3FB0]  }
0x2e: {  	s3 =	simm.s32 @!p0 $0x1082;
	s9 =	sld [smem:$0x3FB1]  }
0x2f: {  	lr =	sadd.s32 s0, s3;
	s0 =	sld [smem:$0x3FA8]  }
0x30: {  	s3 =	sld [smem:$0x3FAB]  }
0x31: {  	[smem:$0x3FB4] =	sst s10  }
0x32: {  	s10 =	sld [smem:$0x3FB2];
	_ =	sdelay $0x3  }
0x33: {  	p0 =	seq.s32 s10, $0x1;
	s10 =	sld [smem:$0x3FB4];
	_ =	sdelay $0x3  }
0x34: {  	[smem:$0x3FB4] =	sst s10  }
0x35: {  	s10 =	sld [smem:$0x3FB3];
	_ =	sdelay $0x3  }
0x36: {  	p1 =	seq.s32 s10, $0x1;
	s10 =	sld [smem:$0x3FB4];
	_ =	sdelay $0x3  }
0x37: {  	[smem:$0x3FB4] =	sst s10  }
0x38: {  	s10 =	sld [smem:$0x3FB5]  }
0x39: {  	_ = 	snop;
	(pc) =	sbr.ind lr, $3  }
0x3a: {  	_ = 	snop  }
0x3b: {  	_ = 	snop  }
0x3c: {  	p2 =	seq.s32 s10, $0x1;
	s10 =	sld [smem:$0x3FB4]  }
0x3d: {  	_ =	shalt  }
0x3e: {  	_ =	shalt  }
0x3f: {  	_ =	shalt  }
0x40: {  	_ =	shalt  }
0x41: {  	_ =	shalt  }
0x42: {  	_ =	shalt  }
0x43: {  	_ =	shalt  }
0x44: {  	_ =	shalt  }
0x45: {  	_ =	shalt  }
0x46: {  	_ =	shalt  }
0x47: {  	_ =	shalt  }
0x48: {  	_ =	shalt  }
0x49: {  	_ =	shalt  }
0x4a: {  	_ =	shalt  }
0x4b: {  	_ =	shalt  }
0x4c: {  	_ =	shalt  }
0x4d: {  	_ =	shalt  }
0x4e: {  	_ =	shalt  }
0x4f: {  	_ =	shalt  }
0x50: {  	_ =	shalt  }
0x51: {  	_ =	shalt  }
0x52: {  	_ =	shalt  }
0x53: {  	_ =	shalt  }
0x54: {  	_ =	shalt  }
0x55: {  	_ =	shalt  }
0x56: {  	_ =	shalt  }
0x57: {  	_ =	shalt  }
0x58: {  	_ =	shalt  }
0x59: {  	_ =	shalt  }
0x5a: {  	_ =	shalt  }
0x5b: {  	_ =	shalt  }
0x5c: {  	_ =	shalt  }
0x5d: {  	_ =	shalt  }
0x5e: {  	_ =	shalt  }
0x5f: {  	_ =	shalt  }
0x60: {  	_ =	shalt  }
0x61: {  	_ =	shalt  }
0x62: {  	_ =	shalt  }
0x63: {  	_ =	shalt  }
0x64: {  	_ =	shalt  }
0x65: {  	_ =	shalt  }
0x66: {  	_ =	shalt  }
0x67: {  	_ =	shalt  }
0x68: {  	_ =	shalt  }
0x69: {  	_ =	shalt  }
0x6a: {  	_ =	shalt  }
0x6b: {  	_ =	shalt  }
0x6c: {  	_ =	shalt  }
0x6d: {  	_ =	shalt  }
0x6e: {  	_ =	shalt  }
0x6f: {  	_ =	shalt  }
0x70: {  	_ =	shalt  }
0x71: {  	_ =	shalt  }
0x72: {  	_ =	shalt  }
0x73: {  	_ =	shalt  }
0x74: {  	_ =	shalt  }
0x75: {  	_ =	shalt  }
0x76: {  	_ =	shalt  }
0x77: {  	_ =	shalt  }
0x78: {  	_ =	shalt  }
0x79: {  	_ =	shalt  }
0x7a: {  	_ =	shalt  }
0x7b: {  	_ =	shalt  }
0x7c: {  	_ =	shalt  }
0x7d: {  	_ =	shalt  }
0x7e: {  	_ =	shalt  }
0x7f: {  	_ =	shalt  }
0x80: {  	_ =	shalt  }
0x81: {  	_ =	shalt  }
0x82: {  	_ =	shalt  }
0x83: {  	_ =	shalt  }
0x84: {  	_ =	shalt  }
0x85: {  	_ =	shalt  }
0x86: {  	_ =	shalt  }
0x87: {  	_ =	shalt  }
.Lfunc_end0:
.L_simem_size_0:
called_computation.1_lowered:
.L_overlay_start_0:
0x88: {  	s2 =	sld [smem:$0x3FD9]  }
0x89: {  	s3 =	sld [smem:$0x3FFE];
	_ =	sdelay $0x1  }
0x8a: {  	s1 =	srdreg.scid  }
0x8b: {  	s0 =	sand.u32 $0x1, s1  }
0x8c: {  	s17 =	sshll.u32 s0, $0xA;
	s2 =	sadd.s32 s3, s2  }
0x8d: {  	s2 =	sadd.s32 s2, s17  }
0x8e: {  	[smem:$0x3FC0] =	sst s2  }
0x8f: {  	_ = 	snop  }
0x90: {  	s2 =	sld [smem:$0x3FD0];
	(tm) =	ssettm $0x1  }
0x91: {  	s18 =	sld [smem:$0x3FFB];
	_ =	sdelay $0x3  }
0x92: {  	_ =	strace s18  }
0x93: {  	s3 =	sld [smem:$0x3FFC];
	_ =	sdelay $0x3  }
0x94: {  	_ =	strace s3  }
0x95: {  	s3 =	sld [smem:$0x3FFD];
	_ =	sdelay $0x3  }
0x96: {  	_ =	strace s3  }
0x97: {  	_ =	strace $0x8FFFFFFF  }
0x98: {  	s19 =	sld [smem:$0x3FDB];
	_ =	sdelay $0x1  }
0x99: {  	s4 =	simm.s32 $_scs_section_size  }
0x9a: {  	s5 =	simm.s32 $_size__tile_overlayer_lowered;
	s6 =	simm.s32 $_tile_overlayer_lowered  }
0x9b: {  	s22 =	simm.s32 $0x1BFF;
	s21 =	sshll.u32 s6, $0x1;
	s3 =	sadd.s32 s4, s19  }
0x9c: {  	s7 =	simm.s32 $0x0;
	s20 =	sshll.u32 s5, $0x1;
	s5 =	sadd.s32 s21, s3  }
0x9d: {  	[timem:s7], [sflag:s22] =	dma.local [hbm:s5], s20  }
0x9e: {  	_ =	swait.ge [sflag:s22], s20  }
0x9f: {  	s4 =	ssub.s32 $0x0, s20;
	[sflag:s22] =	ssyncset.done $0x0  }
0xa0: {  	[sflag:s22] =	ssyncadd.s32 s4;
	_ =	sdelay $0x1  }
0xa1: {  	s23 =	simm.s32 $0x1B8B  }
0xa2: {  	_ =	swait.ge [sflag:s23], $0x1  }
0xa3: {  	[sflag:s23] =	ssyncset.done $0x0  }
0xa4: {  	s25 =	simm.s32 $0x1B8E;
	s24 =	sld [smem:$0x3FFE];
	[sflag:s23] =	ssyncadd.s32 $0xFFFFFFFF  }
0xa5: {  	s26 =	simm.s32 $execute0_lowered;
	[smem:$0x3FD2] =	sst s25  }
0xa6: {  	s5 =	sshll.u32 s26, $0x1;
	_ =	strace $0x80000049;
	[dreg:$0x1] =	wrdreg $0xFFFFFFFF  }
0xa7: {  	s28 =	simm.s32 $_size_execute0_lowered;
	s3 =	sadd.s32 s3, s5;
	[dreg:$0x0] =	wrdreg $0x0  }
0xa8: {  	s5 =	sshll.u32 s28, $0x1;
	[dreg:$0x2] =	wrdreg s3  }
0xa9: {  	[dreg:$0x3] =	wrdreg s5  }
0xaa: {  	[dreg:$0x4] =	wrdreg $0xC0  }
0xab: {  	_ =	task [dreg:s7], $0x5FFFF  }
0xac: {  	[dreg:$0x1] =	wrdreg $0xFFFFFFFF  }
0xad: {  	[dreg:$0x0] =	wrdreg $0x60  }
0xae: {  	[dreg:$0x2] =	wrdreg s2  }
0xaf: {  	[dreg:$0x3] =	wrdreg s24  }
0xb0: {  	[dreg:$0x4] =	wrdreg $0x28A00  }
0xb1: {  	[dreg:$0x5] =	wrdreg $0x9  }
0xb2: {  	_ =	task.clear_ibuf [dreg:s7], $0x6FFFF;
	_ =	strace $0x90000049  }
0xb3: {  	s29 =	simm.s32 $0x9;
	_ =	strace $0x8000004B  }
0xb4: {  	_ =	swait.ge [sflag:s29], $0x1  }
0xb5: {  	[sflag:s29] =	ssyncadd.s32 $0xFFFFFFFF  }
0xb6: {  	_ =	strace $0x9000004B  }
0xb7: {  	_ =	sfence  }
0xb8: {  	s30 =	sld [smem:$0x0];
	_ =	sdelay $0x2  }
0xb9: {  	s31 =	sshll.u32 s1, $0xD;
	s1 =	sshrl.u32 s1, $0x2  }
0xba: {  	s3 =	sand.u32 $0x4000, s31;
	s1 =	sadd.s32 s1, s30  }
0xbb: {  	s0 =	sor.u32 s3, s0;
	s1 =	sshll.u32 s1, $0x11  }
0xbc: {  	s0 =	sor.u32 s1, s0  }
0xbd: {  	s0 =	sadd.s32 $0x8F2B, s0  }
0xbe: {  	[sflag:s0] =	ssyncadd.remote.s32 $0x1  }
0xbf: {  	_ =	sfence.sel $0xFFFF  }
0xc0: {  	[dreg:$0x0] =	wrdreg $0xFFFFFFFF;
	(pc) =	sbr.abs _section_cstart, $3  }
0xc1: {  	[dreg:$0x1] =	wrdreg $0xFFFFFFFF  }
0xc2: {  	_ =	task.clear_ibuf [dreg:s7], $0x2FFFF;
	_ =	strace $0x9FFFFFFF  }
0xc3: {  	(tm) =	ssettm $0x7FFFFFFF  }
tec
execute0_lowered:
.L_overlay_start_1:
0x0: {  	(tag) =	ssettag $0x1  }
0x1: {  	s1 =	rddreg [dreg:$0x0];
	s0 =	srdreg.scid  }
0x2: {  	s2 =	rddreg [dreg:$0x1];
	s11 =	stileid.u32  }
0x3: {  	s3 =	rddreg [dreg:$0x2];
	s4 =	simm.s32 $0x0;
	s28 =	simm.s32 $0x50  }
0x4: {  	s29 =	simm.s32 $0x1;
	s30 =	simm.s32 $0x0;
	s6 =	smul.u32 $0x2710, s11  }
0x5: {  	s10 =	sand.u32 $0x1, s0;
	[smem:$0x7FF] =	sst s4;
	s13 =	smul.u32 $0x14000, s11  }
0x6: {  	s14 =	sadd.s32 $0x16600, s2;
	s5 =	smul.u32 $0x27100, s10;
	_ =	strace $0x8000004A  }
0x7: {  	s12 =	ssub.s32 $0x2, s10;
	[dreg:$0x4] =	wrdreg s14;
	s19 =	smul.u32 $0x140000, s10  }
0x8: {  	s7 =	sshrl.u32 s12, $0x1;
	s14 =	sor.u32 $0x2800, s13;
	s16 =	sadd.s32 $0x5000, s13  }
0x9: {  	s17 =	sadd.s32 $0x7800, s13;
	s18 =	sadd.s32 $0xA000, s13;
	s20 =	sadd.s32 $0xC800, s13  }
0xa: {  	s21 =	sadd.s32 $0xF000, s13;
	s23 =	sadd.s32 $0x11800, s13;
	s5 =	sadd.s32 s6, s5  }
0xb: {  	s22 =	ssub.s32 s12, s7;
	s6 =	sadd.s32 s13, s3;
	s7 =	sadd.s32 s14, s3  }
0xc: {  	s8 =	sadd.s32 s16, s3;
	s9 =	sadd.s32 s17, s3;
	s10 =	sadd.s32 s18, s3  }
0xd: {  	s11 =	sadd.s32 s20, s3;
	s12 =	sadd.s32 s21, s3;
	s15 =	sadd.s32 s13, s19  }
0xe: {  	s25 =	sadd.s32 s19, s14;
	s13 =	sadd.s32 s23, s3;
	s16 =	sadd.s32 s19, s16  }
0xf: {  	s17 =	sadd.s32 s19, s17;
	s18 =	sadd.s32 s19, s18;
	s20 =	sadd.s32 s19, s20  }
0x10: {  	s21 =	sadd.s32 s19, s21;
	s23 =	sadd.s32 s19, s23;
	s5 =	sshrl.u32 s5, $0x3  }
0x11: {  	s15 =	sshrl.u32 s15, $0x3;
	s26 =	sshrl.u32 s25, $0x3;
	s16 =	sshrl.u32 s16, $0x3  }
0x12: {  	s17 =	sshrl.u32 s17, $0x3;
	s18 =	sshrl.u32 s18, $0x3;
	s20 =	sshrl.u32 s20, $0x3  }
0x13: {  	s21 =	sshrl.u32 s21, $0x3;
	s31 =	sshrl.u32 s23, $0x3;
	s22 =	smax.u32 s22, $0x1  }
0x14: {  	s25 =	simm.s32 $0xA0;
	s24 =	sadd.s32 s5, s2;
	s2 =	sadd.s32 $0x16C00, s2  }
0x15: {  	s15 =	sadd.s32 s2, s15;
	s16 =	sadd.s32 s2, s16;
	s17 =	sadd.s32 s2, s17  }
0x16: {  	s18 =	sadd.s32 s2, s18;
	s19 =	sadd.s32 s2, s20;
	s20 =	sadd.s32 s2, s21  }
0x17: {  	s21 =	sadd.s32 s2, s31;
	s23 =	sadd.s32 $0x2600, s24;
	s24 =	sadd.s32 $0xC400, s24  }
0x18: {  	[dreg:$0x5] =	wrdreg s15;
	s15 =	sadd.s32 s2, s26;
	s26 =	simm.s32 $0x2  }
.LBB2_1:
0x19: {  	s0 =	rddreg [dreg:$0x4]  }
0x1a: {  	[tilespmem:s25], [sflag:$0x2] =	stream.linear.gather [hbm4b:s0+s4], $0x2800, $0x38;
	[tilespmem:$0x168A0] =	vst v63  }
0x1b: {  	_ =	swait.ge [sflag:s26], $0x2800  }
0x1c: {  	[sflag:s26] =	ssyncset.done $0x0  }
0x1d: {  	[sflag:s26] =	ssyncadd.s32 $0xFFFFD800  }
0x1e: {  	[spmem:s6] =	stream.linear.scatter [tilespmem:s25], [sflag:$0x2], $0x2800, $0x38;
	[tilespmem:$0x168A0] =	vst v63  }
0x1f: {  	_ =	swait.ge [sflag:s26], $0x2800  }
0x20: {  	[sflag:s26] =	ssyncset.done $0x0  }
0x21: {  	[sflag:s26] =	ssyncadd.s32 $0xFFFFD800  }
0x22: {  	[spmem:s7] =	stream.linear.scatter [tilespmem:s25], [sflag:$0x2], $0x2800, $0x38;
	[tilespmem:$0x168A0] =	vst v63  }
0x23: {  	_ =	swait.ge [sflag:s26], $0x2800  }
0x24: {  	[sflag:s26] =	ssyncset.done $0x0  }
0x25: {  	[sflag:s26] =	ssyncadd.s32 $0xFFFFD800  }
0x26: {  	[spmem:s8] =	stream.linear.scatter [tilespmem:s25], [sflag:$0x2], $0x2800, $0x38;
	[tilespmem:$0x168A0] =	vst v63  }
0x27: {  	_ =	swait.ge [sflag:s26], $0x2800  }
0x28: {  	[sflag:s26] =	ssyncset.done $0x0  }
0x29: {  	[sflag:s26] =	ssyncadd.s32 $0xFFFFD800  }
0x2a: {  	[spmem:s9] =	stream.linear.scatter [tilespmem:s25], [sflag:$0x2], $0x2800, $0x38;
	[tilespmem:$0x168A0] =	vst v63  }
0x2b: {  	_ =	swait.ge [sflag:s26], $0x2800  }
0x2c: {  	[sflag:s26] =	ssyncset.done $0x0  }
0x2d: {  	[sflag:s26] =	ssyncadd.s32 $0xFFFFD800  }
0x2e: {  	[spmem:s10] =	stream.linear.scatter [tilespmem:s25], [sflag:$0x2], $0x2800, $0x38;
	[tilespmem:$0x168A0] =	vst v63  }
0x2f: {  	_ =	swait.ge [sflag:s26], $0x2800  }
0x30: {  	[sflag:s26] =	ssyncset.done $0x0  }
0x31: {  	[sflag:s26] =	ssyncadd.s32 $0xFFFFD800  }
0x32: {  	[spmem:s11] =	stream.linear.scatter [tilespmem:s25], [sflag:$0x2], $0x2800, $0x38;
	[tilespmem:$0x168A0] =	vst v63  }
0x33: {  	_ =	swait.ge [sflag:s26], $0x2800  }
0x34: {  	[sflag:s26] =	ssyncset.done $0x0  }
0x35: {  	[sflag:s26] =	ssyncadd.s32 $0xFFFFD800  }
0x36: {  	[spmem:s12] =	stream.linear.scatter [tilespmem:s25], [sflag:$0x2], $0x2800, $0x38;
	[tilespmem:$0x168A0] =	vst v63  }
0x37: {  	_ =	swait.ge [sflag:s26], $0x2800  }
0x38: {  	[sflag:s26] =	ssyncset.done $0x0  }
0x39: {  	[sflag:s26] =	ssyncadd.s32 $0xFFFFD800  }
0x3a: {  	[spmem:s13] =	stream.linear.scatter [tilespmem:s25], [sflag:$0x2], $0x2800, $0x38;
	[tilespmem:$0x168A0] =	vst v63  }
0x3b: {  	_ =	swait.ge [sflag:s26], $0x2800  }
0x3c: {  	[sflag:s26] =	ssyncset.done $0x0  }
0x3d: {  	[sflag:s26] =	ssyncadd.s32 $0xFFFFD800  }
0x3e: {  	s2 =	sadd.s32 $0x0, s24;
	[bflag:$0x0] =	sbarrier.arrive $0xFFFF  }
0x3f: {  	[tilespmem:s4], [sflag:$0x2] =	stream.linear.gather [hbm4b:s2+s4], $0x50, $0x38;
	[tilespmem:$0x168A0] =	vst v63  }
0x40: {  	_ =	swait.ge [sflag:s26], $0x50  }
0x41: {  	[sflag:s26] =	ssyncset.done $0x0  }
0x42: {  	s14 =	sadd.s32 $0x0, s23;
	[sflag:s26] =	ssyncadd.s32 $0xFFFFFFB0  }
0x43: {  	[tilespmem:s28], [sflag:$0x2] =	stream.linear.gather [hbm4b:s14+s4], $0x50, $0x38;
	[tilespmem:$0x168A0] =	vst v63  }
0x44: {  	_ =	swait.ge [sflag:s26], $0x50  }
0x45: {  	[sflag:s26] =	ssyncset.done $0x0  }
0x46: {  	[sflag:s26] =	ssyncadd.s32 $0xFFFFFFB0  }
0x47: {  	[tilespmem:s25], [sflag:$0x1] =	stream.indirect.gather [hbm4b:s1+s28], $0x80, s4, s28, $0xb8;
	[tilespmem:$0x168A0] =	vst v63  }
0x48: {  	_ =	swait.ge [sflag:s29], $0x2800  }
0x49: {  	[sflag:s29] =	ssyncset.done $0x0  }
0x4a: {  	[sflag:s29] =	ssyncadd.s32 $0xFFFFD800  }
0x4b: {  	[spmem:s3] =	stream.indirect.scatter.add.f32 [tilespmem:s25], [sflag:$0x2], $0x80, s28, s28, $0xb8;
	[tilespmem:$0x168A0] =	vst v63  }
0x4c: {  	_ =	swait.ge [sflag:s26], $0x2800  }
0x4d: {  	s31 =	simm.s32 $0xA;
	s2 =	simm.s32 $0x14;
	[sflag:s26] =	ssyncset.done $0x0  }
.LBB2_2:
0x4e: {  	s0 =	sadd.s32 s31, s24  }
0x4f: {  	[sflag:s26] =	ssyncadd.s32 $0xFFFFD800;
	s5 =	smov.u32 s2;
	s14 =	sadd.s32 $0xA, s2  }
0x50: {  	[tilespmem:s4], [sflag:$0x2] =	stream.linear.gather [hbm4b:s0+s4], $0x50, $0x38;
	[tilespmem:$0x168A0] =	vst v63  }
0x51: {  	p0 =	sne.s32 s2, $0x4D8;
	_ =	swait.ge [sflag:s26], $0x50  }
0x52: {  	[sflag:s26] =	ssyncset.done $0x0  }
0x53: {  	s0 =	sadd.s32 s31, s23;
	s31 =	smov.u32 s5;
	[sflag:s26] =	ssyncadd.s32 $0xFFFFFFB0  }
0x54: {  	[tilespmem:s28], [sflag:$0x2] =	stream.linear.gather [hbm4b:s0+s4], $0x50, $0x38;
	[tilespmem:$0x168A0] =	vst v63  }
0x55: {  	_ =	swait.ge [sflag:s26], $0x50  }
0x56: {  	[sflag:s26] =	ssyncset.done $0x0  }
0x57: {  	[sflag:s26] =	ssyncadd.s32 $0xFFFFFFB0  }
0x58: {  	[tilespmem:s25], [sflag:$0x1] =	stream.indirect.gather [hbm4b:s1+s28], $0x80, s4, s28, $0xb8;
	[tilespmem:$0x168A0] =	vst v63  }
0x59: {  	_ =	swait.ge [sflag:s29], $0x2800  }
.Ltmp0:
0x5a: {  	[sflag:s29] =	ssyncset.done $0x0;
	(pc) =	sbr.rel @p0 .LBB2_2-.Ltmp0, $4  }
0x5b: {  	[sflag:s29] =	ssyncadd.s32 $0xFFFFD800  }
0x5c: {  	[spmem:s3] =	stream.indirect.scatter.add.f32 [tilespmem:s25], [sflag:$0x2], $0x80, s28, s28, $0xb8;
	[tilespmem:$0x168A0] =	vst v63  }
0x5d: {  	_ =	swait.ge [sflag:s26], $0x2800  }
0x5e: {  	s2 =	smov.u32 s14;
	[sflag:s26] =	ssyncset.done $0x0  }
0x5f: {  	s0 =	sadd.s32 s31, s24;
	[sflag:s26] =	ssyncadd.s32 $0xFFFFD800  }
0x60: {  	[tilespmem:s4], [sflag:$0x2] =	stream.linear.gather [hbm4b:s0+s4], $0x50, $0x38;
	[tilespmem:$0x168A0] =	vst v63  }
0x61: {  	_ =	swait.ge [sflag:s26], $0x50  }
0x62: {  	[sflag:s26] =	ssyncset.done $0x0  }
0x63: {  	s14 =	sadd.s32 s31, s23;
	[sflag:s26] =	ssyncadd.s32 $0xFFFFFFB0  }
0x64: {  	[tilespmem:s28], [sflag:$0x2] =	stream.linear.gather [hbm4b:s14+s4], $0x50, $0x38;
	[tilespmem:$0x168A0] =	vst v63  }
0x65: {  	_ =	swait.ge [sflag:s26], $0x50  }
0x66: {  	[sflag:s26] =	ssyncset.done $0x0  }
0x67: {  	[sflag:s26] =	ssyncadd.s32 $0xFFFFFFB0  }
0x68: {  	[tilespmem:s25], [sflag:$0x1] =	stream.indirect.gather [hbm4b:s1+s28], $0x80, s4, s28, $0xb8;
	[tilespmem:$0x168A0] =	vst v63  }
0x69: {  	_ =	swait.ge [sflag:s29], $0x2800  }
0x6a: {  	[sflag:s29] =	ssyncset.done $0x0  }
0x6b: {  	[sflag:s29] =	ssyncadd.s32 $0xFFFFD800  }
0x6c: {  	[spmem:s3] =	stream.indirect.scatter.add.f32 [tilespmem:s25], [sflag:$0x2], $0x80, s28, s28, $0xb8;
	[tilespmem:$0x168A0] =	vst v63  }
0x6d: {  	_ =	swait.ge [sflag:s26], $0x2800  }
0x6e: {  	[sflag:s26] =	ssyncset.done $0x0  }
0x6f: {  	[sflag:s26] =	ssyncadd.s32 $0xFFFFD800  }
0x70: {  	[bflag:$0x0] =	sbarrier.arrive $0xFFFF  }
0x71: {  	[tilespmem:s25], [sflag:$0x2] =	stream.linear.gather [spmem:s6], $0x2800, $0x38;
	[tilespmem:$0x168A0] =	vst v63  }
0x72: {  	_ =	swait.ge [sflag:s26], $0x2800  }
0x73: {  	[sflag:s26] =	ssyncset.done $0x0  }
0x74: {  	s31 =	rddreg [dreg:$0x5];
	[sflag:s26] =	ssyncadd.s32 $0xFFFFD800  }
0x75: {  	[hbm4b:s31+s4] =	stream.linear.scatter [tilespmem:s25], [sflag:$0x2], $0x2800, $0x38;
	[tilespmem:$0x168A0] =	vst v63  }
0x76: {  	_ =	swait.ge [sflag:s26], $0x2800  }
0x77: {  	[sflag:s26] =	ssyncset.done $0x0  }
0x78: {  	[sflag:s26] =	ssyncadd.s32 $0xFFFFD800  }
0x79: {  	[tilespmem:s25], [sflag:$0x2] =	stream.linear.gather [spmem:s7], $0x2800, $0x38;
	[tilespmem:$0x168A0] =	vst v63  }
0x7a: {  	_ =	swait.ge [sflag:s26], $0x2800  }
0x7b: {  	[sflag:s26] =	ssyncset.done $0x0  }
0x7c: {  	[sflag:s26] =	ssyncadd.s32 $0xFFFFD800  }
0x7d: {  	[hbm4b:s15+s4] =	stream.linear.scatter [tilespmem:s25], [sflag:$0x2], $0x2800, $0x38;
	[tilespmem:$0x168A0] =	vst v63  }
0x7e: {  	_ =	swait.ge [sflag:s26], $0x2800  }
0x7f: {  	[sflag:s26] =	ssyncset.done $0x0  }
0x80: {  	[sflag:s26] =	ssyncadd.s32 $0xFFFFD800  }
0x81: {  	[tilespmem:s25], [sflag:$0x2] =	stream.linear.gather [spmem:s8], $0x2800, $0x38;
	[tilespmem:$0x168A0] =	vst v63  }
0x82: {  	_ =	swait.ge [sflag:s26], $0x2800  }
0x83: {  	[sflag:s26] =	ssyncset.done $0x0  }
0x84: {  	[sflag:s26] =	ssyncadd.s32 $0xFFFFD800  }
0x85: {  	[hbm4b:s16+s4] =	stream.linear.scatter [tilespmem:s25], [sflag:$0x2], $0x2800, $0x38;
	[tilespmem:$0x168A0] =	vst v63  }
0x86: {  	_ =	swait.ge [sflag:s26], $0x2800  }
0x87: {  	[sflag:s26] =	ssyncset.done $0x0  }
0x88: {  	[sflag:s26] =	ssyncadd.s32 $0xFFFFD800  }
0x89: {  	[tilespmem:s25], [sflag:$0x2] =	stream.linear.gather [spmem:s9], $0x2800, $0x38;
	[tilespmem:$0x168A0] =	vst v63  }
0x8a: {  	_ =	swait.ge [sflag:s26], $0x2800  }
0x8b: {  	[sflag:s26] =	ssyncset.done $0x0  }
0x8c: {  	[sflag:s26] =	ssyncadd.s32 $0xFFFFD800  }
0x8d: {  	[hbm4b:s17+s4] =	stream.linear.scatter [tilespmem:s25], [sflag:$0x2], $0x2800, $0x38;
	[tilespmem:$0x168A0] =	vst v63  }
0x8e: {  	_ =	swait.ge [sflag:s26], $0x2800  }
0x8f: {  	[sflag:s26] =	ssyncset.done $0x0  }
0x90: {  	[sflag:s26] =	ssyncadd.s32 $0xFFFFD800  }
0x91: {  	[tilespmem:s25], [sflag:$0x2] =	stream.linear.gather [spmem:s10], $0x2800, $0x38;
	[tilespmem:$0x168A0] =	vst v63  }
0x92: {  	_ =	swait.ge [sflag:s26], $0x2800  }
0x93: {  	[sflag:s26] =	ssyncset.done $0x0  }
0x94: {  	[sflag:s26] =	ssyncadd.s32 $0xFFFFD800  }
0x95: {  	[hbm4b:s18+s4] =	stream.linear.scatter [tilespmem:s25], [sflag:$0x2], $0x2800, $0x38;
	[tilespmem:$0x168A0] =	vst v63  }
0x96: {  	_ =	swait.ge [sflag:s26], $0x2800  }
0x97: {  	[sflag:s26] =	ssyncset.done $0x0  }
0x98: {  	[sflag:s26] =	ssyncadd.s32 $0xFFFFD800  }
0x99: {  	[tilespmem:s25], [sflag:$0x2] =	stream.linear.gather [spmem:s11], $0x2800, $0x38;
	[tilespmem:$0x168A0] =	vst v63  }
0x9a: {  	_ =	swait.ge [sflag:s26], $0x2800  }
0x9b: {  	[sflag:s26] =	ssyncset.done $0x0  }
0x9c: {  	[sflag:s26] =	ssyncadd.s32 $0xFFFFD800  }
0x9d: {  	[hbm4b:s19+s4] =	stream.linear.scatter [tilespmem:s25], [sflag:$0x2], $0x2800, $0x38;
	[tilespmem:$0x168A0] =	vst v63  }
0x9e: {  	_ =	swait.ge [sflag:s26], $0x2800  }
0x9f: {  	[sflag:s26] =	ssyncset.done $0x0  }
0xa0: {  	[sflag:s26] =	ssyncadd.s32 $0xFFFFD800  }
0xa1: {  	[tilespmem:s25], [sflag:$0x2] =	stream.linear.gather [spmem:s12], $0x2800, $0x38;
	[tilespmem:$0x168A0] =	vst v63  }
0xa2: {  	_ =	swait.ge [sflag:s26], $0x2800  }
0xa3: {  	[sflag:s26] =	ssyncset.done $0x0  }
0xa4: {  	[sflag:s26] =	ssyncadd.s32 $0xFFFFD800  }
0xa5: {  	[hbm4b:s20+s4] =	stream.linear.scatter [tilespmem:s25], [sflag:$0x2], $0x2800, $0x38;
	[tilespmem:$0x168A0] =	vst v63  }
0xa6: {  	_ =	swait.ge [sflag:s26], $0x2800  }
0xa7: {  	[sflag:s26] =	ssyncset.done $0x0  }
0xa8: {  	[sflag:s26] =	ssyncadd.s32 $0xFFFFD800  }
0xa9: {  	[tilespmem:s25], [sflag:$0x2] =	stream.linear.gather [spmem:s13], $0x2800, $0x38;
	[tilespmem:$0x168A0] =	vst v63  }
0xaa: {  	s30 =	sadd.s32 $0x1, s30;
	_ =	swait.ge [sflag:s26], $0x2800  }
0xab: {  	p0 =	sne.s32 s30, s22;
	[sflag:s26] =	ssyncset.done $0x0  }
.Ltmp1:
0xac: {  	[sflag:s26] =	ssyncadd.s32 $0xFFFFD800;
	(pc) =	sbr.rel @p0 .LBB2_1-.Ltmp1, $4  }
0xad: {  	[hbm4b:s21+s4] =	stream.linear.scatter [tilespmem:s25], [sflag:$0x2], $0x2800, $0x38;
	[tilespmem:$0x168A0] =	vst v63  }
0xae: {  	_ =	swait.ge [sflag:s26], $0x2800  }
0xaf: {  	[sflag:s26] =	ssyncset.done $0x0  }
0xb0: {  	[sflag:s26] =	ssyncadd.s32 $0xFFFFD800  }
0xb1: {  	_ =	sfence.sel $0x180000  }
0xb2: {  	[bflag:$0x0] =	sbarrier.arrive $0xFFFF  }
0xb3: {  	_ =	strace $0x9000004A  }
0xb4: {  	s0 =	stileid.u32;
	[bflag:$0x2] =	sbarrier.arrive $0xFFFF  }
0xb5: {  	p0 =	sne.s32 s0, $0x0;
	s0 =	rddreg [dreg:$0x3]  }
0xb6: {  	s0 =	sadd.s32 @!p0 $0x100000, s0  }
0xb7: {  	[sflag:s0] =	ssyncadd.tile.s32 @!p0 $0x1;
	_ =	shalt  }
.Lfunc_end2:
_tile_overlayer_lowered:
.L_overlay_start_2:
0xb8: {  	(tag) =	ssettag $0x2  }
0xb9: {  	s0 =	rddreg [dreg:$0x0];
	s2 =	stileid.u32  }
0xba: {  	s1 =	rddreg [dreg:$0x1];
	p0 =	sne.s32 s2, $0x0  }
0xbb: {  	s3 =	rddreg [dreg:$0x2];
	[bflag:$0x3] =	sbarrier.arrive $0xFFFF;
	s2 =	simm.s32 @!p0 $0x1C02  }
0xbc: {  	[timem:s3], [sflag:s2] =	dma.local @!p0 [hbm:s0], s1  }
0xbd: {  	s0 =	simm.s32 @!p0 $0x2  }
0xbe: {  	_ =	swait.ge @!p0 [sflag:s0], s1  }
0xbf: {  	s1 =	ssub.s32 @!p0 $0x0, s1;
	[sflag:s0] =	ssyncset.done @!p0 $0x0  }
0xc0: {  	[sflag:s0] =	ssyncadd.s32 @!p0 s1  }
0xc1: {  	[bflag:$0x3] =	sbarrier.arrive $0xFFFF  }
0xc2: {  	_ =	shalt  }

// kernel: sage_sc_agg_counts.3.cloned.1.call-start
scs
__scs_entry_jumppad:
0x0: {  	(pc) =	sbr.rel $0x88, $3  }
0x1: {  	(tag) =	ssettag $0x0;
	lr =	simm.s32 $0x1  }
0x2: {  	[smem:$0x3F99] =	sst lr;
	_ =	strace $0xD0000000  }
0x3: {  	_ = 	snop  }
0x4: {  	_ = 	snop  }
0x5: {  	_ = 	snop  }
0x6: {  	_ = 	snop  }
0x7: {  	_ = 	snop  }
__scs_overlays_trampoline_lowered:
0x8: {  	[smem:$0x3FA8] =	sst s0  }
0x9: {  	[smem:$0x3FA9] =	sst s1  }
0xa: {  	[smem:$0x3FAA] =	sst s2  }
0xb: {  	[smem:$0x3FAB] =	sst s3  }
0xc: {  	[smem:$0x3FAC] =	sst s4  }
0xd: {  	[smem:$0x3FAD] =	sst s5  }
0xe: {  	[smem:$0x3FAE] =	sst s6  }
0xf: {  	[smem:$0x3FAF] =	sst s7  }
0x10: {  	[smem:$0x3FB0] =	sst s8  }
0x11: {  	[smem:$0x3FB1] =	sst s9;
	s0 =	simm.s32 @!p0 $0x0  }
0x12: {  	s1 =	sld [smem:$0x3F97];
	s0 =	simm.s32 @p0 $0x1  }
0x13: {  	[smem:$0x3FB2] =	sst s0;
	s0 =	simm.s32 @!p1 $0x0  }
0x14: {  	s2 =	sld [smem:$0x3F96];
	s0 =	simm.s32 @p1 $0x1  }
0x15: {  	[smem:$0x3FB3] =	sst s0;
	s0 =	simm.s32 @!p2 $0x0  }
0x16: {  	s3 =	sld [smem:$0x3FDB];
	s0 =	simm.s32 @p2 $0x1  }
0x17: {  	s4 =	simm.s32 $0x1BF5;
	[smem:$0x3FB5] =	sst s0  }
0x18: {  	s0 =	sld [smem:$0x3F98];
	_ =	swait.ge [sflag:s4], $0x0  }
0x19: {  	s7 =	sld [smem:$0x3F99]  }
0x1a: {  	s8 =	sadd.s32 $0xFFFFE003, lr  }
0x1b: {  	s9 =	sadd.s32 $0xFFFFFEF7, lr;
	s5 =	simm.s32 $0xFFFFFFFF;
	p2 =	slt.u32 s8, $0xFFFFF086  }
0x1c: {  	p1 =	slt.u32 s9, $0xF7A;
	s5 =	simm.s32 @!p2 $0x0  }
0x1d: {  	s5 =	simm.s32 @p1 $0x1;
	p0 =	seq.s32 s7, s2  }
0x1e: {  	s7 =	smul.u32 @!p0 $0xF7A, s2;
	p2 =	seq.s32 @!p0 s5, $0x0  }
0x1f: {  	s9 =	smul.u32 $0xF7A, s1;
	s8 =	simm.s32 @!p0 $0x1BF5;
	p2 =	por !p2, p0  }
0x20: {  	[sflag:s8] =	ssyncset.s32 @!p0 $0xFFFFF086;
	s6 =	sadd.s32 @!p0 s3, s7;
	s7 =	simm.s32 @!p0 $0x108  }
0x21: {  	s3 =	sadd.s32 s3, s9;
	s6 =	sadd.s32 @!p0 $0x88, s6;
	s7 =	simm.s32 @p2 $0x1082  }
0x22: {  	[simem:s7], [sflag:s8] =	dma.local @!p0 [hbm:s6], $0xF7A  }
0x23: {  	s9 =	sor.u32 $0xD0000000, s2;
	s6 =	simm.s32 $0x108;
	_ =	swait.ge @!p0 [sflag:s8], $0x0  }
0x24: {  	s3 =	sadd.s32 $0x88, s3;
	s6 =	simm.s32 @!p1 $0x1082;
	[sflag:s4] =	ssyncset.s32 $0xFFFFF086  }
0x25: {  	[simem:s6], [sflag:s4] =	dma.local [hbm:s3], $0xF7A  }
0x26: {  	[smem:$0x3F99] =	sst s1;
	(tag) =	ssettag s2;
	_ =	strace s9  }
0x27: {  	s1 =	sld [smem:$0x3FA9]  }
0x28: {  	s2 =	sld [smem:$0x3FAA]  }
0x29: {  	s4 =	sld [smem:$0x3FAC]  }
0x2a: {  	p0 =	seq.s32 s5, $0x0;
	s5 =	sld [smem:$0x3FAD]  }
0x2b: {  	s6 =	sld [smem:$0x3FAE]  }
0x2c: {  	s7 =	sld [smem:$0x3FAF]  }
0x2d: {  	s3 =	simm.s32 $0x108;
	s8 =	sld [smem:$0x3FB0]  }
0x2e: {  	s3 =	simm.s32 @!p0 $0x1082;
	s9 =	sld [smem:$0x3FB1]  }
0x2f: {  	lr =	sadd.s32 s0, s3;
	s0 =	sld [smem:$0x3FA8]  }
0x30: {  	s3 =	sld [smem:$0x3FAB]  }
0x31: {  	[smem:$0x3FB4] =	sst s10  }
0x32: {  	s10 =	sld [smem:$0x3FB2];
	_ =	sdelay $0x3  }
0x33: {  	p0 =	seq.s32 s10, $0x1;
	s10 =	sld [smem:$0x3FB4];
	_ =	sdelay $0x3  }
0x34: {  	[smem:$0x3FB4] =	sst s10  }
0x35: {  	s10 =	sld [smem:$0x3FB3];
	_ =	sdelay $0x3  }
0x36: {  	p1 =	seq.s32 s10, $0x1;
	s10 =	sld [smem:$0x3FB4];
	_ =	sdelay $0x3  }
0x37: {  	[smem:$0x3FB4] =	sst s10  }
0x38: {  	s10 =	sld [smem:$0x3FB5]  }
0x39: {  	_ = 	snop;
	(pc) =	sbr.ind lr, $3  }
0x3a: {  	_ = 	snop  }
0x3b: {  	_ = 	snop  }
0x3c: {  	p2 =	seq.s32 s10, $0x1;
	s10 =	sld [smem:$0x3FB4]  }
0x3d: {  	_ =	shalt  }
0x3e: {  	_ =	shalt  }
0x3f: {  	_ =	shalt  }
0x40: {  	_ =	shalt  }
0x41: {  	_ =	shalt  }
0x42: {  	_ =	shalt  }
0x43: {  	_ =	shalt  }
0x44: {  	_ =	shalt  }
0x45: {  	_ =	shalt  }
0x46: {  	_ =	shalt  }
0x47: {  	_ =	shalt  }
0x48: {  	_ =	shalt  }
0x49: {  	_ =	shalt  }
0x4a: {  	_ =	shalt  }
0x4b: {  	_ =	shalt  }
0x4c: {  	_ =	shalt  }
0x4d: {  	_ =	shalt  }
0x4e: {  	_ =	shalt  }
0x4f: {  	_ =	shalt  }
0x50: {  	_ =	shalt  }
0x51: {  	_ =	shalt  }
0x52: {  	_ =	shalt  }
0x53: {  	_ =	shalt  }
0x54: {  	_ =	shalt  }
0x55: {  	_ =	shalt  }
0x56: {  	_ =	shalt  }
0x57: {  	_ =	shalt  }
0x58: {  	_ =	shalt  }
0x59: {  	_ =	shalt  }
0x5a: {  	_ =	shalt  }
0x5b: {  	_ =	shalt  }
0x5c: {  	_ =	shalt  }
0x5d: {  	_ =	shalt  }
0x5e: {  	_ =	shalt  }
0x5f: {  	_ =	shalt  }
0x60: {  	_ =	shalt  }
0x61: {  	_ =	shalt  }
0x62: {  	_ =	shalt  }
0x63: {  	_ =	shalt  }
0x64: {  	_ =	shalt  }
0x65: {  	_ =	shalt  }
0x66: {  	_ =	shalt  }
0x67: {  	_ =	shalt  }
0x68: {  	_ =	shalt  }
0x69: {  	_ =	shalt  }
0x6a: {  	_ =	shalt  }
0x6b: {  	_ =	shalt  }
0x6c: {  	_ =	shalt  }
0x6d: {  	_ =	shalt  }
0x6e: {  	_ =	shalt  }
0x6f: {  	_ =	shalt  }
0x70: {  	_ =	shalt  }
0x71: {  	_ =	shalt  }
0x72: {  	_ =	shalt  }
0x73: {  	_ =	shalt  }
0x74: {  	_ =	shalt  }
0x75: {  	_ =	shalt  }
0x76: {  	_ =	shalt  }
0x77: {  	_ =	shalt  }
0x78: {  	_ =	shalt  }
0x79: {  	_ =	shalt  }
0x7a: {  	_ =	shalt  }
0x7b: {  	_ =	shalt  }
0x7c: {  	_ =	shalt  }
0x7d: {  	_ =	shalt  }
0x7e: {  	_ =	shalt  }
0x7f: {  	_ =	shalt  }
0x80: {  	_ =	shalt  }
0x81: {  	_ =	shalt  }
0x82: {  	_ =	shalt  }
0x83: {  	_ =	shalt  }
0x84: {  	_ =	shalt  }
0x85: {  	_ =	shalt  }
0x86: {  	_ =	shalt  }
0x87: {  	_ =	shalt  }
.Lfunc_end0:
.L_simem_size_0:
called_computation_lowered:
.L_overlay_start_0:
0x88: {  	s2 =	sld [smem:$0x3FD9]  }
0x89: {  	s3 =	sld [smem:$0x3FFE];
	_ =	sdelay $0x1  }
0x8a: {  	s1 =	srdreg.scid  }
0x8b: {  	s0 =	sand.u32 $0x1, s1  }
0x8c: {  	s17 =	sshll.u32 s0, $0xA;
	s2 =	sadd.s32 s3, s2  }
0x8d: {  	s2 =	sadd.s32 s2, s17  }
0x8e: {  	[smem:$0x3FC0] =	sst s2  }
0x8f: {  	_ = 	snop  }
0x90: {  	s2 =	sld [smem:$0x3FC9]  }
0x91: {  	s18 =	sld [smem:$0x3FD0];
	(tm) =	ssettm $0x1  }
0x92: {  	s4 =	sld [smem:$0x3FFB];
	_ =	sdelay $0x3  }
0x93: {  	_ =	strace s4  }
0x94: {  	s4 =	sld [smem:$0x3FFC];
	_ =	sdelay $0x3  }
0x95: {  	_ =	strace s4  }
0x96: {  	s4 =	sld [smem:$0x3FFD];
	_ =	sdelay $0x3  }
0x97: {  	_ =	strace s4  }
0x98: {  	_ =	strace $0x8FFFFFFF  }
0x99: {  	s19 =	sld [smem:$0x3FDB];
	_ =	sdelay $0x1  }
0x9a: {  	s5 =	simm.s32 $_scs_section_size  }
0x9b: {  	s6 =	simm.s32 $_size__tile_overlayer_lowered;
	s7 =	simm.s32 $_tile_overlayer_lowered  }
0x9c: {  	s22 =	simm.s32 $0x1BFF;
	s21 =	sshll.u32 s7, $0x1;
	s4 =	sadd.s32 s5, s19  }
0x9d: {  	s8 =	simm.s32 $0x0;
	s20 =	sshll.u32 s6, $0x1;
	s6 =	sadd.s32 s21, s4  }
0x9e: {  	[timem:s8], [sflag:s22] =	dma.local [hbm:s6], s20  }
0x9f: {  	_ =	swait.ge [sflag:s22], s20  }
0xa0: {  	s5 =	ssub.s32 $0x0, s20;
	[sflag:s22] =	ssyncset.done $0x0  }
0xa1: {  	[sflag:s22] =	ssyncadd.s32 s5;
	_ =	sdelay $0x1  }
0xa2: {  	s23 =	simm.s32 $0x1B8B  }
0xa3: {  	_ =	swait.ge [sflag:s23], $0x1  }
0xa4: {  	[sflag:s23] =	ssyncset.done $0x0  }
0xa5: {  	s25 =	simm.s32 $0x1B8E;
	s24 =	sld [smem:$0x3FFE];
	[sflag:s23] =	ssyncadd.s32 $0xFFFFFFFF  }
0xa6: {  	s26 =	simm.s32 $execute0_lowered;
	[smem:$0x3FD2] =	sst s25  }
0xa7: {  	s6 =	sshll.u32 s26, $0x1;
	_ =	strace $0x80000046;
	[dreg:$0x1] =	wrdreg $0xFFFFFFFF  }
0xa8: {  	s28 =	simm.s32 $_size_execute0_lowered;
	s4 =	sadd.s32 s4, s6;
	[dreg:$0x0] =	wrdreg $0x0  }
0xa9: {  	s6 =	sshll.u32 s28, $0x1;
	[dreg:$0x2] =	wrdreg s4  }
0xaa: {  	[dreg:$0x3] =	wrdreg s6  }
0xab: {  	[dreg:$0x4] =	wrdreg $0xC0  }
0xac: {  	_ =	task [dreg:s8], $0x5FFFF  }
0xad: {  	[dreg:$0x1] =	wrdreg $0xFFFFFFFF  }
0xae: {  	[dreg:$0x0] =	wrdreg $0x60  }
0xaf: {  	[dreg:$0x2] =	wrdreg s2  }
0xb0: {  	[dreg:$0x3] =	wrdreg s24  }
0xb1: {  	[dreg:$0x4] =	wrdreg s18  }
0xb2: {  	[dreg:$0x5] =	wrdreg $0x32A00  }
0xb3: {  	[dreg:$0x6] =	wrdreg $0x172A00  }
0xb4: {  	[dreg:$0x7] =	wrdreg $0x9  }
0xb5: {  	_ =	task.clear_ibuf [dreg:s8], $0x8FFFF;
	_ =	strace $0x90000046  }
0xb6: {  	s29 =	simm.s32 $0x9;
	_ =	strace $0x80000048  }
0xb7: {  	_ =	swait.ge [sflag:s29], $0x1  }
0xb8: {  	[sflag:s29] =	ssyncadd.s32 $0xFFFFFFFF  }
0xb9: {  	_ =	strace $0x90000048  }
0xba: {  	_ =	sfence  }
0xbb: {  	s30 =	sld [smem:$0x0];
	_ =	sdelay $0x2  }
0xbc: {  	s31 =	sshll.u32 s1, $0xD;
	s1 =	sshrl.u32 s1, $0x2  }
0xbd: {  	s3 =	sand.u32 $0x4000, s31;
	s1 =	sadd.s32 s1, s30  }
0xbe: {  	s0 =	sor.u32 s3, s0;
	s1 =	sshll.u32 s1, $0x11  }
0xbf: {  	s0 =	sor.u32 s1, s0  }
0xc0: {  	s0 =	sadd.s32 $0x8F2B, s0  }
0xc1: {  	[sflag:s0] =	ssyncadd.remote.s32 $0x1  }
0xc2: {  	_ =	sfence.sel $0xFFFF  }
0xc3: {  	[dreg:$0x0] =	wrdreg $0xFFFFFFFF;
	(pc) =	sbr.abs _section_cstart, $3  }
0xc4: {  	[dreg:$0x1] =	wrdreg $0xFFFFFFFF  }
0xc5: {  	_ =	task.clear_ibuf [dreg:s8], $0x2FFFF;
	_ =	strace $0x9FFFFFFF  }
0xc6: {  	(tm) =	ssettm $0x7FFFFFFF  }
0xc7: {  	_ =	shalt  }
tec
execute0_lowered:
.L_overlay_start_1:
0x0: {  	(tag) =	ssettag $0x1  }
0x1: {  	s10 =	stileid.u32  }
0x2: {  	s0 =	srdreg.scid;
	s2 =	smul.u32 $0x2710, s10  }
0x3: {  	s11 =	sand.u32 $0x1, s0;
	s8 =	smul.u32 $0x280, s10  }
0x4: {  	s0 =	rddreg [dreg:$0x1];
	s1 =	smul.u32 $0x27100, s11  }
0x5: {  	s3 =	ssub.s32 $0x2, s11;
	s12 =	sadd.s32 $0x16C00, s0;
	s18 =	smul.u32 $0x140000, s11  }
0x6: {  	s11 =	smul.u32 $0x28000, s11;
	s24 =	sshrl.u32 s3, $0x1;
	s13 =	sor.u32 $0x50, s8  }
0x7: {  	s14 =	sadd.s32 $0xA0, s8;
	s15 =	sadd.s32 $0xF0, s8;
	s16 =	sadd.s32 $0x140, s8  }
0x8: {  	s17 =	sadd.s32 $0x190, s8;
	s19 =	sadd.s32 $0x1E0, s8;
	s22 =	sadd.s32 $0x230, s8  }
0x9: {  	s1 =	sadd.s32 s2, s1;
	s31 =	ssub.s32 s3, s24;
	s2 =	smul.u32 $0x14000, s10  }
0xa: {  	s3 =	sshll.u32 s13, $0x7;
	s4 =	sshll.u32 s14, $0x7;
	s5 =	sshll.u32 s15, $0x7  }
0xb: {  	s6 =	sshll.u32 s16, $0x7;
	s7 =	sshll.u32 s17, $0x7;
	s9 =	sshll.u32 s19, $0x7  }
0xc: {  	s16 =	sshll.u32 s16, $0x4;
	s21 =	sadd.s32 s18, s3;
	s23 =	sadd.s32 s18, s5  }
0xd: {  	s24 =	sadd.s32 s18, s6;
	s1 =	sshrl.u32 s1, $0x3;
	s20 =	sadd.s32 s2, s18  }
0xe: {  	s26 =	sshrl.u32 s21, $0x3;
	s21 =	sadd.s32 s18, s4;
	s25 =	sshrl.u32 s20, $0x3  }
0xf: {  	s20 =	sadd.s32 s12, s26;
	s26 =	sshrl.u32 s24, $0x3;
	s8 =	sadd.s32 s12, s25  }
0x10: {  	[dreg:$0x7] =	wrdreg s20;
	s25 =	sshrl.u32 s23, $0x3;
	s20 =	sadd.s32 s12, s26  }
0x11: {  	s23 =	sadd.s32 s18, s9;
	[dreg:$0x6] =	wrdreg s8;
	s8 =	sshrl.u32 s21, $0x3  }
0x12: {  	[dreg:$0xa] =	wrdreg s20;
	s21 =	sadd.s32 s18, s7;
	s8 =	sadd.s32 s12, s8  }
0x13: {  	s20 =	sshll.u32 s22, $0x7;
	[dreg:$0x8] =	wrdreg s8;
	s8 =	sadd.s32 s12, s25  }
0x14: {  	s18 =	sadd.s32 s18, s20;
	[dreg:$0x9] =	wrdreg s8;
	s8 =	sshrl.u32 s21, $0x3  }
0x15: {  	s24 =	sshrl.u32 s23, $0x3;
	s18 =	sshrl.u32 s18, $0x3;
	s8 =	sadd.s32 s12, s8  }
0x16: {  	[dreg:$0xb] =	wrdreg s8;
	s8 =	sadd.s32 s12, s24;
	s12 =	sadd.s32 s12, s18  }
0x17: {  	s31 =	smax.u32 s31, $0x1;
	s23 =	sshll.u32 s17, $0x4;
	[dreg:$0xd] =	wrdreg s12  }
0x18: {  	s12 =	sshll.u32 s13, $0x4;
	s13 =	sshll.u32 s14, $0x4;
	s14 =	smul.u32 $0x2800, s10  }
0x19: {  	s21 =	sshll.u32 s15, $0x4;
	s24 =	sshll.u32 s19, $0x4;
	s18 =	rddreg [dreg:$0x2]  }
0x1a: {  	[dreg:$0xc] =	wrdreg s8;
	s8 =	simm.s32 $0x0;
	s25 =	sadd.s32 s14, s11  }
0x1b: {  	[smem:$0x7FF] =	sst s8;
	s26 =	sadd.s32 s11, s12;
	s15 =	sshrl.u32 s25, $0x3  }
0x1c: {  	s25 =	sshrl.u32 s26, $0x3;
	s19 =	sadd.s32 s18, s15;
	s15 =	rddreg [dreg:$0x0]  }
0x1d: {  	s26 =	sadd.s32 s11, s13;
	[dreg:$0xe] =	wrdreg s19;
	s19 =	sadd.s32 s18, s25  }
0x1e: {  	s25 =	sshrl.u32 s26, $0x3;
	s26 =	sadd.s32 s11, s21;
	[dreg:$0xf] =	wrdreg s19  }
0x1f: {  	s19 =	sadd.s32 s18, s25;
	s25 =	sshrl.u32 s26, $0x3;
	s26 =	sadd.s32 s11, s16  }
0x20: {  	[dreg:$0x10] =	wrdreg s19;
	s19 =	sadd.s32 s18, s25;
	s25 =	sshrl.u32 s26, $0x3  }
0x21: {  	s26 =	sadd.s32 s11, s23;
	[dreg:$0x11] =	wrdreg s19;
	s19 =	sadd.s32 s18, s25  }
0x22: {  	s22 =	sshll.u32 s22, $0x4;
	s17 =	sshrl.u32 s26, $0x3;
	[dreg:$0x12] =	wrdreg s19  }
0x23: {  	s10 =	sadd.s32 s1, s0;
	s25 =	sadd.s32 s18, s17;
	s17 =	rddreg [dreg:$0x3]  }
0x24: {  	s19 =	sadd.s32 s11, s24;
	s11 =	sadd.s32 s11, s22;
	[dreg:$0x13] =	wrdreg s25  }
0x25: {  	s25 =	sshrl.u32 s19, $0x3;
	s19 =	rddreg [dreg:$0x4];
	s11 =	sshrl.u32 s11, $0x3  }
0x26: {  	s28 =	sadd.s32 s4, s17;
	s1 =	sadd.s32 s7, s17;
	s26 =	sadd.s32 s18, s25  }
0x27: {  	s18 =	sadd.s32 s18, s11;
	s25 =	sadd.s32 $0x16600, s0;
	s11 =	sadd.s32 s5, s17  }
0x28: {  	s4 =	sadd.s32 s14, s19;
	s7 =	sadd.s32 s13, s19;
	[dreg:$0x14] =	wrdreg s26  }
0x29: {  	s5 =	sadd.s32 s16, s19;
	s29 =	sadd.s32 s24, s19;
	[dreg:$0x15] =	wrdreg s18  }
0x2a: {  	s26 =	sadd.s32 $0x16400, s0;
	_ =	strace $0x80000047;
	[dreg:$0x16] =	wrdreg s25  }
0x2b: {  	s30 =	sadd.s32 s22, s19;
	s0 =	sadd.s32 $0x16200, s0;
	[dreg:$0x17] =	wrdreg s26  }
0x2c: {  	s13 =	simm.s32 $0xA0;
	s14 =	simm.s32 $0x2;
	[dreg:$0x18] =	wrdreg s0  }
0x2d: {  	s16 =	simm.s32 $0x2DA0;
	s22 =	simm.s32 $0x1;
	[smem:$0x7FD] =	sst s31  }
0x2e: {  	s18 =	sadd.s32 s23, s19;
	s24 =	smov.u32 s11;
	[dreg:$0x19] =	wrdreg s5  }
0x2f: {  	s11 =	sadd.s32 $0x2600, s10;
	s23 =	simm.s32 $0x0;
	[dreg:$0x1a] =	wrdreg s18  }
0x30: {  	s25 =	sadd.s32 s2, s17;
	s26 =	sadd.s32 s3, s17;
	[dreg:$0x1c] =	wrdreg s29  }
0x31: {  	s0 =	sadd.s32 s6, s17;
	s2 =	sadd.s32 s9, s17;
	[dreg:$0x1d] =	wrdreg s28  }
0x32: {  	s3 =	sadd.s32 s20, s17;
	s6 =	sadd.s32 s12, s19;
	[dreg:$0x1e] =	wrdreg s30  }
0x33: {  	s9 =	sadd.s32 s21, s19;
	s12 =	sadd.s32 $0xC400, s10;
	[dreg:$0x1b] =	wrdreg s3  }
0x34: {  	s20 =	simm.s32 $0x28A0;
	s21 =	simm.s32 $0x50;
	[dreg:$0x1f] =	wrdreg s26  }
.LBB2_1:
0x35: {  	s10 =	rddreg [dreg:$0x16]  }
0x36: {  	[tilespmem:s13], [sflag:$0x2] =	stream.linear.gather [hbm4b:s10+s8], $0x2800, $0x38;
	[tilespmem:$0x19AA0] =	vst v63  }
0x37: {  	_ =	swait.ge [sflag:s14], $0x2800  }
0x38: {  	[sflag:s14] =	ssyncset.done $0x0  }
0x39: {  	[sflag:s14] =	ssyncadd.s32 $0xFFFFD800  }
0x3a: {  	[spmem:s25] =	stream.linear.scatter [tilespmem:s13], [sflag:$0x2], $0x2800, $0x38;
	[tilespmem:$0x19AA0] =	vst v63  }
0x3b: {  	_ =	swait.ge [sflag:s14], $0x2800  }
0x3c: {  	[sflag:s14] =	ssyncset.done $0x0  }
0x3d: {  	[sflag:s14] =	ssyncadd.s32 $0xFFFFD800  }
0x3e: {  	[spmem:s26] =	stream.linear.scatter [tilespmem:s13], [sflag:$0x2], $0x2800, $0x38;
	[tilespmem:$0x19AA0] =	vst v63  }
0x3f: {  	_ =	swait.ge [sflag:s14], $0x2800  }
0x40: {  	[sflag:s14] =	ssyncset.done $0x0  }
0x41: {  	[sflag:s14] =	ssyncadd.s32 $0xFFFFD800  }
0x42: {  	[spmem:s28] =	stream.linear.scatter [tilespmem:s13], [sflag:$0x2], $0x2800, $0x38;
	[tilespmem:$0x19AA0] =	vst v63  }
0x43: {  	_ =	swait.ge [sflag:s14], $0x2800  }
0x44: {  	[sflag:s14] =	ssyncset.done $0x0  }
0x45: {  	[sflag:s14] =	ssyncadd.s32 $0xFFFFD800  }
0x46: {  	[spmem:s24] =	stream.linear.scatter [tilespmem:s13], [sflag:$0x2], $0x2800, $0x38;
	[tilespmem:$0x19AA0] =	vst v63  }
0x47: {  	_ =	swait.ge [sflag:s14], $0x2800  }
0x48: {  	[sflag:s14] =	ssyncset.done $0x0  }
0x49: {  	[sflag:s14] =	ssyncadd.s32 $0xFFFFD800  }
0x4a: {  	[spmem:s0] =	stream.linear.scatter [tilespmem:s13], [sflag:$0x2], $0x2800, $0x38;
	[tilespmem:$0x19AA0] =	vst v63  }
0x4b: {  	_ =	swait.ge [sflag:s14], $0x2800  }
0x4c: {  	[sflag:s14] =	ssyncset.done $0x0  }
0x4d: {  	[sflag:s14] =	ssyncadd.s32 $0xFFFFD800  }
0x4e: {  	[spmem:s1] =	stream.linear.scatter [tilespmem:s13], [sflag:$0x2], $0x2800, $0x38;
	[tilespmem:$0x19AA0] =	vst v63  }
0x4f: {  	_ =	swait.ge [sflag:s14], $0x2800  }
0x50: {  	[sflag:s14] =	ssyncset.done $0x0  }
0x51: {  	[sflag:s14] =	ssyncadd.s32 $0xFFFFD800  }
0x52: {  	[spmem:s2] =	stream.linear.scatter [tilespmem:s13], [sflag:$0x2], $0x2800, $0x38;
	[tilespmem:$0x19AA0] =	vst v63  }
0x53: {  	_ =	swait.ge [sflag:s14], $0x2800  }
0x54: {  	[sflag:s14] =	ssyncset.done $0x0  }
0x55: {  	s10 =	smov.u32 s3;
	[sflag:s14] =	ssyncadd.s32 $0xFFFFD800  }
0x56: {  	[spmem:s10] =	stream.linear.scatter [tilespmem:s13], [sflag:$0x2], $0x2800, $0x38;
	[tilespmem:$0x19AA0] =	vst v63  }
0x57: {  	_ =	swait.ge [sflag:s14], $0x2800  }
0x58: {  	[sflag:s14] =	ssyncset.done $0x0  }
0x59: {  	s3 =	smov.u32 s24;
	s24 =	rddreg [dreg:$0x17];
	[sflag:s14] =	ssyncadd.s32 $0xFFFFD800  }
0x5a: {  	[tilespmem:s16], [sflag:$0x2] =	stream.linear.gather [hbm4b:s24+s8], $0x500, $0x38;
	[tilespmem:$0x19AA0] =	vst v63  }
0x5b: {  	_ =	swait.ge [sflag:s14], $0x500  }
0x5c: {  	[sflag:s14] =	ssyncset.done $0x0  }
0x5d: {  	[sflag:s14] =	ssyncadd.s32 $0xFFFFFB00  }
0x5e: {  	[spmem:s4] =	stream.linear.scatter [tilespmem:s16], [sflag:$0x2], $0x500, $0x38;
	[tilespmem:$0x19AA0] =	vst v63  }
0x5f: {  	_ =	swait.ge [sflag:s14], $0x500  }
0x60: {  	[sflag:s14] =	ssyncset.done $0x0  }
0x61: {  	[sflag:s14] =	ssyncadd.s32 $0xFFFFFB00  }
0x62: {  	[spmem:s6] =	stream.linear.scatter [tilespmem:s16], [sflag:$0x2], $0x500, $0x38;
	[tilespmem:$0x19AA0] =	vst v63  }
0x63: {  	_ =	swait.ge [sflag:s14], $0x500  }
0x64: {  	[sflag:s14] =	ssyncset.done $0x0  }
0x65: {  	[sflag:s14] =	ssyncadd.s32 $0xFFFFFB00  }
0x66: {  	[spmem:s7] =	stream.linear.scatter [tilespmem:s16], [sflag:$0x2], $0x500, $0x38;
	[tilespmem:$0x19AA0] =	vst v63  }
0x67: {  	_ =	swait.ge [sflag:s14], $0x500  }
0x68: {  	[sflag:s14] =	ssyncset.done $0x0  }
0x69: {  	[sflag:s14] =	ssyncadd.s32 $0xFFFFFB00  }
0x6a: {  	[spmem:s9] =	stream.linear.scatter [tilespmem:s16], [sflag:$0x2], $0x500, $0x38;
	[tilespmem:$0x19AA0] =	vst v63  }
0x6b: {  	_ =	swait.ge [sflag:s14], $0x500  }
0x6c: {  	[sflag:s14] =	ssyncset.done $0x0  }
0x6d: {  	s31 =	smov.u32 s25;
	s25 =	smov.u32 s5;
	[sflag:s14] =	ssyncadd.s32 $0xFFFFFB00  }
0x6e: {  	[spmem:s25] =	stream.linear.scatter [tilespmem:s16], [sflag:$0x2], $0x500, $0x38;
	[tilespmem:$0x19AA0] =	vst v63  }
0x6f: {  	_ =	swait.ge [sflag:s14], $0x500  }
0x70: {  	[sflag:s14] =	ssyncset.done $0x0  }
0x71: {  	[sflag:s14] =	ssyncadd.s32 $0xFFFFFB00  }
0x72: {  	[spmem:s18] =	stream.linear.scatter [tilespmem:s16], [sflag:$0x2], $0x500, $0x38;
	[tilespmem:$0x19AA0] =	vst v63  }
0x73: {  	_ =	swait.ge [sflag:s14], $0x500  }
0x74: {  	[sflag:s14] =	ssyncset.done $0x0  }
0x75: {  	[sflag:s14] =	ssyncadd.s32 $0xFFFFFB00  }
0x76: {  	[spmem:s29] =	stream.linear.scatter [tilespmem:s16], [sflag:$0x2], $0x500, $0x38;
	[tilespmem:$0x19AA0] =	vst v63  }
0x77: {  	_ =	swait.ge [sflag:s14], $0x500  }
0x78: {  	[sflag:s14] =	ssyncset.done $0x0  }
0x79: {  	[sflag:s14] =	ssyncadd.s32 $0xFFFFFB00  }
0x7a: {  	[spmem:s30] =	stream.linear.scatter [tilespmem:s16], [sflag:$0x2], $0x500, $0x38;
	[tilespmem:$0x19AA0] =	vst v63  }
0x7b: {  	_ =	swait.ge [sflag:s14], $0x500  }
0x7c: {  	[sflag:s14] =	ssyncset.done $0x0  }
0x7d: {  	s28 =	rddreg [dreg:$0x18];
	[sflag:s14] =	ssyncadd.s32 $0xFFFFFB00  }
0x7e: {  	[tilespmem:s20], [sflag:$0x2] =	stream.linear.gather [hbm4b:s28+s8], $0x500, $0x38;
	[tilespmem:$0x19AA0] =	vst v63  }
0x7f: {  	_ =	swait.ge [sflag:s14], $0x500  }
0x80: {  	[sflag:s14] =	ssyncset.done $0x0  }
0x81: {  	[sflag:s14] =	ssyncadd.s32 $0xFFFFFB00  }
0x82: {  	s29 =	sadd.s32 $0x0, s12;
	[bflag:$0x0] =	sbarrier.arrive $0xFFFF  }
0x83: {  	[tilespmem:s8], [sflag:$0x2] =	stream.linear.gather [hbm4b:s29+s8], $0x50, $0x38;
	[tilespmem:$0x19AA0] =	vst v63  }
0x84: {  	_ =	swait.ge [sflag:s14], $0x50  }
0x85: {  	[sflag:s14] =	ssyncset.done $0x0  }
0x86: {  	s30 =	sadd.s32 $0x0, s11;
	[sflag:s14] =	ssyncadd.s32 $0xFFFFFFB0  }
0x87: {  	[tilespmem:s21], [sflag:$0x2] =	stream.linear.gather [hbm4b:s30+s8], $0x50, $0x38;
	[tilespmem:$0x19AA0] =	vst v63  }
0x88: {  	_ =	swait.ge [sflag:s14], $0x50  }
0x89: {  	[sflag:s14] =	ssyncset.done $0x0  }
0x8a: {  	[sflag:s14] =	ssyncadd.s32 $0xFFFFFFB0  }
0x8b: {  	[tilespmem:s13], [sflag:$0x1] =	stream.indirect.gather [hbm4b:s15+s21], $0x80, s8, s21, $0xb8;
	[tilespmem:$0x19AA0] =	vst v63  }
0x8c: {  	_ =	swait.ge [sflag:s22], $0x2800  }
0x8d: {  	[sflag:s22] =	ssyncset.done $0x0  }
0x8e: {  	[sflag:s22] =	ssyncadd.s32 $0xFFFFD800  }
0x8f: {  	[spmem:s17] =	stream.indirect.scatter.add.f32 [tilespmem:s13], [sflag:$0x2], $0x80, s21, s21, $0xb8;
	[tilespmem:$0x19AA0] =	vst v63  }
0x90: {  	_ =	swait.ge [sflag:s14], $0x2800  }
0x91: {  	[sflag:s14] =	ssyncset.done $0x0  }
0x92: {  	[sflag:s14] =	ssyncadd.s32 $0xFFFFD800  }
0x93: {  	[spmem:s19] =	stream.indirect.scatter.add.f32 [tilespmem:s20], [sflag:$0x2], $0x10, s21, s21, $0xb8;
	[tilespmem:$0x19AA0] =	vst v63  }
0x94: {  	s5 =	smov.u32 s4;
	_ =	swait.ge [sflag:s14], $0x500  }
0x95: {  	s10 =	simm.s32 $0x14;
	s24 =	simm.s32 $0xA;
	[sflag:s14] =	ssyncset.done $0x0  }
.LBB2_2:
0x96: {  	s25 =	sadd.s32 s24, s12  }
0x97: {  	[sflag:s14] =	ssyncadd.s32 $0xFFFFFB00;
	s26 =	smov.u32 s10;
	s28 =	sadd.s32 $0xA, s10  }
0x98: {  	[tilespmem:s8], [sflag:$0x2] =	stream.linear.gather [hbm4b:s25+s8], $0x50, $0x38;
	[tilespmem:$0x19AA0] =	vst v63  }
0x99: {  	p0 =	sne.s32 s10, $0x4D8;
	_ =	swait.ge [sflag:s14], $0x50  }
0x9a: {  	[sflag:s14] =	ssyncset.done $0x0  }
0x9b: {  	s10 =	sadd.s32 s24, s11;
	s24 =	smov.u32 s26;
	[sflag:s14] =	ssyncadd.s32 $0xFFFFFFB0  }
0x9c: {  	[tilespmem:s21], [sflag:$0x2] =	stream.linear.gather [hbm4b:s10+s8], $0x50, $0x38;
	[tilespmem:$0x19AA0] =	vst v63  }
0x9d: {  	_ =	swait.ge [sflag:s14], $0x50  }
0x9e: {  	[sflag:s14] =	ssyncset.done $0x0  }
0x9f: {  	[sflag:s14] =	ssyncadd.s32 $0xFFFFFFB0  }
0xa0: {  	[tilespmem:s13], [sflag:$0x1] =	stream.indirect.gather [hbm4b:s15+s21], $0x80, s8, s21, $0xb8;
	[tilespmem:$0x19AA0] =	vst v63  }
0xa1: {  	_ =	swait.ge [sflag:s22], $0x2800  }
0xa2: {  	[sflag:s22] =	ssyncset.done $0x0  }
0xa3: {  	[sflag:s22] =	ssyncadd.s32 $0xFFFFD800  }
0xa4: {  	[spmem:s17] =	stream.indirect.scatter.add.f32 [tilespmem:s13], [sflag:$0x2], $0x80, s21, s21, $0xb8;
	[tilespmem:$0x19AA0] =	vst v63  }
0xa5: {  	_ =	swait.ge [sflag:s14], $0x2800  }
.Ltmp0:
0xa6: {  	[sflag:s14] =	ssyncset.done $0x0;
	(pc) =	sbr.rel @p0 .LBB2_2-.Ltmp0, $4  }
0xa7: {  	[sflag:s14] =	ssyncadd.s32 $0xFFFFD800  }
0xa8: {  	[spmem:s19] =	stream.indirect.scatter.add.f32 [tilespmem:s20], [sflag:$0x2], $0x10, s21, s21, $0xb8;
	[tilespmem:$0x19AA0] =	vst v63  }
0xa9: {  	_ =	swait.ge [sflag:s14], $0x500  }
0xaa: {  	s10 =	smov.u32 s28;
	[sflag:s14] =	ssyncset.done $0x0  }
0xab: {  	s10 =	sadd.s32 s24, s12;
	[sflag:s14] =	ssyncadd.s32 $0xFFFFFB00  }
0xac: {  	[tilespmem:s8], [sflag:$0x2] =	stream.linear.gather [hbm4b:s10+s8], $0x50, $0x38;
	[tilespmem:$0x19AA0] =	vst v63  }
0xad: {  	_ =	swait.ge [sflag:s14], $0x50  }
0xae: {  	[sflag:s14] =	ssyncset.done $0x0  }
0xaf: {  	s4 =	sadd.s32 s24, s11;
	[sflag:s14] =	ssyncadd.s32 $0xFFFFFFB0  }
0xb0: {  	[tilespmem:s21], [sflag:$0x2] =	stream.linear.gather [hbm4b:s4+s8], $0x50, $0x38;
	[tilespmem:$0x19AA0] =	vst v63  }
0xb1: {  	_ =	swait.ge [sflag:s14], $0x50  }
0xb2: {  	[sflag:s14] =	ssyncset.done $0x0  }
0xb3: {  	[sflag:s14] =	ssyncadd.s32 $0xFFFFFFB0  }
0xb4: {  	[tilespmem:s13], [sflag:$0x1] =	stream.indirect.gather [hbm4b:s15+s21], $0x80, s8, s21, $0xb8;
	[tilespmem:$0x19AA0] =	vst v63  }
0xb5: {  	_ =	swait.ge [sflag:s22], $0x2800  }
0xb6: {  	[sflag:s22] =	ssyncset.done $0x0  }
0xb7: {  	[sflag:s22] =	ssyncadd.s32 $0xFFFFD800  }
0xb8: {  	[spmem:s17] =	stream.indirect.scatter.add.f32 [tilespmem:s13], [sflag:$0x2], $0x80, s21, s21, $0xb8;
	[tilespmem:$0x19AA0] =	vst v63  }
0xb9: {  	_ =	swait.ge [sflag:s14], $0x2800  }
0xba: {  	[sflag:s14] =	ssyncset.done $0x0  }
0xbb: {  	[sflag:s14] =	ssyncadd.s32 $0xFFFFD800  }
0xbc: {  	[spmem:s19] =	stream.indirect.scatter.add.f32 [tilespmem:s20], [sflag:$0x2], $0x10, s21, s21, $0xb8;
	[tilespmem:$0x19AA0] =	vst v63  }
0xbd: {  	_ =	swait.ge [sflag:s14], $0x500  }
0xbe: {  	[sflag:s14] =	ssyncset.done $0x0  }
0xbf: {  	[sflag:s14] =	ssyncadd.s32 $0xFFFFFB00  }
0xc0: {  	[bflag:$0x0] =	sbarrier.arrive $0xFFFF  }
0xc1: {  	[tilespmem:s13], [sflag:$0x2] =	stream.linear.gather [spmem:s31], $0x2800, $0x38;
	[tilespmem:$0x19AA0] =	vst v63  }
0xc2: {  	_ =	swait.ge [sflag:s14], $0x2800  }
0xc3: {  	[sflag:s14] =	ssyncset.done $0x0  }
0xc4: {  	s18 =	rddreg [dreg:$0x6];
	[sflag:s14] =	ssyncadd.s32 $0xFFFFD800  }
0xc5: {  	[hbm4b:s18+s8] =	stream.linear.scatter [tilespmem:s13], [sflag:$0x2], $0x2800, $0x38;
	[tilespmem:$0x19AA0] =	vst v63  }
0xc6: {  	_ =	swait.ge [sflag:s14], $0x2800  }
0xc7: {  	[sflag:s14] =	ssyncset.done $0x0  }
0xc8: {  	s26 =	rddreg [dreg:$0x1f];
	[sflag:s14] =	ssyncadd.s32 $0xFFFFD800  }
0xc9: {  	[tilespmem:s13], [sflag:$0x2] =	stream.linear.gather [spmem:s26], $0x2800, $0x38;
	[tilespmem:$0x19AA0] =	vst v63  }
0xca: {  	_ =	swait.ge [sflag:s14], $0x2800  }
0xcb: {  	[sflag:s14] =	ssyncset.done $0x0  }
0xcc: {  	s24 =	rddreg [dreg:$0x7];
	[sflag:s14] =	ssyncadd.s32 $0xFFFFD800  }
0xcd: {  	[hbm4b:s24+s8] =	stream.linear.scatter [tilespmem:s13], [sflag:$0x2], $0x2800, $0x38;
	[tilespmem:$0x19AA0] =	vst v63  }
0xce: {  	_ =	swait.ge [sflag:s14], $0x2800  }
0xcf: {  	[sflag:s14] =	ssyncset.done $0x0  }
0xd0: {  	s28 =	rddreg [dreg:$0x1d];
	[sflag:s14] =	ssyncadd.s32 $0xFFFFD800  }
0xd1: {  	[tilespmem:s13], [sflag:$0x2] =	stream.linear.gather [spmem:s28], $0x2800, $0x38;
	[tilespmem:$0x19AA0] =	vst v63  }
0xd2: {  	_ =	swait.ge [sflag:s14], $0x2800  }
0xd3: {  	[sflag:s14] =	ssyncset.done $0x0  }
0xd4: {  	s25 =	smov.u32 s31;
	s31 =	rddreg [dreg:$0x8];
	[sflag:s14] =	ssyncadd.s32 $0xFFFFD800  }
0xd5: {  	[hbm4b:s31+s8] =	stream.linear.scatter [tilespmem:s13], [sflag:$0x2], $0x2800, $0x38;
	[tilespmem:$0x19AA0] =	vst v63  }
0xd6: {  	_ =	swait.ge [sflag:s14], $0x2800  }
0xd7: {  	[sflag:s14] =	ssyncset.done $0x0  }
0xd8: {  	[sflag:s14] =	ssyncadd.s32 $0xFFFFD800  }
0xd9: {  	[tilespmem:s13], [sflag:$0x2] =	stream.linear.gather [spmem:s3], $0x2800, $0x38;
	[tilespmem:$0x19AA0] =	vst v63  }
0xda: {  	_ =	swait.ge [sflag:s14], $0x2800  }
0xdb: {  	[sflag:s14] =	ssyncset.done $0x0  }
0xdc: {  	s4 =	rddreg [dreg:$0x9];
	[sflag:s14] =	ssyncadd.s32 $0xFFFFD800  }
0xdd: {  	[hbm4b:s4+s8] =	stream.linear.scatter [tilespmem:s13], [sflag:$0x2], $0x2800, $0x38;
	[tilespmem:$0x19AA0] =	vst v63  }
0xde: {  	_ =	swait.ge [sflag:s14], $0x2800  }
0xdf: {  	[sflag:s14] =	ssyncset.done $0x0  }
0xe0: {  	[sflag:s14] =	ssyncadd.s32 $0xFFFFD800  }
0xe1: {  	[tilespmem:s13], [sflag:$0x2] =	stream.linear.gather [spmem:s0], $0x2800, $0x38;
	[tilespmem:$0x19AA0] =	vst v63  }
0xe2: {  	_ =	swait.ge [sflag:s14], $0x2800  }
0xe3: {  	[sflag:s14] =	ssyncset.done $0x0  }
0xe4: {  	s18 =	rddreg [dreg:$0xa];
	[sflag:s14] =	ssyncadd.s32 $0xFFFFD800  }
0xe5: {  	[hbm4b:s18+s8] =	stream.linear.scatter [tilespmem:s13], [sflag:$0x2], $0x2800, $0x38;
	[tilespmem:$0x19AA0] =	vst v63  }
0xe6: {  	_ =	swait.ge [sflag:s14], $0x2800  }
0xe7: {  	[sflag:s14] =	ssyncset.done $0x0  }
0xe8: {  	[sflag:s14] =	ssyncadd.s32 $0xFFFFD800  }
0xe9: {  	[tilespmem:s13], [sflag:$0x2] =	stream.linear.gather [spmem:s1], $0x2800, $0x38;
	[tilespmem:$0x19AA0] =	vst v63  }
0xea: {  	_ =	swait.ge [sflag:s14], $0x2800  }
0xeb: {  	[sflag:s14] =	ssyncset.done $0x0  }
0xec: {  	s31 =	rddreg [dreg:$0xb];
	[sflag:s14] =	ssyncadd.s32 $0xFFFFD800  }
0xed: {  	[hbm4b:s31+s8] =	stream.linear.scatter [tilespmem:s13], [sflag:$0x2], $0x2800, $0x38;
	[tilespmem:$0x19AA0] =	vst v63  }
0xee: {  	_ =	swait.ge [sflag:s14], $0x2800  }
0xef: {  	[sflag:s14] =	ssyncset.done $0x0  }
0xf0: {  	[sflag:s14] =	ssyncadd.s32 $0xFFFFD800  }
0xf1: {  	[tilespmem:s13], [sflag:$0x2] =	stream.linear.gather [spmem:s2], $0x2800, $0x38;
	[tilespmem:$0x19AA0] =	vst v63  }
0xf2: {  	_ =	swait.ge [sflag:s14], $0x2800  }
0xf3: {  	[sflag:s14] =	ssyncset.done $0x0  }
0xf4: {  	s24 =	smov.u32 s3;
	s3 =	rddreg [dreg:$0xc];
	[sflag:s14] =	ssyncadd.s32 $0xFFFFD800  }
0xf5: {  	[hbm4b:s3+s8] =	stream.linear.scatter [tilespmem:s13], [sflag:$0x2], $0x2800, $0x38;
	[tilespmem:$0x19AA0] =	vst v63  }
0xf6: {  	_ =	swait.ge [sflag:s14], $0x2800  }
0xf7: {  	[sflag:s14] =	ssyncset.done $0x0  }
0xf8: {  	s3 =	rddreg [dreg:$0x1b];
	[sflag:s14] =	ssyncadd.s32 $0xFFFFD800  }
0xf9: {  	[tilespmem:s13], [sflag:$0x2] =	stream.linear.gather [spmem:s3], $0x2800, $0x38;
	[tilespmem:$0x19AA0] =	vst v63  }
0xfa: {  	_ =	swait.ge [sflag:s14], $0x2800  }
0xfb: {  	[sflag:s14] =	ssyncset.done $0x0  }
0xfc: {  	s4 =	rddreg [dreg:$0xd];
	[sflag:s14] =	ssyncadd.s32 $0xFFFFD800  }
0xfd: {  	[hbm4b:s4+s8] =	stream.linear.scatter [tilespmem:s13], [sflag:$0x2], $0x2800, $0x38;
	[tilespmem:$0x19AA0] =	vst v63  }
0xfe: {  	_ =	swait.ge [sflag:s14], $0x2800  }
0xff: {  	[sflag:s14] =	ssyncset.done $0x0  }
0x100: {  	[sflag:s14] =	ssyncadd.s32 $0xFFFFD800  }
0x101: {  	[tilespmem:s16], [sflag:$0x2] =	stream.linear.gather [spmem:s5], $0x500, $0x38;
	[tilespmem:$0x19AA0] =	vst v63  }
0x102: {  	_ =	swait.ge [sflag:s14], $0x500  }
0x103: {  	[sflag:s14] =	ssyncset.done $0x0  }
0x104: {  	s4 =	smov.u32 s5;
	s5 =	rddreg [dreg:$0xe];
	[sflag:s14] =	ssyncadd.s32 $0xFFFFFB00  }
0x105: {  	[hbm4b:s5+s8] =	stream.linear.scatter [tilespmem:s16], [sflag:$0x2], $0x500, $0x38;
	[tilespmem:$0x19AA0] =	vst v63  }
0x106: {  	_ =	swait.ge [sflag:s14], $0x500  }
0x107: {  	[sflag:s14] =	ssyncset.done $0x0  }
0x108: {  	[sflag:s14] =	ssyncadd.s32 $0xFFFFFB00  }
0x109: {  	[tilespmem:s16], [sflag:$0x2] =	stream.linear.gather [spmem:s6], $0x500, $0x38;
	[tilespmem:$0x19AA0] =	vst v63  }
0x10a: {  	_ =	swait.ge [sflag:s14], $0x500  }
0x10b: {  	[sflag:s14] =	ssyncset.done $0x0  }
0x10c: {  	s18 =	rddreg [dreg:$0xf];
	[sflag:s14] =	ssyncadd.s32 $0xFFFFFB00  }
0x10d: {  	[hbm4b:s18+s8] =	stream.linear.scatter [tilespmem:s16], [sflag:$0x2], $0x500, $0x38;
	[tilespmem:$0x19AA0] =	vst v63  }
0x10e: {  	_ =	swait.ge [sflag:s14], $0x500  }
0x10f: {  	[sflag:s14] =	ssyncset.done $0x0  }
0x110: {  	[sflag:s14] =	ssyncadd.s32 $0xFFFFFB00  }
0x111: {  	[tilespmem:s16], [sflag:$0x2] =	stream.linear.gather [spmem:s7], $0x500, $0x38;
	[tilespmem:$0x19AA0] =	vst v63  }
0x112: {  	_ =	swait.ge [sflag:s14], $0x500  }
0x113: {  	[sflag:s14] =	ssyncset.done $0x0  }
0x114: {  	s31 =	rddreg [dreg:$0x10];
	[sflag:s14] =	ssyncadd.s32 $0xFFFFFB00  }
0x115: {  	[hbm4b:s31+s8] =	stream.linear.scatter [tilespmem:s16], [sflag:$0x2], $0x500, $0x38;
	[tilespmem:$0x19AA0] =	vst v63  }
0x116: {  	_ =	swait.ge [sflag:s14], $0x500  }
0x117: {  	[sflag:s14] =	ssyncset.done $0x0  }
0x118: {  	[sflag:s14] =	ssyncadd.s32 $0xFFFFFB00  }
0x119: {  	[tilespmem:s16], [sflag:$0x2] =	stream.linear.gather [spmem:s9], $0x500, $0x38;
	[tilespmem:$0x19AA0] =	vst v63  }
0x11a: {  	_ =	swait.ge [sflag:s14], $0x500  }
0x11b: {  	[sflag:s14] =	ssyncset.done $0x0  }
0x11c: {  	s5 =	rddreg [dreg:$0x11];
	[sflag:s14] =	ssyncadd.s32 $0xFFFFFB00  }
0x11d: {  	[hbm4b:s5+s8] =	stream.linear.scatter [tilespmem:s16], [sflag:$0x2], $0x500, $0x38;
	[tilespmem:$0x19AA0] =	vst v63  }
0x11e: {  	_ =	swait.ge [sflag:s14], $0x500  }
0x11f: {  	[sflag:s14] =	ssyncset.done $0x0  }
0x120: {  	s5 =	rddreg [dreg:$0x19];
	[sflag:s14] =	ssyncadd.s32 $0xFFFFFB00  }
0x121: {  	[tilespmem:s16], [sflag:$0x2] =	stream.linear.gather [spmem:s5], $0x500, $0x38;
	[tilespmem:$0x19AA0] =	vst v63  }
0x122: {  	_ =	swait.ge [sflag:s14], $0x500  }
0x123: {  	[sflag:s14] =	ssyncset.done $0x0  }
0x124: {  	s18 =	rddreg [dreg:$0x12];
	[sflag:s14] =	ssyncadd.s32 $0xFFFFFB00  }
0x125: {  	[hbm4b:s18+s8] =	stream.linear.scatter [tilespmem:s16], [sflag:$0x2], $0x500, $0x38;
	[tilespmem:$0x19AA0] =	vst v63  }
0x126: {  	_ =	swait.ge [sflag:s14], $0x500  }
0x127: {  	[sflag:s14] =	ssyncset.done $0x0  }
0x128: {  	s18 =	rddreg [dreg:$0x1a];
	[sflag:s14] =	ssyncadd.s32 $0xFFFFFB00  }
0x129: {  	[tilespmem:s16], [sflag:$0x2] =	stream.linear.gather [spmem:s18], $0x500, $0x38;
	[tilespmem:$0x19AA0] =	vst v63  }
0x12a: {  	_ =	swait.ge [sflag:s14], $0x500  }
0x12b: {  	[sflag:s14] =	ssyncset.done $0x0  }
0x12c: {  	s31 =	rddreg [dreg:$0x13];
	[sflag:s14] =	ssyncadd.s32 $0xFFFFFB00  }
0x12d: {  	[hbm4b:s31+s8] =	stream.linear.scatter [tilespmem:s16], [sflag:$0x2], $0x500, $0x38;
	[tilespmem:$0x19AA0] =	vst v63  }
0x12e: {  	_ =	swait.ge [sflag:s14], $0x500  }
0x12f: {  	[sflag:s14] =	ssyncset.done $0x0  }
0x130: {  	s29 =	rddreg [dreg:$0x1c];
	[sflag:s14] =	ssyncadd.s32 $0xFFFFFB00  }
0x131: {  	[tilespmem:s16], [sflag:$0x2] =	stream.linear.gather [spmem:s29], $0x500, $0x38;
	[tilespmem:$0x19AA0] =	vst v63  }
0x132: {  	_ =	swait.ge [sflag:s14], $0x500  }
0x133: {  	[sflag:s14] =	ssyncset.done $0x0  }
0x134: {  	s31 =	rddreg [dreg:$0x14];
	[sflag:s14] =	ssyncadd.s32 $0xFFFFFB00  }
0x135: {  	[hbm4b:s31+s8] =	stream.linear.scatter [tilespmem:s16], [sflag:$0x2], $0x500, $0x38;
	[tilespmem:$0x19AA0] =	vst v63  }
0x136: {  	_ =	swait.ge [sflag:s14], $0x500  }
0x137: {  	[sflag:s14] =	ssyncset.done $0x0  }
0x138: {  	s30 =	rddreg [dreg:$0x1e];
	[sflag:s14] =	ssyncadd.s32 $0xFFFFFB00  }
0x139: {  	[tilespmem:s16], [sflag:$0x2] =	stream.linear.gather [spmem:s30], $0x500, $0x38;
	[tilespmem:$0x19AA0] =	vst v63  }
0x13a: {  	_ =	swait.ge [sflag:s14], $0x500  }
0x13b: {  	[sflag:s14] =	ssyncset.done $0x0  }
0x13c: {  	s31 =	rddreg [dreg:$0x15];
	[sflag:s14] =	ssyncadd.s32 $0xFFFFFB00  }
0x13d: {  	[hbm4b:s31+s8] =	stream.linear.scatter [tilespmem:s16], [sflag:$0x2], $0x500, $0x38;
	[tilespmem:$0x19AA0] =	vst v63  }
0x13e: {  	_ =	swait.ge [sflag:s14], $0x500  }
0x13f: {  	s31 =	sld [smem:$0x7FD];
	_ =	sdelay $0x1  }
0x140: {  	s23 =	sadd.s32 $0x1, s23  }
0x141: {  	p0 =	sne.s32 s23, s31  }
.Ltmp1:
0x142: {  	_ = 	snop;
	(pc) =	sbr.rel @p0 .LBB2_1-.Ltmp1, $3  }
0x143: {  	_ =	sdelay $0x1  }
0x144: {  	[sflag:s14] =	ssyncset.done $0x0  }
0x145: {  	[sflag:s14] =	ssyncadd.s32 $0xFFFFFB00  }
0x146: {  	_ =	sfence.sel $0x180000  }
0x147: {  	[bflag:$0x0] =	sbarrier.arrive $0xFFFF  }
0x148: {  	_ =	strace $0x90000047  }
0x149: {  	s0 =	stileid.u32;
	[bflag:$0x2] =	sbarrier.arrive $0xFFFF  }
0x14a: {  	p0 =	sne.s32 s0, $0x0;
	s0 =	rddreg [dreg:$0x5]  }
0x14b: {  	s0 =	sadd.s32 @!p0 $0x100000, s0  }
0x14c: {  	[sflag:s0] =	ssyncadd.tile.s32 @!p0 $0x1;
	_ =	shalt  }
.Lfunc_end2:
_tile_overlayer_lowered:
.L_overlay_start_2:
0x14d: {  	(tag) =	ssettag $0x2  }
0x14e: {  	s0 =	rddreg [dreg:$0x0];
	s2 =	stileid.u32  }
0x14f: {  	s1 =	rddreg [dreg:$0x1];
	p0 =	sne.s32 s2, $0x0  }
0x150: {  	s3 =	rddreg [dreg:$0x2];
	[bflag:$0x3] =	sbarrier.arrive $0xFFFF;
	s2 =	simm.s32 @!p0 $0x1C02  }
0x151: {  	[timem:s3], [sflag:s2] =	dma.local @!p0 [hbm:s0], s1  }
0x152: {  	s0 =	simm.s32 @!p0 $0x2  }
0x153: {  	_ =	swait.ge @!p0 [sflag:s0], s1  }
0x154: {  	s1 =	ssub.s32 @!p0 $0x0, s1;
	[sflag:s0] =	ssyncset.done @!p0 $0x0  }
0x155: {  	[sflag:s0] =	ssyncadd.s32 @!p0 s1  }
0x156: {  	[bflag:$0x3] =	sbarrier.arrive $0xFFFF  }
0x157: {  	_ =	shalt  }

</sc_bundles>
